<compile_context>
chip_gen: v7x
topology: tpu7x:2x2x1
jax: 0.10.2.dev20260603
libtpu: 0.0.44.dev20260713+nightly
codegen_flags: <defaults>
</compile_context>

<pallas_src>
import functools

import jax
import jax.numpy as jnp
from jax import lax
from jax.experimental import pallas as pl
from jax.experimental.pallas import tpu as pltpu
from jax.experimental.pallas import tpu_sc as plsc

_VOCAB = 1000000
_DIM = 64
_B = 16384
_NNEG = 20

_NC = 2
_NS = 16
_NW = _NC * _NS
_CB = _B // _NW
_E = 16
_NCHUNK = _CB // _E
_NPC = _E * _NNEG
_NIW = 80
_NIR = _NPC // _NIW


def _sc_scores(pu, pv, ng, uw128, vw128):
    mesh = plsc.VectorSubcoreMesh(core_axis_name="c", subcore_axis_name="s")

    @functools.partial(
        pl.kernel,
        out_type=[
            jax.ShapeDtypeStruct((_NW, _NCHUNK, _E), jnp.float32),
            jax.ShapeDtypeStruct((_NW, _NCHUNK, _NPC), jnp.float32),
        ],
        mesh=mesh,
        compiler_params=pltpu.CompilerParams(
            needs_layout_passes=False, use_tc_tiling_on_sc=False),
        scratch_types=[
            pltpu.VMEM((_NCHUNK, _E), jnp.int32),
            pltpu.VMEM((_NCHUNK, _E), jnp.int32),
            pltpu.VMEM((_NCHUNK, _NIR, _NIW), jnp.int32),
            pltpu.VMEM((2, _E, 128), jnp.float32),
            pltpu.VMEM((2, _E, 128), jnp.float32),
            pltpu.VMEM((2, _NPC, 128), jnp.float32),
            pltpu.VMEM((_E,), jnp.float32),
            pltpu.VMEM((_NPC,), jnp.float32),
            pltpu.SemaphoreType.DMA,
            pltpu.SemaphoreType.DMA,
        ],
    )
    def k(pu_hbm, pv_hbm, ng_hbm, uw_hbm, vw_hbm, pos_out, neg_out,
          uidx, vidx, nidx, ubuf, vbuf, nbuf, pbuf, sbuf, sem0, sem1):
        w = lax.axis_index("s") * _NC + lax.axis_index("c")
        pltpu.sync_copy(pu_hbm.at[w], uidx)
        pltpu.sync_copy(pv_hbm.at[w], vidx)
        pltpu.sync_copy(ng_hbm.at[w], nidx)

        def copies(c, pb, sem, make):
            yield make(uw_hbm.at[uidx.at[c]], ubuf.at[pb], sem)
            yield make(vw_hbm.at[vidx.at[c]], vbuf.at[pb], sem)
            for j in range(_NIR):
                yield make(vw_hbm.at[nidx.at[c, j]],
                           nbuf.at[pb, pl.ds(j * _NIW, _NIW)], sem)

        def fire(c, pb, sem):
            for _ in copies(c, pb, sem, pltpu.async_copy):
                pass

        def drain(c, pb, sem):
            for d in copies(c, pb, sem, pltpu.make_async_copy):
                d.wait()

        lane15 = lax.iota(jnp.int32, 16) == 15

        def put(ref1d, pos, acc):
            s = plsc.cumsum(acc)
            plsc.store_scatter(
                ref1d, [jnp.full((16,), pos, jnp.int32)], s, mask=lane15)

        def compute(c, pb):
            def body(e, _):
                u = [ubuf[pb, e, pl.ds(16 * t, 16)] for t in range(4)]
                acc = u[0] * vbuf[pb, e, pl.ds(0, 16)]
                for t in range(1, 4):
                    acc += u[t] * vbuf[pb, e, pl.ds(16 * t, 16)]
                put(pbuf, e, acc)
                r0 = e * _NNEG
                for j in range(_NNEG):
                    r = r0 + j
                    acc = u[0] * nbuf[pb, r, pl.ds(0, 16)]
                    for t in range(1, 4):
                        acc += u[t] * nbuf[pb, r, pl.ds(16 * t, 16)]
                    put(sbuf, r, acc)
                return 0

            lax.fori_loop(0, _E, body, 0)
            pltpu.sync_copy(pbuf, pos_out.at[w, c])
            pltpu.sync_copy(sbuf, neg_out.at[w, c])

        fire(0, 0, sem0)
        fire(1, 1, sem1)

        def pair(i, _):
            c = 2 * i
            drain(c, 0, sem0)
            compute(c, 0)

            @pl.when(c + 2 < _NCHUNK)
            def _():
                fire(c + 2, 0, sem0)

            drain(c + 1, 1, sem1)
            compute(c + 1, 1)

            @pl.when(c + 3 < _NCHUNK)
            def _():
                fire(c + 3, 1, sem1)

            return 0

        lax.fori_loop(0, _NCHUNK // 2, pair, 0)

    return k(pu, pv, ng, uw128, vw128)


_VB = 2048


def _repack(table):
    ut = jnp.swapaxes(table, 0, 1)

    def body(ut_ref, out_ref):
        x = ut_ref[...]
        r = lax.broadcasted_iota(jnp.int32, (_DIM, 128), 0)
        c = lax.broadcasted_iota(jnp.int32, (_DIM, 128), 1)
        w = (r == c % _DIM).astype(jnp.float32)
        out_ref[...] = lax.dot_general(
            x, w, (((0,), (0,)), ((), ())),
            preferred_element_type=jnp.float32)

    return pl.pallas_call(
        body,
        grid=((_VOCAB + _VB - 1) // _VB,),
        in_specs=[pl.BlockSpec((_DIM, _VB), lambda i: (0, i))],
        out_specs=pl.BlockSpec((_VB, 128), lambda i: (i, 0)),
        out_shape=jax.ShapeDtypeStruct((_VOCAB, 128), jnp.float32),
    )(ut)


def _tc_loss(pos2, neg2):

    def body(p_ref, n_ref, loss_ref, corr_ref):
        p = p_ref[...]
        n = n_ref[...]

        def logsig(t):
            return jnp.minimum(t, 0.0) - jnp.log1p(jnp.exp(-jnp.abs(t)))

        loss_ref[0, 0] = -(jnp.sum(logsig(p)) + jnp.sum(logsig(-n)))
        corr_ref[0, 0] = jnp.sum((p > 0.0).astype(jnp.int32))

    loss, corr = pl.pallas_call(
        body,
        out_shape=[
            jax.ShapeDtypeStruct((1, 1), jnp.float32),
            jax.ShapeDtypeStruct((1, 1), jnp.int32),
        ],
        out_specs=[
            pl.BlockSpec(memory_space=pltpu.SMEM),
            pl.BlockSpec(memory_space=pltpu.SMEM),
        ],
    )(pos2, neg2)
    return loss[0, 0], corr[0, 0]


def kernel(pos_u, pos_v, neg_v, u_weight, v_weight):
    uw128 = _repack(u_weight)
    vw128 = _repack(v_weight)
    pu = pos_u.reshape(_NW, _NCHUNK, _E)
    pv = pos_v.reshape(_NW, _NCHUNK, _E)
    ng = neg_v.reshape(_NW, _NCHUNK, _NIR, _NIW)
    pos_s, neg_s = _sc_scores(pu, pv, ng, uw128, vw128)
    loss, corr = _tc_loss(
        pos_s.reshape(_B // 128, 128),
        neg_s.reshape(_B * _NNEG // 128, 128),
    )
    total = jnp.array(_B, dtype=jnp.int32)
    return (loss, corr, total)

# --- scband reference (transcript-rebuilt; emitter-appended) ---
"""Pipeline reference for scband-skip-gram-model-46325517254817 (READ-ONLY COPY).

The authoritative reference and input builder live on the scoring server;
editing this copy changes nothing except your own understanding.
"""

import jax, jax.numpy as jnp
import numpy as np

VOCAB = 1000000
DIM = 64
B = 16384
NNEG = 20

def setup_inputs(seed: int = 0) -> dict:
    key = jax.random.key(seed)
    k1, k2, k3, k4, k5 = jax.random.split(key, 5)
    pos_u = jax.random.randint(k1, (B,), 0, VOCAB, dtype=jnp.int64 if jax.config.jax_enable_x64 else jnp.int32).astype(jnp.int32)
    pos_v = jax.random.randint(k2, (B,), 0, VOCAB, dtype=jnp.int32)
    neg_v = jax.random.randint(k3, (B, NNEG), 0, VOCAB, dtype=jnp.int32)
    initrange = 0.5 / DIM
    u_weight = jax.random.uniform(k4, (VOCAB, DIM), dtype=jnp.float32, minval=-initrange, maxval=initrange)
    # torch init sets v_embedding to zeros; use small random values instead so gradients/scores are nontrivial
    v_weight = jax.random.uniform(k5, (VOCAB, DIM), dtype=jnp.float32, minval=-initrange, maxval=initrange)
    return {"pos_u": pos_u, "pos_v": pos_v, "neg_v": neg_v, "u_weight": u_weight, "v_weight": v_weight}

def reference(pos_u, pos_v, neg_v, u_weight, v_weight):
    pos_embu = jnp.take(u_weight, pos_u, axis=0)            # [B, D]
    pos_embv = jnp.take(v_weight, pos_v, axis=0)            # [B, D]
    pos_score = jnp.sum(pos_embu * pos_embv, axis=1)        # [B]
    pos_score2 = jax.nn.log_sigmoid(pos_score)              # [B]
    neg_embv = jnp.take(v_weight, neg_v, axis=0)            # [B, N, D]
    neg_score = jnp.einsum('bnd,bd->bn', neg_embv, pos_embu)  # bmm(neg_embv, pos_embu.unsqueeze(2)).squeeze()
    neg_score = jax.nn.log_sigmoid(-1.0 * neg_score)
    batch_loss = -1.0 * (jnp.sum(pos_score2) + jnp.sum(neg_score))
    pos_pred = jax.nn.sigmoid(pos_score) > 0.5
    batch_correct = jnp.sum(pos_pred.astype(jnp.int32))
    batch_total = jnp.array(pos_pred.shape[0], dtype=jnp.int32)
    return (batch_loss, batch_correct, batch_total)

if __name__ == "__main__":
    import jax
    _d = setup_inputs()
    print(jax.jit(kernel)(*tuple(_d.values())))

</pallas_src>

<mosaic_0001>
#map = affine_map<(d0, d1) -> (0, 0, 0)>
#map1 = affine_map<(d0, d1) -> (0, 0, 0, 0)>
#map2 = affine_map<(d0, d1) -> (0, 0)>
module attributes {stable_mosaic.version = 14 : i64} {
  func.func @k(%arg0: i32, %arg1: i32, %arg2: memref<32x32x16xi32, #tpu.memory_space<hbm>>, %arg3: memref<32x32x16xi32, #tpu.memory_space<hbm>>, %arg4: memref<32x32x4x80xi32, #tpu.memory_space<hbm>>, %arg5: memref<1000000x128xf32, #tpu.memory_space<hbm>>, %arg6: memref<1000000x128xf32, #tpu.memory_space<hbm>>, %arg7: memref<32x32x16xf32, #tpu.memory_space<hbm>>, %arg8: memref<32x32x320xf32, #tpu.memory_space<hbm>>, %arg9: memref<32x16xi32, #tpu.memory_space<vmem>>, %arg10: memref<32x16xi32, #tpu.memory_space<vmem>>, %arg11: memref<32x4x80xi32, #tpu.memory_space<vmem>>, %arg12: memref<2x16x128xf32, #tpu.memory_space<vmem>>, %arg13: memref<2x16x128xf32, #tpu.memory_space<vmem>>, %arg14: memref<2x320x128xf32, #tpu.memory_space<vmem>>, %arg15: memref<16xf32, #tpu.memory_space<vmem>>, %arg16: memref<320xf32, #tpu.memory_space<vmem>>, %arg17: memref<!tpu.dma_semaphore, #tpu.memory_space<semaphore_mem>>, %arg18: memref<!tpu.dma_semaphore, #tpu.memory_space<semaphore_mem>>) attributes {dimension_semantics = [#tpu.dimension_semantics<core_parallel>, #tpu.dimension_semantics<subcore_parallel>], iteration_bounds = array<i64: 2, 16>, scalar_prefetch = 0 : i64, scratch_operands = 10 : i64, tpu.core_type = #tpu.core_type<sc_vector_subcore>, window_params = [{transform_indices = #map}, {transform_indices = #map}, {transform_indices = #map1}, {transform_indices = #map2}, {transform_indices = #map2}, {transform_indices = #map}, {transform_indices = #map}]} {
    %mul3A = arith.constant 2 : i32
    %mul3A_0 = arith.muli %arg1, %mul3A : i32
    %add3A = arith.addi %mul3A_0, %arg0 : i32
    "tpu.region"() ({
      %run_scoped3A = tpu.sem_alloc : memref<!tpu.dma_semaphore, #tpu.memory_space<semaphore_mem>>
      %dma_start3A_160 = arith.constant 0 : i32
      %dma_start3A_161 = arith.constant 0 : i32
      %dma_start3A_162 = tpu.memref_slice %arg2[%add3A, %dma_start3A_160, %dma_start3A_161] : memref<32x32x16xi32, #tpu.memory_space<hbm>> -> memref<1x32x16xi32, #tpu.memory_space<hbm>>
      %dma_start3A_163 = tpu.memref_squeeze %dma_start3A_162 : memref<1x32x16xi32, #tpu.memory_space<hbm>> -> memref<32x16xi32, #tpu.memory_space<hbm>>
      %dma_start3A_164 = arith.constant 0 : i32
      %dma_start3A_165 = arith.constant 0 : i32
      %dma_start3A_166 = tpu.memref_slice %arg2[%add3A, %dma_start3A_164, %dma_start3A_165] : memref<32x32x16xi32, #tpu.memory_space<hbm>> -> memref<1x32x16xi32, #tpu.memory_space<hbm>>
      %dma_start3A_167 = tpu.memref_squeeze %dma_start3A_166 : memref<1x32x16xi32, #tpu.memory_space<hbm>> -> memref<32x16xi32, #tpu.memory_space<hbm>>
      tpu.enqueue_dma source(%dma_start3A_167 : memref<32x16xi32, #tpu.memory_space<hbm>>) target(%arg9 : memref<32x16xi32, #tpu.memory_space<vmem>>) target_semaphore(%run_scoped3A : memref<!tpu.dma_semaphore, #tpu.memory_space<semaphore_mem>>)
      %dma_wait3A = arith.constant 0 : i32
      %dma_wait3A_168 = arith.constant 0 : i32
      %dma_wait3A_169 = tpu.memref_slice %arg2[%add3A, %dma_wait3A, %dma_wait3A_168] : memref<32x32x16xi32, #tpu.memory_space<hbm>> -> memref<1x32x16xi32, #tpu.memory_space<hbm>>
      %dma_wait3A_170 = tpu.memref_squeeze %dma_wait3A_169 : memref<1x32x16xi32, #tpu.memory_space<hbm>> -> memref<32x16xi32, #tpu.memory_space<hbm>>
      %dma_wait3A_171 = arith.constant 0 : i32
      %dma_wait3A_172 = arith.constant 0 : i32
      %dma_wait3A_173 = tpu.memref_slice %arg2[%add3A, %dma_wait3A_171, %dma_wait3A_172] : memref<32x32x16xi32, #tpu.memory_space<hbm>> -> memref<1x32x16xi32, #tpu.memory_space<hbm>>
      %dma_wait3A_174 = tpu.memref_squeeze %dma_wait3A_173 : memref<1x32x16xi32, #tpu.memory_space<hbm>> -> memref<32x16xi32, #tpu.memory_space<hbm>>
      tpu.wait_dma2 semaphore(%run_scoped3A : memref<!tpu.dma_semaphore, #tpu.memory_space<semaphore_mem>>) src(%dma_wait3A_174 : memref<32x16xi32, #tpu.memory_space<hbm>>) dst(%arg9 : memref<32x16xi32, #tpu.memory_space<vmem>>)
      tpu.yield
    }) : () -> ()
    "tpu.region"() ({
      %run_scoped3A = tpu.sem_alloc : memref<!tpu.dma_semaphore, #tpu.memory_space<semaphore_mem>>
      %dma_start3A_160 = arith.constant 0 : i32
      %dma_start3A_161 = arith.constant 0 : i32
      %dma_start3A_162 = tpu.memref_slice %arg3[%add3A, %dma_start3A_160, %dma_start3A_161] : memref<32x32x16xi32, #tpu.memory_space<hbm>> -> memref<1x32x16xi32, #tpu.memory_space<hbm>>
      %dma_start3A_163 = tpu.memref_squeeze %dma_start3A_162 : memref<1x32x16xi32, #tpu.memory_space<hbm>> -> memref<32x16xi32, #tpu.memory_space<hbm>>
      %dma_start3A_164 = arith.constant 0 : i32
      %dma_start3A_165 = arith.constant 0 : i32
      %dma_start3A_166 = tpu.memref_slice %arg3[%add3A, %dma_start3A_164, %dma_start3A_165] : memref<32x32x16xi32, #tpu.memory_space<hbm>> -> memref<1x32x16xi32, #tpu.memory_space<hbm>>
      %dma_start3A_167 = tpu.memref_squeeze %dma_start3A_166 : memref<1x32x16xi32, #tpu.memory_space<hbm>> -> memref<32x16xi32, #tpu.memory_space<hbm>>
      tpu.enqueue_dma source(%dma_start3A_167 : memref<32x16xi32, #tpu.memory_space<hbm>>) target(%arg10 : memref<32x16xi32, #tpu.memory_space<vmem>>) target_semaphore(%run_scoped3A : memref<!tpu.dma_semaphore, #tpu.memory_space<semaphore_mem>>)
      %dma_wait3A = arith.constant 0 : i32
      %dma_wait3A_168 = arith.constant 0 : i32
      %dma_wait3A_169 = tpu.memref_slice %arg3[%add3A, %dma_wait3A, %dma_wait3A_168] : memref<32x32x16xi32, #tpu.memory_space<hbm>> -> memref<1x32x16xi32, #tpu.memory_space<hbm>>
      %dma_wait3A_170 = tpu.memref_squeeze %dma_wait3A_169 : memref<1x32x16xi32, #tpu.memory_space<hbm>> -> memref<32x16xi32, #tpu.memory_space<hbm>>
      %dma_wait3A_171 = arith.constant 0 : i32
      %dma_wait3A_172 = arith.constant 0 : i32
      %dma_wait3A_173 = tpu.memref_slice %arg3[%add3A, %dma_wait3A_171, %dma_wait3A_172] : memref<32x32x16xi32, #tpu.memory_space<hbm>> -> memref<1x32x16xi32, #tpu.memory_space<hbm>>
      %dma_wait3A_174 = tpu.memref_squeeze %dma_wait3A_173 : memref<1x32x16xi32, #tpu.memory_space<hbm>> -> memref<32x16xi32, #tpu.memory_space<hbm>>
      tpu.wait_dma2 semaphore(%run_scoped3A : memref<!tpu.dma_semaphore, #tpu.memory_space<semaphore_mem>>) src(%dma_wait3A_174 : memref<32x16xi32, #tpu.memory_space<hbm>>) dst(%arg10 : memref<32x16xi32, #tpu.memory_space<vmem>>)
      tpu.yield
    }) : () -> ()
    "tpu.region"() ({
      %run_scoped3A = tpu.sem_alloc : memref<!tpu.dma_semaphore, #tpu.memory_space<semaphore_mem>>
      %dma_start3A_160 = arith.constant 0 : i32
      %dma_start3A_161 = arith.constant 0 : i32
      %dma_start3A_162 = arith.constant 0 : i32
      %dma_start3A_163 = tpu.memref_slice %arg4[%add3A, %dma_start3A_160, %dma_start3A_161, %dma_start3A_162] : memref<32x32x4x80xi32, #tpu.memory_space<hbm>> -> memref<1x32x4x80xi32, #tpu.memory_space<hbm>>
      %dma_start3A_164 = tpu.memref_squeeze %dma_start3A_163 : memref<1x32x4x80xi32, #tpu.memory_space<hbm>> -> memref<32x4x80xi32, #tpu.memory_space<hbm>>
      %dma_start3A_165 = arith.constant 0 : i32
      %dma_start3A_166 = arith.constant 0 : i32
      %dma_start3A_167 = arith.constant 0 : i32
      %dma_start3A_168 = tpu.memref_slice %arg4[%add3A, %dma_start3A_165, %dma_start3A_166, %dma_start3A_167] : memref<32x32x4x80xi32, #tpu.memory_space<hbm>> -> memref<1x32x4x80xi32, #tpu.memory_space<hbm>>
      %dma_start3A_169 = tpu.memref_squeeze %dma_start3A_168 : memref<1x32x4x80xi32, #tpu.memory_space<hbm>> -> memref<32x4x80xi32, #tpu.memory_space<hbm>>
      tpu.enqueue_dma source(%dma_start3A_169 : memref<32x4x80xi32, #tpu.memory_space<hbm>>) target(%arg11 : memref<32x4x80xi32, #tpu.memory_space<vmem>>) target_semaphore(%run_scoped3A : memref<!tpu.dma_semaphore, #tpu.memory_space<semaphore_mem>>)
      %dma_wait3A = arith.constant 0 : i32
      %dma_wait3A_170 = arith.constant 0 : i32
      %dma_wait3A_171 = arith.constant 0 : i32
      %dma_wait3A_172 = tpu.memref_slice %arg4[%add3A, %dma_wait3A, %dma_wait3A_170, %dma_wait3A_171] : memref<32x32x4x80xi32, #tpu.memory_space<hbm>> -> memref<1x32x4x80xi32, #tpu.memory_space<hbm>>
      %dma_wait3A_173 = tpu.memref_squeeze %dma_wait3A_172 : memref<1x32x4x80xi32, #tpu.memory_space<hbm>> -> memref<32x4x80xi32, #tpu.memory_space<hbm>>
      %dma_wait3A_174 = arith.constant 0 : i32
      %dma_wait3A_175 = arith.constant 0 : i32
      %dma_wait3A_176 = arith.constant 0 : i32
      %dma_wait3A_177 = tpu.memref_slice %arg4[%add3A, %dma_wait3A_174, %dma_wait3A_175, %dma_wait3A_176] : memref<32x32x4x80xi32, #tpu.memory_space<hbm>> -> memref<1x32x4x80xi32, #tpu.memory_space<hbm>>
      %dma_wait3A_178 = tpu.memref_squeeze %dma_wait3A_177 : memref<1x32x4x80xi32, #tpu.memory_space<hbm>> -> memref<32x4x80xi32, #tpu.memory_space<hbm>>
      tpu.wait_dma2 semaphore(%run_scoped3A : memref<!tpu.dma_semaphore, #tpu.memory_space<semaphore_mem>>) src(%dma_wait3A_178 : memref<32x4x80xi32, #tpu.memory_space<hbm>>) dst(%arg11 : memref<32x4x80xi32, #tpu.memory_space<vmem>>)
      tpu.yield
    }) : () -> ()
    %iota3A = tpu.iota {dimensions = array<i32: 0>} : vector<16xi32>
    %eq3A = arith.constant 15 : i32
    %eq3A_1 = vector.broadcast %eq3A : i32 to vector<16xi32>
    %eq3A_2 = arith.cmpi eq, %iota3A, %eq3A_1 : vector<16xi32>
    %dma_start3A = arith.constant 0 : i32
    %dma_start3A_3 = arith.constant 0 : i32
    %dma_start3A_4 = arith.constant 0 : i32
    %dma_start3A_5 = arith.constant 0 : i32
    %dma_start3A_6 = tpu.memref_slice %arg12[%dma_start3A_3, %dma_start3A_4, %dma_start3A_5] : memref<2x16x128xf32, #tpu.memory_space<vmem>> -> memref<1x16x128xf32, #tpu.memory_space<vmem>>
    %dma_start3A_7 = tpu.memref_squeeze %dma_start3A_6 : memref<1x16x128xf32, #tpu.memory_space<vmem>> -> memref<16x128xf32, #tpu.memory_space<vmem>>
    %dma_start3A_8 = arith.constant 0 : i32
    %dma_start3A_9 = tpu.memref_slice %arg9[%dma_start3A, %dma_start3A_8] : memref<32x16xi32, #tpu.memory_space<vmem>> -> memref<1x16xi32, #tpu.memory_space<vmem>>
    %dma_start3A_10 = tpu.memref_squeeze %dma_start3A_9 : memref<1x16xi32, #tpu.memory_space<vmem>> -> memref<16xi32, #tpu.memory_space<vmem>>
    %dma_start3A_11 = arith.constant 0 : i32
    %dma_start3A_12 = arith.constant 0 : i32
    %dma_start3A_13 = tpu.memref_slice %arg5[%dma_start3A_11, %dma_start3A_12] : memref<1000000x128xf32, #tpu.memory_space<hbm>> -> memref<1000000x128xf32, #tpu.memory_space<hbm>>
    tpu.enqueue_indirect_dma source(%dma_start3A_13 : memref<1000000x128xf32, #tpu.memory_space<hbm>>) target(%dma_start3A_7 : memref<16x128xf32, #tpu.memory_space<vmem>>) offsets(%dma_start3A_10 : memref<16xi32, #tpu.memory_space<vmem>>) semaphore(%arg17 : memref<!tpu.dma_semaphore, #tpu.memory_space<semaphore_mem>>)
    %dma_start3A_14 = arith.constant 0 : i32
    %dma_start3A_15 = arith.constant 0 : i32
    %dma_start3A_16 = arith.constant 0 : i32
    %dma_start3A_17 = arith.constant 0 : i32
    %dma_start3A_18 = tpu.memref_slice %arg13[%dma_start3A_15, %dma_start3A_16, %dma_start3A_17] : memref<2x16x128xf32, #tpu.memory_space<vmem>> -> memref<1x16x128xf32, #tpu.memory_space<vmem>>
    %dma_start3A_19 = tpu.memref_squeeze %dma_start3A_18 : memref<1x16x128xf32, #tpu.memory_space<vmem>> -> memref<16x128xf32, #tpu.memory_space<vmem>>
    %dma_start3A_20 = arith.constant 0 : i32
    %dma_start3A_21 = tpu.memref_slice %arg10[%dma_start3A_14, %dma_start3A_20] : memref<32x16xi32, #tpu.memory_space<vmem>> -> memref<1x16xi32, #tpu.memory_space<vmem>>
    %dma_start3A_22 = tpu.memref_squeeze %dma_start3A_21 : memref<1x16xi32, #tpu.memory_space<vmem>> -> memref<16xi32, #tpu.memory_space<vmem>>
    %dma_start3A_23 = arith.constant 0 : i32
    %dma_start3A_24 = arith.constant 0 : i32
    %dma_start3A_25 = tpu.memref_slice %arg6[%dma_start3A_23, %dma_start3A_24] : memref<1000000x128xf32, #tpu.memory_space<hbm>> -> memref<1000000x128xf32, #tpu.memory_space<hbm>>
    tpu.enqueue_indirect_dma source(%dma_start3A_25 : memref<1000000x128xf32, #tpu.memory_space<hbm>>) target(%dma_start3A_19 : memref<16x128xf32, #tpu.memory_space<vmem>>) offsets(%dma_start3A_22 : memref<16xi32, #tpu.memory_space<vmem>>) semaphore(%arg17 : memref<!tpu.dma_semaphore, #tpu.memory_space<semaphore_mem>>)
    %dma_start3A_26 = arith.constant 0 : i32
    %dma_start3A_27 = arith.constant 0 : i32
    %dma_start3A_28 = arith.constant 0 : i32
    %dma_start3A_29 = arith.constant 0 : i32
    %dma_start3A_30 = arith.constant 0 : i32
    %dma_start3A_31 = tpu.memref_slice %arg14[%dma_start3A_28, %dma_start3A_29, %dma_start3A_30] : memref<2x320x128xf32, #tpu.memory_space<vmem>> -> memref<1x80x128xf32, #tpu.memory_space<vmem>>
    %dma_start3A_32 = tpu.memref_squeeze %dma_start3A_31 : memref<1x80x128xf32, #tpu.memory_space<vmem>> -> memref<80x128xf32, #tpu.memory_space<vmem>>
    %dma_start3A_33 = arith.constant 0 : i32
    %dma_start3A_34 = tpu.memref_slice %arg11[%dma_start3A_26, %dma_start3A_27, %dma_start3A_33] : memref<32x4x80xi32, #tpu.memory_space<vmem>> -> memref<1x1x80xi32, #tpu.memory_space<vmem>>
    %dma_start3A_35 = tpu.memref_squeeze %dma_start3A_34 : memref<1x1x80xi32, #tpu.memory_space<vmem>> -> memref<80xi32, #tpu.memory_space<vmem>>
    %dma_start3A_36 = arith.constant 0 : i32
    %dma_start3A_37 = arith.constant 0 : i32
    %dma_start3A_38 = tpu.memref_slice %arg6[%dma_start3A_36, %dma_start3A_37] : memref<1000000x128xf32, #tpu.memory_space<hbm>> -> memref<1000000x128xf32, #tpu.memory_space<hbm>>
    tpu.enqueue_indirect_dma source(%dma_start3A_38 : memref<1000000x128xf32, #tpu.memory_space<hbm>>) target(%dma_start3A_32 : memref<80x128xf32, #tpu.memory_space<vmem>>) offsets(%dma_start3A_35 : memref<80xi32, #tpu.memory_space<vmem>>) semaphore(%arg17 : memref<!tpu.dma_semaphore, #tpu.memory_space<semaphore_mem>>)
    %dma_start3A_39 = arith.constant 0 : i32
    %dma_start3A_40 = arith.constant 1 : i32
    %dma_start3A_41 = arith.constant 0 : i32
    %dma_start3A_42 = arith.constant 80 : i32
    %dma_start3A_43 = arith.constant 0 : i32
    %dma_start3A_44 = tpu.memref_slice %arg14[%dma_start3A_41, %dma_start3A_42, %dma_start3A_43] : memref<2x320x128xf32, #tpu.memory_space<vmem>> -> memref<1x80x128xf32, #tpu.memory_space<vmem>>
    %dma_start3A_45 = tpu.memref_squeeze %dma_start3A_44 : memref<1x80x128xf32, #tpu.memory_space<vmem>> -> memref<80x128xf32, #tpu.memory_space<vmem>>
    %dma_start3A_46 = arith.constant 0 : i32
    %dma_start3A_47 = tpu.memref_slice %arg11[%dma_start3A_39, %dma_start3A_40, %dma_start3A_46] : memref<32x4x80xi32, #tpu.memory_space<vmem>> -> memref<1x1x80xi32, #tpu.memory_space<vmem>>
    %dma_start3A_48 = tpu.memref_squeeze %dma_start3A_47 : memref<1x1x80xi32, #tpu.memory_space<vmem>> -> memref<80xi32, #tpu.memory_space<vmem>>
    %dma_start3A_49 = arith.constant 0 : i32
    %dma_start3A_50 = arith.constant 0 : i32
    %dma_start3A_51 = tpu.memref_slice %arg6[%dma_start3A_49, %dma_start3A_50] : memref<1000000x128xf32, #tpu.memory_space<hbm>> -> memref<1000000x128xf32, #tpu.memory_space<hbm>>
    tpu.enqueue_indirect_dma source(%dma_start3A_51 : memref<1000000x128xf32, #tpu.memory_space<hbm>>) target(%dma_start3A_45 : memref<80x128xf32, #tpu.memory_space<vmem>>) offsets(%dma_start3A_48 : memref<80xi32, #tpu.memory_space<vmem>>) semaphore(%arg17 : memref<!tpu.dma_semaphore, #tpu.memory_space<semaphore_mem>>)
    %dma_start3A_52 = arith.constant 0 : i32
    %dma_start3A_53 = arith.constant 2 : i32
    %dma_start3A_54 = arith.constant 0 : i32
    %dma_start3A_55 = arith.constant 160 : i32
    %dma_start3A_56 = arith.constant 0 : i32
    %dma_start3A_57 = tpu.memref_slice %arg14[%dma_start3A_54, %dma_start3A_55, %dma_start3A_56] : memref<2x320x128xf32, #tpu.memory_space<vmem>> -> memref<1x80x128xf32, #tpu.memory_space<vmem>>
    %dma_start3A_58 = tpu.memref_squeeze %dma_start3A_57 : memref<1x80x128xf32, #tpu.memory_space<vmem>> -> memref<80x128xf32, #tpu.memory_space<vmem>>
    %dma_start3A_59 = arith.constant 0 : i32
    %dma_start3A_60 = tpu.memref_slice %arg11[%dma_start3A_52, %dma_start3A_53, %dma_start3A_59] : memref<32x4x80xi32, #tpu.memory_space<vmem>> -> memref<1x1x80xi32, #tpu.memory_space<vmem>>
    %dma_start3A_61 = tpu.memref_squeeze %dma_start3A_60 : memref<1x1x80xi32, #tpu.memory_space<vmem>> -> memref<80xi32, #tpu.memory_space<vmem>>
    %dma_start3A_62 = arith.constant 0 : i32
    %dma_start3A_63 = arith.constant 0 : i32
    %dma_start3A_64 = tpu.memref_slice %arg6[%dma_start3A_62, %dma_start3A_63] : memref<1000000x128xf32, #tpu.memory_space<hbm>> -> memref<1000000x128xf32, #tpu.memory_space<hbm>>
    tpu.enqueue_indirect_dma source(%dma_start3A_64 : memref<1000000x128xf32, #tpu.memory_space<hbm>>) target(%dma_start3A_58 : memref<80x128xf32, #tpu.memory_space<vmem>>) offsets(%dma_start3A_61 : memref<80xi32, #tpu.memory_space<vmem>>) semaphore(%arg17 : memref<!tpu.dma_semaphore, #tpu.memory_space<semaphore_mem>>)
    %dma_start3A_65 = arith.constant 0 : i32
    %dma_start3A_66 = arith.constant 3 : i32
    %dma_start3A_67 = arith.constant 0 : i32
    %dma_start3A_68 = arith.constant 240 : i32
    %dma_start3A_69 = arith.constant 0 : i32
    %dma_start3A_70 = tpu.memref_slice %arg14[%dma_start3A_67, %dma_start3A_68, %dma_start3A_69] : memref<2x320x128xf32, #tpu.memory_space<vmem>> -> memref<1x80x128xf32, #tpu.memory_space<vmem>>
    %dma_start3A_71 = tpu.memref_squeeze %dma_start3A_70 : memref<1x80x128xf32, #tpu.memory_space<vmem>> -> memref<80x128xf32, #tpu.memory_space<vmem>>
    %dma_start3A_72 = arith.constant 0 : i32
    %dma_start3A_73 = tpu.memref_slice %arg11[%dma_start3A_65, %dma_start3A_66, %dma_start3A_72] : memref<32x4x80xi32, #tpu.memory_space<vmem>> -> memref<1x1x80xi32, #tpu.memory_space<vmem>>
    %dma_start3A_74 = tpu.memref_squeeze %dma_start3A_73 : memref<1x1x80xi32, #tpu.memory_space<vmem>> -> memref<80xi32, #tpu.memory_space<vmem>>
    %dma_start3A_75 = arith.constant 0 : i32
    %dma_start3A_76 = arith.constant 0 : i32
    %dma_start3A_77 = tpu.memref_slice %arg6[%dma_start3A_75, %dma_start3A_76] : memref<1000000x128xf32, #tpu.memory_space<hbm>> -> memref<1000000x128xf32, #tpu.memory_space<hbm>>
    tpu.enqueue_indirect_dma source(%dma_start3A_77 : memref<1000000x128xf32, #tpu.memory_space<hbm>>) target(%dma_start3A_71 : memref<80x128xf32, #tpu.memory_space<vmem>>) offsets(%dma_start3A_74 : memref<80xi32, #tpu.memory_space<vmem>>) semaphore(%arg17 : memref<!tpu.dma_semaphore, #tpu.memory_space<semaphore_mem>>)
    %dma_start3A_78 = arith.constant 1 : i32
    %dma_start3A_79 = arith.constant 1 : i32
    %dma_start3A_80 = arith.constant 0 : i32
    %dma_start3A_81 = arith.constant 0 : i32
    %dma_start3A_82 = tpu.memref_slice %arg12[%dma_start3A_79, %dma_start3A_80, %dma_start3A_81] : memref<2x16x128xf32, #tpu.memory_space<vmem>> -> memref<1x16x128xf32, #tpu.memory_space<vmem>>
    %dma_start3A_83 = tpu.memref_squeeze %dma_start3A_82 : memref<1x16x128xf32, #tpu.memory_space<vmem>> -> memref<16x128xf32, #tpu.memory_space<vmem>>
    %dma_start3A_84 = arith.constant 0 : i32
    %dma_start3A_85 = tpu.memref_slice %arg9[%dma_start3A_78, %dma_start3A_84] : memref<32x16xi32, #tpu.memory_space<vmem>> -> memref<1x16xi32, #tpu.memory_space<vmem>>
    %dma_start3A_86 = tpu.memref_squeeze %dma_start3A_85 : memref<1x16xi32, #tpu.memory_space<vmem>> -> memref<16xi32, #tpu.memory_space<vmem>>
    %dma_start3A_87 = arith.constant 0 : i32
    %dma_start3A_88 = arith.constant 0 : i32
    %dma_start3A_89 = tpu.memref_slice %arg5[%dma_start3A_87, %dma_start3A_88] : memref<1000000x128xf32, #tpu.memory_space<hbm>> -> memref<1000000x128xf32, #tpu.memory_space<hbm>>
    tpu.enqueue_indirect_dma source(%dma_start3A_89 : memref<1000000x128xf32, #tpu.memory_space<hbm>>) target(%dma_start3A_83 : memref<16x128xf32, #tpu.memory_space<vmem>>) offsets(%dma_start3A_86 : memref<16xi32, #tpu.memory_space<vmem>>) semaphore(%arg18 : memref<!tpu.dma_semaphore, #tpu.memory_space<semaphore_mem>>)
    %dma_start3A_90 = arith.constant 1 : i32
    %dma_start3A_91 = arith.constant 1 : i32
    %dma_start3A_92 = arith.constant 0 : i32
    %dma_start3A_93 = arith.constant 0 : i32
    %dma_start3A_94 = tpu.memref_slice %arg13[%dma_start3A_91, %dma_start3A_92, %dma_start3A_93] : memref<2x16x128xf32, #tpu.memory_space<vmem>> -> memref<1x16x128xf32, #tpu.memory_space<vmem>>
    %dma_start3A_95 = tpu.memref_squeeze %dma_start3A_94 : memref<1x16x128xf32, #tpu.memory_space<vmem>> -> memref<16x128xf32, #tpu.memory_space<vmem>>
    %dma_start3A_96 = arith.constant 0 : i32
    %dma_start3A_97 = tpu.memref_slice %arg10[%dma_start3A_90, %dma_start3A_96] : memref<32x16xi32, #tpu.memory_space<vmem>> -> memref<1x16xi32, #tpu.memory_space<vmem>>
    %dma_start3A_98 = tpu.memref_squeeze %dma_start3A_97 : memref<1x16xi32, #tpu.memory_space<vmem>> -> memref<16xi32, #tpu.memory_space<vmem>>
    %dma_start3A_99 = arith.constant 0 : i32
    %dma_start3A_100 = arith.constant 0 : i32
    %dma_start3A_101 = tpu.memref_slice %arg6[%dma_start3A_99, %dma_start3A_100] : memref<1000000x128xf32, #tpu.memory_space<hbm>> -> memref<1000000x128xf32, #tpu.memory_space<hbm>>
    tpu.enqueue_indirect_dma source(%dma_start3A_101 : memref<1000000x128xf32, #tpu.memory_space<hbm>>) target(%dma_start3A_95 : memref<16x128xf32, #tpu.memory_space<vmem>>) offsets(%dma_start3A_98 : memref<16xi32, #tpu.memory_space<vmem>>) semaphore(%arg18 : memref<!tpu.dma_semaphore, #tpu.memory_space<semaphore_mem>>)
    %dma_start3A_102 = arith.constant 1 : i32
    %dma_start3A_103 = arith.constant 0 : i32
    %dma_start3A_104 = arith.constant 1 : i32
    %dma_start3A_105 = arith.constant 0 : i32
    %dma_start3A_106 = arith.constant 0 : i32
    %dma_start3A_107 = tpu.memref_slice %arg14[%dma_start3A_104, %dma_start3A_105, %dma_start3A_106] : memref<2x320x128xf32, #tpu.memory_space<vmem>> -> memref<1x80x128xf32, #tpu.memory_space<vmem>>
    %dma_start3A_108 = tpu.memref_squeeze %dma_start3A_107 : memref<1x80x128xf32, #tpu.memory_space<vmem>> -> memref<80x128xf32, #tpu.memory_space<vmem>>
    %dma_start3A_109 = arith.constant 0 : i32
    %dma_start3A_110 = tpu.memref_slice %arg11[%dma_start3A_102, %dma_start3A_103, %dma_start3A_109] : memref<32x4x80xi32, #tpu.memory_space<vmem>> -> memref<1x1x80xi32, #tpu.memory_space<vmem>>
    %dma_start3A_111 = tpu.memref_squeeze %dma_start3A_110 : memref<1x1x80xi32, #tpu.memory_space<vmem>> -> memref<80xi32, #tpu.memory_space<vmem>>
    %dma_start3A_112 = arith.constant 0 : i32
    %dma_start3A_113 = arith.constant 0 : i32
    %dma_start3A_114 = tpu.memref_slice %arg6[%dma_start3A_112, %dma_start3A_113] : memref<1000000x128xf32, #tpu.memory_space<hbm>> -> memref<1000000x128xf32, #tpu.memory_space<hbm>>
    tpu.enqueue_indirect_dma source(%dma_start3A_114 : memref<1000000x128xf32, #tpu.memory_space<hbm>>) target(%dma_start3A_108 : memref<80x128xf32, #tpu.memory_space<vmem>>) offsets(%dma_start3A_111 : memref<80xi32, #tpu.memory_space<vmem>>) semaphore(%arg18 : memref<!tpu.dma_semaphore, #tpu.memory_space<semaphore_mem>>)
    %dma_start3A_115 = arith.constant 1 : i32
    %dma_start3A_116 = arith.constant 1 : i32
    %dma_start3A_117 = arith.constant 1 : i32
    %dma_start3A_118 = arith.constant 80 : i32
    %dma_start3A_119 = arith.constant 0 : i32
    %dma_start3A_120 = tpu.memref_slice %arg14[%dma_start3A_117, %dma_start3A_118, %dma_start3A_119] : memref<2x320x128xf32, #tpu.memory_space<vmem>> -> memref<1x80x128xf32, #tpu.memory_space<vmem>>
    %dma_start3A_121 = tpu.memref_squeeze %dma_start3A_120 : memref<1x80x128xf32, #tpu.memory_space<vmem>> -> memref<80x128xf32, #tpu.memory_space<vmem>>
    %dma_start3A_122 = arith.constant 0 : i32
    %dma_start3A_123 = tpu.memref_slice %arg11[%dma_start3A_115, %dma_start3A_116, %dma_start3A_122] : memref<32x4x80xi32, #tpu.memory_space<vmem>> -> memref<1x1x80xi32, #tpu.memory_space<vmem>>
    %dma_start3A_124 = tpu.memref_squeeze %dma_start3A_123 : memref<1x1x80xi32, #tpu.memory_space<vmem>> -> memref<80xi32, #tpu.memory_space<vmem>>
    %dma_start3A_125 = arith.constant 0 : i32
    %dma_start3A_126 = arith.constant 0 : i32
    %dma_start3A_127 = tpu.memref_slice %arg6[%dma_start3A_125, %dma_start3A_126] : memref<1000000x128xf32, #tpu.memory_space<hbm>> -> memref<1000000x128xf32, #tpu.memory_space<hbm>>
    tpu.enqueue_indirect_dma source(%dma_start3A_127 : memref<1000000x128xf32, #tpu.memory_space<hbm>>) target(%dma_start3A_121 : memref<80x128xf32, #tpu.memory_space<vmem>>) offsets(%dma_start3A_124 : memref<80xi32, #tpu.memory_space<vmem>>) semaphore(%arg18 : memref<!tpu.dma_semaphore, #tpu.memory_space<semaphore_mem>>)
    %dma_start3A_128 = arith.constant 1 : i32
    %dma_start3A_129 = arith.constant 2 : i32
    %dma_start3A_130 = arith.constant 1 : i32
    %dma_start3A_131 = arith.constant 160 : i32
    %dma_start3A_132 = arith.constant 0 : i32
    %dma_start3A_133 = tpu.memref_slice %arg14[%dma_start3A_130, %dma_start3A_131, %dma_start3A_132] : memref<2x320x128xf32, #tpu.memory_space<vmem>> -> memref<1x80x128xf32, #tpu.memory_space<vmem>>
    %dma_start3A_134 = tpu.memref_squeeze %dma_start3A_133 : memref<1x80x128xf32, #tpu.memory_space<vmem>> -> memref<80x128xf32, #tpu.memory_space<vmem>>
    %dma_start3A_135 = arith.constant 0 : i32
    %dma_start3A_136 = tpu.memref_slice %arg11[%dma_start3A_128, %dma_start3A_129, %dma_start3A_135] : memref<32x4x80xi32, #tpu.memory_space<vmem>> -> memref<1x1x80xi32, #tpu.memory_space<vmem>>
    %dma_start3A_137 = tpu.memref_squeeze %dma_start3A_136 : memref<1x1x80xi32, #tpu.memory_space<vmem>> -> memref<80xi32, #tpu.memory_space<vmem>>
    %dma_start3A_138 = arith.constant 0 : i32
    %dma_start3A_139 = arith.constant 0 : i32
    %dma_start3A_140 = tpu.memref_slice %arg6[%dma_start3A_138, %dma_start3A_139] : memref<1000000x128xf32, #tpu.memory_space<hbm>> -> memref<1000000x128xf32, #tpu.memory_space<hbm>>
    tpu.enqueue_indirect_dma source(%dma_start3A_140 : memref<1000000x128xf32, #tpu.memory_space<hbm>>) target(%dma_start3A_134 : memref<80x128xf32, #tpu.memory_space<vmem>>) offsets(%dma_start3A_137 : memref<80xi32, #tpu.memory_space<vmem>>) semaphore(%arg18 : memref<!tpu.dma_semaphore, #tpu.memory_space<semaphore_mem>>)
    %dma_start3A_141 = arith.constant 1 : i32
    %dma_start3A_142 = arith.constant 3 : i32
    %dma_start3A_143 = arith.constant 1 : i32
    %dma_start3A_144 = arith.constant 240 : i32
    %dma_start3A_145 = arith.constant 0 : i32
    %dma_start3A_146 = tpu.memref_slice %arg14[%dma_start3A_143, %dma_start3A_144, %dma_start3A_145] : memref<2x320x128xf32, #tpu.memory_space<vmem>> -> memref<1x80x128xf32, #tpu.memory_space<vmem>>
    %dma_start3A_147 = tpu.memref_squeeze %dma_start3A_146 : memref<1x80x128xf32, #tpu.memory_space<vmem>> -> memref<80x128xf32, #tpu.memory_space<vmem>>
    %dma_start3A_148 = arith.constant 0 : i32
    %dma_start3A_149 = tpu.memref_slice %arg11[%dma_start3A_141, %dma_start3A_142, %dma_start3A_148] : memref<32x4x80xi32, #tpu.memory_space<vmem>> -> memref<1x1x80xi32, #tpu.memory_space<vmem>>
    %dma_start3A_150 = tpu.memref_squeeze %dma_start3A_149 : memref<1x1x80xi32, #tpu.memory_space<vmem>> -> memref<80xi32, #tpu.memory_space<vmem>>
    %dma_start3A_151 = arith.constant 0 : i32
    %dma_start3A_152 = arith.constant 0 : i32
    %dma_start3A_153 = tpu.memref_slice %arg6[%dma_start3A_151, %dma_start3A_152] : memref<1000000x128xf32, #tpu.memory_space<hbm>> -> memref<1000000x128xf32, #tpu.memory_space<hbm>>
    tpu.enqueue_indirect_dma source(%dma_start3A_153 : memref<1000000x128xf32, #tpu.memory_space<hbm>>) target(%dma_start3A_147 : memref<80x128xf32, #tpu.memory_space<vmem>>) offsets(%dma_start3A_150 : memref<80xi32, #tpu.memory_space<vmem>>) semaphore(%arg18 : memref<!tpu.dma_semaphore, #tpu.memory_space<semaphore_mem>>)
    %scan3A = arith.constant 0 : i32
    %scan3A_154 = arith.constant 0 : i32
    %scan3A_155 = arith.constant 16 : i32
    %scan3A_156 = arith.addi %scan3A_154, %scan3A_155 : i32
    %scan3A_157 = arith.constant 1 : i32
    %scan3A_158 = scf.for %scan3A_160 = %scan3A_154 to %scan3A_156 step %scan3A_157 iter_args(%scan3A_161 = %scan3A) -> (i32)  : i32 {
      %mul3A_162 = arith.constant 2 : i32
      %mul3A_163 = arith.muli %mul3A_162, %scan3A_160 : i32
      %dma_wait3A = arith.constant 0 : i32
      %dma_wait3A_164 = arith.constant 0 : i32
      %dma_wait3A_165 = arith.constant 0 : i32
      %dma_wait3A_166 = tpu.memref_slice %arg12[%dma_wait3A, %dma_wait3A_164, %dma_wait3A_165] : memref<2x16x128xf32, #tpu.memory_space<vmem>> -> memref<1x16x128xf32, #tpu.memory_space<vmem>>
      %dma_wait3A_167 = tpu.memref_squeeze %dma_wait3A_166 : memref<1x16x128xf32, #tpu.memory_space<vmem>> -> memref<16x128xf32, #tpu.memory_space<vmem>>
      %dma_wait3A_168 = arith.constant 0 : i32
      %dma_wait3A_169 = tpu.memref_slice %arg9[%mul3A_163, %dma_wait3A_168] : memref<32x16xi32, #tpu.memory_space<vmem>> -> memref<1x16xi32, #tpu.memory_space<vmem>>
      %dma_wait3A_170 = tpu.memref_squeeze %dma_wait3A_169 : memref<1x16xi32, #tpu.memory_space<vmem>> -> memref<16xi32, #tpu.memory_space<vmem>>
      %dma_wait3A_171 = arith.constant 0 : i32
      %dma_wait3A_172 = arith.constant 0 : i32
      %dma_wait3A_173 = tpu.memref_slice %arg5[%dma_wait3A_171, %dma_wait3A_172] : memref<1000000x128xf32, #tpu.memory_space<hbm>> -> memref<1000000x128xf32, #tpu.memory_space<hbm>>
      tpu.wait_indirect_dma semaphore(%arg17 : memref<!tpu.dma_semaphore, #tpu.memory_space<semaphore_mem>>) src(%dma_wait3A_173 : memref<1000000x128xf32, #tpu.memory_space<hbm>>) dst(%dma_wait3A_167 : memref<16x128xf32, #tpu.memory_space<vmem>>)
      %dma_wait3A_174 = arith.constant 0 : i32
      %dma_wait3A_175 = arith.constant 0 : i32
      %dma_wait3A_176 = arith.constant 0 : i32
      %dma_wait3A_177 = tpu.memref_slice %arg13[%dma_wait3A_174, %dma_wait3A_175, %dma_wait3A_176] : memref<2x16x128xf32, #tpu.memory_space<vmem>> -> memref<1x16x128xf32, #tpu.memory_space<vmem>>
      %dma_wait3A_178 = tpu.memref_squeeze %dma_wait3A_177 : memref<1x16x128xf32, #tpu.memory_space<vmem>> -> memref<16x128xf32, #tpu.memory_space<vmem>>
      %dma_wait3A_179 = arith.constant 0 : i32
      %dma_wait3A_180 = tpu.memref_slice %arg10[%mul3A_163, %dma_wait3A_179] : memref<32x16xi32, #tpu.memory_space<vmem>> -> memref<1x16xi32, #tpu.memory_space<vmem>>
      %dma_wait3A_181 = tpu.memref_squeeze %dma_wait3A_180 : memref<1x16xi32, #tpu.memory_space<vmem>> -> memref<16xi32, #tpu.memory_space<vmem>>
      %dma_wait3A_182 = arith.constant 0 : i32
      %dma_wait3A_183 = arith.constant 0 : i32
      %dma_wait3A_184 = tpu.memref_slice %arg6[%dma_wait3A_182, %dma_wait3A_183] : memref<1000000x128xf32, #tpu.memory_space<hbm>> -> memref<1000000x128xf32, #tpu.memory_space<hbm>>
      tpu.wait_indirect_dma semaphore(%arg17 : memref<!tpu.dma_semaphore, #tpu.memory_space<semaphore_mem>>) src(%dma_wait3A_184 : memref<1000000x128xf32, #tpu.memory_space<hbm>>) dst(%dma_wait3A_178 : memref<16x128xf32, #tpu.memory_space<vmem>>)
      %dma_wait3A_185 = arith.constant 0 : i32
      %dma_wait3A_186 = arith.constant 0 : i32
      %dma_wait3A_187 = arith.constant 0 : i32
      %dma_wait3A_188 = arith.constant 0 : i32
      %dma_wait3A_189 = tpu.memref_slice %arg14[%dma_wait3A_186, %dma_wait3A_187, %dma_wait3A_188] : memref<2x320x128xf32, #tpu.memory_space<vmem>> -> memref<1x80x128xf32, #tpu.memory_space<vmem>>
      %dma_wait3A_190 = tpu.memref_squeeze %dma_wait3A_189 : memref<1x80x128xf32, #tpu.memory_space<vmem>> -> memref<80x128xf32, #tpu.memory_space<vmem>>
      %dma_wait3A_191 = arith.constant 0 : i32
      %dma_wait3A_192 = tpu.memref_slice %arg11[%mul3A_163, %dma_wait3A_185, %dma_wait3A_191] : memref<32x4x80xi32, #tpu.memory_space<vmem>> -> memref<1x1x80xi32, #tpu.memory_space<vmem>>
      %dma_wait3A_193 = tpu.memref_squeeze %dma_wait3A_192 : memref<1x1x80xi32, #tpu.memory_space<vmem>> -> memref<80xi32, #tpu.memory_space<vmem>>
      %dma_wait3A_194 = arith.constant 0 : i32
      %dma_wait3A_195 = arith.constant 0 : i32
      %dma_wait3A_196 = tpu.memref_slice %arg6[%dma_wait3A_194, %dma_wait3A_195] : memref<1000000x128xf32, #tpu.memory_space<hbm>> -> memref<1000000x128xf32, #tpu.memory_space<hbm>>
      tpu.wait_indirect_dma semaphore(%arg17 : memref<!tpu.dma_semaphore, #tpu.memory_space<semaphore_mem>>) src(%dma_wait3A_196 : memref<1000000x128xf32, #tpu.memory_space<hbm>>) dst(%dma_wait3A_190 : memref<80x128xf32, #tpu.memory_space<vmem>>)
      %dma_wait3A_197 = arith.constant 1 : i32
      %dma_wait3A_198 = arith.constant 0 : i32
      %dma_wait3A_199 = arith.constant 80 : i32
      %dma_wait3A_200 = arith.constant 0 : i32
      %dma_wait3A_201 = tpu.memref_slice %arg14[%dma_wait3A_198, %dma_wait3A_199, %dma_wait3A_200] : memref<2x320x128xf32, #tpu.memory_space<vmem>> -> memref<1x80x128xf32, #tpu.memory_space<vmem>>
      %dma_wait3A_202 = tpu.memref_squeeze %dma_wait3A_201 : memref<1x80x128xf32, #tpu.memory_space<vmem>> -> memref<80x128xf32, #tpu.memory_space<vmem>>
      %dma_wait3A_203 = arith.constant 0 : i32
      %dma_wait3A_204 = tpu.memref_slice %arg11[%mul3A_163, %dma_wait3A_197, %dma_wait3A_203] : memref<32x4x80xi32, #tpu.memory_space<vmem>> -> memref<1x1x80xi32, #tpu.memory_space<vmem>>
      %dma_wait3A_205 = tpu.memref_squeeze %dma_wait3A_204 : memref<1x1x80xi32, #tpu.memory_space<vmem>> -> memref<80xi32, #tpu.memory_space<vmem>>
      %dma_wait3A_206 = arith.constant 0 : i32
      %dma_wait3A_207 = arith.constant 0 : i32
      %dma_wait3A_208 = tpu.memref_slice %arg6[%dma_wait3A_206, %dma_wait3A_207] : memref<1000000x128xf32, #tpu.memory_space<hbm>> -> memref<1000000x128xf32, #tpu.memory_space<hbm>>
      tpu.wait_indirect_dma semaphore(%arg17 : memref<!tpu.dma_semaphore, #tpu.memory_space<semaphore_mem>>) src(%dma_wait3A_208 : memref<1000000x128xf32, #tpu.memory_space<hbm>>) dst(%dma_wait3A_202 : memref<80x128xf32, #tpu.memory_space<vmem>>)
      %dma_wait3A_209 = arith.constant 2 : i32
      %dma_wait3A_210 = arith.constant 0 : i32
      %dma_wait3A_211 = arith.constant 160 : i32
      %dma_wait3A_212 = arith.constant 0 : i32
      %dma_wait3A_213 = tpu.memref_slice %arg14[%dma_wait3A_210, %dma_wait3A_211, %dma_wait3A_212] : memref<2x320x128xf32, #tpu.memory_space<vmem>> -> memref<1x80x128xf32, #tpu.memory_space<vmem>>
      %dma_wait3A_214 = tpu.memref_squeeze %dma_wait3A_213 : memref<1x80x128xf32, #tpu.memory_space<vmem>> -> memref<80x128xf32, #tpu.memory_space<vmem>>
      %dma_wait3A_215 = arith.constant 0 : i32
      %dma_wait3A_216 = tpu.memref_slice %arg11[%mul3A_163, %dma_wait3A_209, %dma_wait3A_215] : memref<32x4x80xi32, #tpu.memory_space<vmem>> -> memref<1x1x80xi32, #tpu.memory_space<vmem>>
      %dma_wait3A_217 = tpu.memref_squeeze %dma_wait3A_216 : memref<1x1x80xi32, #tpu.memory_space<vmem>> -> memref<80xi32, #tpu.memory_space<vmem>>
      %dma_wait3A_218 = arith.constant 0 : i32
      %dma_wait3A_219 = arith.constant 0 : i32
      %dma_wait3A_220 = tpu.memref_slice %arg6[%dma_wait3A_218, %dma_wait3A_219] : memref<1000000x128xf32, #tpu.memory_space<hbm>> -> memref<1000000x128xf32, #tpu.memory_space<hbm>>
      tpu.wait_indirect_dma semaphore(%arg17 : memref<!tpu.dma_semaphore, #tpu.memory_space<semaphore_mem>>) src(%dma_wait3A_220 : memref<1000000x128xf32, #tpu.memory_space<hbm>>) dst(%dma_wait3A_214 : memref<80x128xf32, #tpu.memory_space<vmem>>)
      %dma_wait3A_221 = arith.constant 3 : i32
      %dma_wait3A_222 = arith.constant 0 : i32
      %dma_wait3A_223 = arith.constant 240 : i32
      %dma_wait3A_224 = arith.constant 0 : i32
      %dma_wait3A_225 = tpu.memref_slice %arg14[%dma_wait3A_222, %dma_wait3A_223, %dma_wait3A_224] : memref<2x320x128xf32, #tpu.memory_space<vmem>> -> memref<1x80x128xf32, #tpu.memory_space<vmem>>
      %dma_wait3A_226 = tpu.memref_squeeze %dma_wait3A_225 : memref<1x80x128xf32, #tpu.memory_space<vmem>> -> memref<80x128xf32, #tpu.memory_space<vmem>>
      %dma_wait3A_227 = arith.constant 0 : i32
      %dma_wait3A_228 = tpu.memref_slice %arg11[%mul3A_163, %dma_wait3A_221, %dma_wait3A_227] : memref<32x4x80xi32, #tpu.memory_space<vmem>> -> memref<1x1x80xi32, #tpu.memory_space<vmem>>
      %dma_wait3A_229 = tpu.memref_squeeze %dma_wait3A_228 : memref<1x1x80xi32, #tpu.memory_space<vmem>> -> memref<80xi32, #tpu.memory_space<vmem>>
      %dma_wait3A_230 = arith.constant 0 : i32
      %dma_wait3A_231 = arith.constant 0 : i32
      %dma_wait3A_232 = tpu.memref_slice %arg6[%dma_wait3A_230, %dma_wait3A_231] : memref<1000000x128xf32, #tpu.memory_space<hbm>> -> memref<1000000x128xf32, #tpu.memory_space<hbm>>
      tpu.wait_indirect_dma semaphore(%arg17 : memref<!tpu.dma_semaphore, #tpu.memory_space<semaphore_mem>>) src(%dma_wait3A_232 : memref<1000000x128xf32, #tpu.memory_space<hbm>>) dst(%dma_wait3A_226 : memref<80x128xf32, #tpu.memory_space<vmem>>)
      %scan3A_233 = arith.constant 0 : i32
      %scan3A_234 = arith.constant 0 : i32
      %scan3A_235 = arith.constant 16 : i32
      %scan3A_236 = arith.addi %scan3A_234, %scan3A_235 : i32
      %scan3A_237 = arith.constant 1 : i32
      %scan3A_238 = scf.for %scan3A_333 = %scan3A_234 to %scan3A_236 step %scan3A_237 iter_args(%scan3A_334 = %scan3A_233) -> (i32)  : i32 {
        %get3A = arith.constant 0 : i32
        %get3A_335 = arith.index_cast %get3A : i32 to index
        %get3A_336 = arith.index_cast %scan3A_333 : i32 to index
        %get3A_337 = arith.constant 0 : index
        %get3A_338 = tpu.vector_load %arg12[%get3A_335, %get3A_336, %get3A_337] {strides = array<i32>} : memref<2x16x128xf32, #tpu.memory_space<vmem>>, vector<16xf32>,
        %get3A_339 = arith.constant 0 : i32
        %get3A_340 = arith.index_cast %get3A_339 : i32 to index
        %get3A_341 = arith.index_cast %scan3A_333 : i32 to index
        %get3A_342 = arith.constant 16 : index
        %get3A_343 = tpu.vector_load %arg12[%get3A_340, %get3A_341, %get3A_342] {strides = array<i32>} : memref<2x16x128xf32, #tpu.memory_space<vmem>>, vector<16xf32>,
        %get3A_344 = arith.constant 0 : i32
        %get3A_345 = arith.index_cast %get3A_344 : i32 to index
        %get3A_346 = arith.index_cast %scan3A_333 : i32 to index
        %get3A_347 = arith.constant 32 : index
        %get3A_348 = tpu.vector_load %arg12[%get3A_345, %get3A_346, %get3A_347] {strides = array<i32>} : memref<2x16x128xf32, #tpu.memory_space<vmem>>, vector<16xf32>,
        %get3A_349 = arith.constant 0 : i32
        %get3A_350 = arith.index_cast %get3A_349 : i32 to index
        %get3A_351 = arith.index_cast %scan3A_333 : i32 to index
        %get3A_352 = arith.constant 48 : index
        %get3A_353 = tpu.vector_load %arg12[%get3A_350, %get3A_351, %get3A_352] {strides = array<i32>} : memref<2x16x128xf32, #tpu.memory_space<vmem>>, vector<16xf32>,
        %get3A_354 = arith.constant 0 : i32
        %get3A_355 = arith.index_cast %get3A_354 : i32 to index
        %get3A_356 = arith.index_cast %scan3A_333 : i32 to index
        %get3A_357 = arith.constant 0 : index
        %get3A_358 = tpu.vector_load %arg13[%get3A_355, %get3A_356, %get3A_357] {strides = array<i32>} : memref<2x16x128xf32, #tpu.memory_space<vmem>>, vector<16xf32>,
        %mul3A_359 = arith.mulf %get3A_338, %get3A_358 : vector<16xf32>
        %get3A_360 = arith.constant 0 : i32
        %get3A_361 = arith.index_cast %get3A_360 : i32 to index
        %get3A_362 = arith.index_cast %scan3A_333 : i32 to index
        %get3A_363 = arith.constant 16 : index
        %get3A_364 = tpu.vector_load %arg13[%get3A_361, %get3A_362, %get3A_363] {strides = array<i32>} : memref<2x16x128xf32, #tpu.memory_space<vmem>>, vector<16xf32>,
        %mul3A_365 = arith.mulf %get3A_343, %get3A_364 : vector<16xf32>
        %add3A_366 = arith.addf %mul3A_359, %mul3A_365 : vector<16xf32>
        %get3A_367 = arith.constant 0 : i32
        %get3A_368 = arith.index_cast %get3A_367 : i32 to index
        %get3A_369 = arith.index_cast %scan3A_333 : i32 to index
        %get3A_370 = arith.constant 32 : index
        %get3A_371 = tpu.vector_load %arg13[%get3A_368, %get3A_369, %get3A_370] {strides = array<i32>} : memref<2x16x128xf32, #tpu.memory_space<vmem>>, vector<16xf32>,
        %mul3A_372 = arith.mulf %get3A_348, %get3A_371 : vector<16xf32>
        %add3A_373 = arith.addf %add3A_366, %mul3A_372 : vector<16xf32>
        %get3A_374 = arith.constant 0 : i32
        %get3A_375 = arith.index_cast %get3A_374 : i32 to index
        %get3A_376 = arith.index_cast %scan3A_333 : i32 to index
        %get3A_377 = arith.constant 48 : index
        %get3A_378 = tpu.vector_load %arg13[%get3A_375, %get3A_376, %get3A_377] {strides = array<i32>} : memref<2x16x128xf32, #tpu.memory_space<vmem>>, vector<16xf32>,
        %mul3A_379 = arith.mulf %get3A_353, %get3A_378 : vector<16xf32>
        %add3A_380 = arith.addf %add3A_373, %mul3A_379 : vector<16xf32>
        %broadcast_in_dim3A = arith.constant true
        %broadcast_in_dim3A_381 = vector.broadcast %broadcast_in_dim3A : i1 to vector<16xi1>
        %masked_cumsum3A = tpu.scan <sum>, %add3A_380 masked %broadcast_in_dim3A_381 : vector<16xf32>, vector<16xi1> -> vector<16xf32>
        %broadcast_in_dim3A_382 = vector.broadcast %scan3A_333 : i32 to vector<16xi32>
        tpu.vector_store_idx %arg15[%broadcast_in_dim3A_382], %masked_cumsum3A masked %eq3A_2 : memref<16xf32, #tpu.memory_space<vmem>>[vector<16xi32>], vector<16xf32>, vector<16xi1>
        %mul3A_383 = arith.constant 20 : i32
        %mul3A_384 = arith.muli %scan3A_333, %mul3A_383 : i32
        %add3A_385 = arith.constant 0 : i32
        %add3A_386 = arith.addi %mul3A_384, %add3A_385 : i32
        %get3A_387 = arith.constant 0 : i32
        %get3A_388 = arith.index_cast %get3A_387 : i32 to index
        %get3A_389 = arith.index_cast %add3A_386 : i32 to index
        %get3A_390 = arith.constant 0 : index
        %get3A_391 = tpu.vector_load %arg14[%get3A_388, %get3A_389, %get3A_390] {strides = array<i32>} : memref<2x320x128xf32, #tpu.memory_space<vmem>>, vector<16xf32>,
        %mul3A_392 = arith.mulf %get3A_338, %get3A_391 : vector<16xf32>
        %get3A_393 = arith.constant 0 : i32
        %get3A_394 = arith.index_cast %get3A_393 : i32 to index
        %get3A_395 = arith.index_cast %add3A_386 : i32 to index
        %get3A_396 = arith.constant 16 : index
        %get3A_397 = tpu.vector_load %arg14[%get3A_394, %get3A_395, %get3A_396] {strides = array<i32>} : memref<2x320x128xf32, #tpu.memory_space<vmem>>, vector<16xf32>,
        %mul3A_398 = arith.mulf %get3A_343, %get3A_397 : vector<16xf32>
        %add3A_399 = arith.addf %mul3A_392, %mul3A_398 : vector<16xf32>
        %get3A_400 = arith.constant 0 : i32
        %get3A_401 = arith.index_cast %get3A_400 : i32 to index
        %get3A_402 = arith.index_cast %add3A_386 : i32 to index
        %get3A_403 = arith.constant 32 : index
        %get3A_404 = tpu.vector_load %arg14[%get3A_401, %get3A_402, %get3A_403] {strides = array<i32>} : memref<2x320x128xf32, #tpu.memory_space<vmem>>, vector<16xf32>,
        %mul3A_405 = arith.mulf %get3A_348, %get3A_404 : vector<16xf32>
        %add3A_406 = arith.addf %add3A_399, %mul3A_405 : vector<16xf32>
        %get3A_407 = arith.constant 0 : i32
        %get3A_408 = arith.index_cast %get3A_407 : i32 to index
        %get3A_409 = arith.index_cast %add3A_386 : i32 to index
        %get3A_410 = arith.constant 48 : index
        %get3A_411 = tpu.vector_load %arg14[%get3A_408, %get3A_409, %get3A_410] {strides = array<i32>} : memref<2x320x128xf32, #tpu.memory_space<vmem>>, vector<16xf32>,
        %mul3A_412 = arith.mulf %get3A_353, %get3A_411 : vector<16xf32>
        %add3A_413 = arith.addf %add3A_406, %mul3A_412 : vector<16xf32>
        %broadcast_in_dim3A_414 = arith.constant true
        %broadcast_in_dim3A_415 = vector.broadcast %broadcast_in_dim3A_414 : i1 to vector<16xi1>
        %masked_cumsum3A_416 = tpu.scan <sum>, %add3A_413 masked %broadcast_in_dim3A_415 : vector<16xf32>, vector<16xi1> -> vector<16xf32>
        %broadcast_in_dim3A_417 = vector.broadcast %add3A_386 : i32 to vector<16xi32>
        tpu.vector_store_idx %arg16[%broadcast_in_dim3A_417], %masked_cumsum3A_416 masked %eq3A_2 : memref<320xf32, #tpu.memory_space<vmem>>[vector<16xi32>], vector<16xf32>, vector<16xi1>
        %add3A_418 = arith.constant 1 : i32
        %add3A_419 = arith.addi %mul3A_384, %add3A_418 : i32
        %get3A_420 = arith.constant 0 : i32
        %get3A_421 = arith.index_cast %get3A_420 : i32 to index
        %get3A_422 = arith.index_cast %add3A_419 : i32 to index
        %get3A_423 = arith.constant 0 : index
        %get3A_424 = tpu.vector_load %arg14[%get3A_421, %get3A_422, %get3A_423] {strides = array<i32>} : memref<2x320x128xf32, #tpu.memory_space<vmem>>, vector<16xf32>,
        %mul3A_425 = arith.mulf %get3A_338, %get3A_424 : vector<16xf32>
        %get3A_426 = arith.constant 0 : i32
        %get3A_427 = arith.index_cast %get3A_426 : i32 to index
        %get3A_428 = arith.index_cast %add3A_419 : i32 to index
        %get3A_429 = arith.constant 16 : index
        %get3A_430 = tpu.vector_load %arg14[%get3A_427, %get3A_428, %get3A_429] {strides = array<i32>} : memref<2x320x128xf32, #tpu.memory_space<vmem>>, vector<16xf32>,
        %mul3A_431 = arith.mulf %get3A_343, %get3A_430 : vector<16xf32>
        %add3A_432 = arith.addf %mul3A_425, %mul3A_431 : vector<16xf32>
        %get3A_433 = arith.constant 0 : i32
        %get3A_434 = arith.index_cast %get3A_433 : i32 to index
        %get3A_435 = arith.index_cast %add3A_419 : i32 to index
        %get3A_436 = arith.constant 32 : index
        %get3A_437 = tpu.vector_load %arg14[%get3A_434, %get3A_435, %get3A_436] {strides = array<i32>} : memref<2x320x128xf32, #tpu.memory_space<vmem>>, vector<16xf32>,
        %mul3A_438 = arith.mulf %get3A_348, %get3A_437 : vector<16xf32>
        %add3A_439 = arith.addf %add3A_432, %mul3A_438 : vector<16xf32>
        %get3A_440 = arith.constant 0 : i32
        %get3A_441 = arith.index_cast %get3A_440 : i32 to index
        %get3A_442 = arith.index_cast %add3A_419 : i32 to index
        %get3A_443 = arith.constant 48 : index
        %get3A_444 = tpu.vector_load %arg14[%get3A_441, %get3A_442, %get3A_443] {strides = array<i32>} : memref<2x320x128xf32, #tpu.memory_space<vmem>>, vector<16xf32>,
        %mul3A_445 = arith.mulf %get3A_353, %get3A_444 : vector<16xf32>
        %add3A_446 = arith.addf %add3A_439, %mul3A_445 : vector<16xf32>
        %broadcast_in_dim3A_447 = arith.constant true
        %broadcast_in_dim3A_448 = vector.broadcast %broadcast_in_dim3A_447 : i1 to vector<16xi1>
        %masked_cumsum3A_449 = tpu.scan <sum>, %add3A_446 masked %broadcast_in_dim3A_448 : vector<16xf32>, vector<16xi1> -> vector<16xf32>
        %broadcast_in_dim3A_450 = vector.broadcast %add3A_419 : i32 to vector<16xi32>
        tpu.vector_store_idx %arg16[%broadcast_in_dim3A_450], %masked_cumsum3A_449 masked %eq3A_2 : memref<320xf32, #tpu.memory_space<vmem>>[vector<16xi32>], vector<16xf32>, vector<16xi1>
        %add3A_451 = arith.constant 2 : i32
        %add3A_452 = arith.addi %mul3A_384, %add3A_451 : i32
        %get3A_453 = arith.constant 0 : i32
        %get3A_454 = arith.index_cast %get3A_453 : i32 to index
        %get3A_455 = arith.index_cast %add3A_452 : i32 to index
        %get3A_456 = arith.constant 0 : index
        %get3A_457 = tpu.vector_load %arg14[%get3A_454, %get3A_455, %get3A_456] {strides = array<i32>} : memref<2x320x128xf32, #tpu.memory_space<vmem>>, vector<16xf32>,
        %mul3A_458 = arith.mulf %get3A_338, %get3A_457 : vector<16xf32>
        %get3A_459 = arith.constant 0 : i32
        %get3A_460 = arith.index_cast %get3A_459 : i32 to index
        %get3A_461 = arith.index_cast %add3A_452 : i32 to index
        %get3A_462 = arith.constant 16 : index
        %get3A_463 = tpu.vector_load %arg14[%get3A_460, %get3A_461, %get3A_462] {strides = array<i32>} : memref<2x320x128xf32, #tpu.memory_space<vmem>>, vector<16xf32>,
        %mul3A_464 = arith.mulf %get3A_343, %get3A_463 : vector<16xf32>
        %add3A_465 = arith.addf %mul3A_458, %mul3A_464 : vector<16xf32>
        %get3A_466 = arith.constant 0 : i32
        %get3A_467 = arith.index_cast %get3A_466 : i32 to index
        %get3A_468 = arith.index_cast %add3A_452 : i32 to index
        %get3A_469 = arith.constant 32 : index
        %get3A_470 = tpu.vector_load %arg14[%get3A_467, %get3A_468, %get3A_469] {strides = array<i32>} : memref<2x320x128xf32, #tpu.memory_space<vmem>>, vector<16xf32>,
        %mul3A_471 = arith.mulf %get3A_348, %get3A_470 : vector<16xf32>
        %add3A_472 = arith.addf %add3A_465, %mul3A_471 : vector<16xf32>
        %get3A_473 = arith.constant 0 : i32
        %get3A_474 = arith.index_cast %get3A_473 : i32 to index
        %get3A_475 = arith.index_cast %add3A_452 : i32 to index
        %get3A_476 = arith.constant 48 : index
        %get3A_477 = tpu.vector_load %arg14[%get3A_474, %get3A_475, %get3A_476] {strides = array<i32>} : memref<2x320x128xf32, #tpu.memory_space<vmem>>, vector<16xf32>,
        %mul3A_478 = arith.mulf %get3A_353, %get3A_477 : vector<16xf32>
        %add3A_479 = arith.addf %add3A_472, %mul3A_478 : vector<16xf32>
        %broadcast_in_dim3A_480 = arith.constant true
        %broadcast_in_dim3A_481 = vector.broadcast %broadcast_in_dim3A_480 : i1 to vector<16xi1>
        %masked_cumsum3A_482 = tpu.scan <sum>, %add3A_479 masked %broadcast_in_dim3A_481 : vector<16xf32>, vector<16xi1> -> vector<16xf32>
        %broadcast_in_dim3A_483 = vector.broadcast %add3A_452 : i32 to vector<16xi32>
        tpu.vector_store_idx %arg16[%broadcast_in_dim3A_483], %masked_cumsum3A_482 masked %eq3A_2 : memref<320xf32, #tpu.memory_space<vmem>>[vector<16xi32>], vector<16xf32>, vector<16xi1>
        %add3A_484 = arith.constant 3 : i32
        %add3A_485 = arith.addi %mul3A_384, %add3A_484 : i32
        %get3A_486 = arith.constant 0 : i32
        %get3A_487 = arith.index_cast %get3A_486 : i32 to index
        %get3A_488 = arith.index_cast %add3A_485 : i32 to index
        %get3A_489 = arith.constant 0 : index
        %get3A_490 = tpu.vector_load %arg14[%get3A_487, %get3A_488, %get3A_489] {strides = array<i32>} : memref<2x320x128xf32, #tpu.memory_space<vmem>>, vector<16xf32>,
        %mul3A_491 = arith.mulf %get3A_338, %get3A_490 : vector<16xf32>
        %get3A_492 = arith.constant 0 : i32
        %get3A_493 = arith.index_cast %get3A_492 : i32 to index
        %get3A_494 = arith.index_cast %add3A_485 : i32 to index
        %get3A_495 = arith.constant 16 : index
        %get3A_496 = tpu.vector_load %arg14[%get3A_493, %get3A_494, %get3A_495] {strides = array<i32>} : memref<2x320x128xf32, #tpu.memory_space<vmem>>, vector<16xf32>,
        %mul3A_497 = arith.mulf %get3A_343, %get3A_496 : vector<16xf32>
        %add3A_498 = arith.addf %mul3A_491, %mul3A_497 : vector<16xf32>
        %get3A_499 = arith.constant 0 : i32
        %get3A_500 = arith.index_cast %get3A_499 : i32 to index
        %get3A_501 = arith.index_cast %add3A_485 : i32 to index
        %get3A_502 = arith.constant 32 : index
        %get3A_503 = tpu.vector_load %arg14[%get3A_500, %get3A_501, %get3A_502] {strides = array<i32>} : memref<2x320x128xf32, #tpu.memory_space<vmem>>, vector<16xf32>,
        %mul3A_504 = arith.mulf %get3A_348, %get3A_503 : vector<16xf32>
        %add3A_505 = arith.addf %add3A_498, %mul3A_504 : vector<16xf32>
        %get3A_506 = arith.constant 0 : i32
        %get3A_507 = arith.index_cast %get3A_506 : i32 to index
        %get3A_508 = arith.index_cast %add3A_485 : i32 to index
        %get3A_509 = arith.constant 48 : index
        %get3A_510 = tpu.vector_load %arg14[%get3A_507, %get3A_508, %get3A_509] {strides = array<i32>} : memref<2x320x128xf32, #tpu.memory_space<vmem>>, vector<16xf32>,
        %mul3A_511 = arith.mulf %get3A_353, %get3A_510 : vector<16xf32>
        %add3A_512 = arith.addf %add3A_505, %mul3A_511 : vector<16xf32>
        %broadcast_in_dim3A_513 = arith.constant true
        %broadcast_in_dim3A_514 = vector.broadcast %broadcast_in_dim3A_513 : i1 to vector<16xi1>
        %masked_cumsum3A_515 = tpu.scan <sum>, %add3A_512 masked %broadcast_in_dim3A_514 : vector<16xf32>, vector<16xi1> -> vector<16xf32>
        %broadcast_in_dim3A_516 = vector.broadcast %add3A_485 : i32 to vector<16xi32>
        tpu.vector_store_idx %arg16[%broadcast_in_dim3A_516], %masked_cumsum3A_515 masked %eq3A_2 : memref<320xf32, #tpu.memory_space<vmem>>[vector<16xi32>], vector<16xf32>, vector<16xi1>
        %add3A_517 = arith.constant 4 : i32
        %add3A_518 = arith.addi %mul3A_384, %add3A_517 : i32
        %get3A_519 = arith.constant 0 : i32
        %get3A_520 = arith.index_cast %get3A_519 : i32 to index
        %get3A_521 = arith.index_cast %add3A_518 : i32 to index
        %get3A_522 = arith.constant 0 : index
        %get3A_523 = tpu.vector_load %arg14[%get3A_520, %get3A_521, %get3A_522] {strides = array<i32>} : memref<2x320x128xf32, #tpu.memory_space<vmem>>, vector<16xf32>,
        %mul3A_524 = arith.mulf %get3A_338, %get3A_523 : vector<16xf32>
        %get3A_525 = arith.constant 0 : i32
        %get3A_526 = arith.index_cast %get3A_525 : i32 to index
        %get3A_527 = arith.index_cast %add3A_518 : i32 to index
        %get3A_528 = arith.constant 16 : index
        %get3A_529 = tpu.vector_load %arg14[%get3A_526, %get3A_527, %get3A_528] {strides = array<i32>} : memref<2x320x128xf32, #tpu.memory_space<vmem>>, vector<16xf32>,
        %mul3A_530 = arith.mulf %get3A_343, %get3A_529 : vector<16xf32>
        %add3A_531 = arith.addf %mul3A_524, %mul3A_530 : vector<16xf32>
        %get3A_532 = arith.constant 0 : i32
        %get3A_533 = arith.index_cast %get3A_532 : i32 to index
        %get3A_534 = arith.index_cast %add3A_518 : i32 to index
        %get3A_535 = arith.constant 32 : index
        %get3A_536 = tpu.vector_load %arg14[%get3A_533, %get3A_534, %get3A_535] {strides = array<i32>} : memref<2x320x128xf32, #tpu.memory_space<vmem>>, vector<16xf32>,
        %mul3A_537 = arith.mulf %get3A_348, %get3A_536 : vector<16xf32>
        %add3A_538 = arith.addf %add3A_531, %mul3A_537 : vector<16xf32>
        %get3A_539 = arith.constant 0 : i32
        %get3A_540 = arith.index_cast %get3A_539 : i32 to index
        %get3A_541 = arith.index_cast %add3A_518 : i32 to index
        %get3A_542 = arith.constant 48 : index
        %get3A_543 = tpu.vector_load %arg14[%get3A_540, %get3A_541, %get3A_542] {strides = array<i32>} : memref<2x320x128xf32, #tpu.memory_space<vmem>>, vector<16xf32>,
        %mul3A_544 = arith.mulf %get3A_353, %get3A_543 : vector<16xf32>
        %add3A_545 = arith.addf %add3A_538, %mul3A_544 : vector<16xf32>
        %broadcast_in_dim3A_546 = arith.constant true
        %broadcast_in_dim3A_547 = vector.broadcast %broadcast_in_dim3A_546 : i1 to vector<16xi1>
        %masked_cumsum3A_548 = tpu.scan <sum>, %add3A_545 masked %broadcast_in_dim3A_547 : vector<16xf32>, vector<16xi1> -> vector<16xf32>
        %broadcast_in_dim3A_549 = vector.broadcast %add3A_518 : i32 to vector<16xi32>
        tpu.vector_store_idx %arg16[%broadcast_in_dim3A_549], %masked_cumsum3A_548 masked %eq3A_2 : memref<320xf32, #tpu.memory_space<vmem>>[vector<16xi32>], vector<16xf32>, vector<16xi1>
        %add3A_550 = arith.constant 5 : i32
        %add3A_551 = arith.addi %mul3A_384, %add3A_550 : i32
        %get3A_552 = arith.constant 0 : i32
        %get3A_553 = arith.index_cast %get3A_552 : i32 to index
        %get3A_554 = arith.index_cast %add3A_551 : i32 to index
        %get3A_555 = arith.constant 0 : index
        %get3A_556 = tpu.vector_load %arg14[%get3A_553, %get3A_554, %get3A_555] {strides = array<i32>} : memref<2x320x128xf32, #tpu.memory_space<vmem>>, vector<16xf32>,
        %mul3A_557 = arith.mulf %get3A_338, %get3A_556 : vector<16xf32>
        %get3A_558 = arith.constant 0 : i32
        %get3A_559 = arith.index_cast %get3A_558 : i32 to index
        %get3A_560 = arith.index_cast %add3A_551 : i32 to index
        %get3A_561 = arith.constant 16 : index
        %get3A_562 = tpu.vector_load %arg14[%get3A_559, %get3A_560, %get3A_561] {strides = array<i32>} : memref<2x320x128xf32, #tpu.memory_space<vmem>>, vector<16xf32>,
        %mul3A_563 = arith.mulf %get3A_343, %get3A_562 : vector<16xf32>
        %add3A_564 = arith.addf %mul3A_557, %mul3A_563 : vector<16xf32>
        %get3A_565 = arith.constant 0 : i32
        %get3A_566 = arith.index_cast %get3A_565 : i32 to index
        %get3A_567 = arith.index_cast %add3A_551 : i32 to index
        %get3A_568 = arith.constant 32 : index
        %get3A_569 = tpu.vector_load %arg14[%get3A_566, %get3A_567, %get3A_568] {strides = array<i32>} : memref<2x320x128xf32, #tpu.memory_space<vmem>>, vector<16xf32>,
        %mul3A_570 = arith.mulf %get3A_348, %get3A_569 : vector<16xf32>
        %add3A_571 = arith.addf %add3A_564, %mul3A_570 : vector<16xf32>
        %get3A_572 = arith.constant 0 : i32
        %get3A_573 = arith.index_cast %get3A_572 : i32 to index
        %get3A_574 = arith.index_cast %add3A_551 : i32 to index
        %get3A_575 = arith.constant 48 : index
        %get3A_576 = tpu.vector_load %arg14[%get3A_573, %get3A_574, %get3A_575] {strides = array<i32>} : memref<2x320x128xf32, #tpu.memory_space<vmem>>, vector<16xf32>,
        %mul3A_577 = arith.mulf %get3A_353, %get3A_576 : vector<16xf32>
        %add3A_578 = arith.addf %add3A_571, %mul3A_577 : vector<16xf32>
        %broadcast_in_dim3A_579 = arith.constant true
        %broadcast_in_dim3A_580 = vector.broadcast %broadcast_in_dim3A_579 : i1 to vector<16xi1>
        %masked_cumsum3A_581 = tpu.scan <sum>, %add3A_578 masked %broadcast_in_dim3A_580 : vector<16xf32>, vector<16xi1> -> vector<16xf32>
        %broadcast_in_dim3A_582 = vector.broadcast %add3A_551 : i32 to vector<16xi32>
        tpu.vector_store_idx %arg16[%broadcast_in_dim3A_582], %masked_cumsum3A_581 masked %eq3A_2 : memref<320xf32, #tpu.memory_space<vmem>>[vector<16xi32>], vector<16xf32>, vector<16xi1>
        %add3A_583 = arith.constant 6 : i32
        %add3A_584 = arith.addi %mul3A_384, %add3A_583 : i32
        %get3A_585 = arith.constant 0 : i32
        %get3A_586 = arith.index_cast %get3A_585 : i32 to index
        %get3A_587 = arith.index_cast %add3A_584 : i32 to index
        %get3A_588 = arith.constant 0 : index
        %get3A_589 = tpu.vector_load %arg14[%get3A_586, %get3A_587, %get3A_588] {strides = array<i32>} : memref<2x320x128xf32, #tpu.memory_space<vmem>>, vector<16xf32>,
        %mul3A_590 = arith.mulf %get3A_338, %get3A_589 : vector<16xf32>
        %get3A_591 = arith.constant 0 : i32
        %get3A_592 = arith.index_cast %get3A_591 : i32 to index
        %get3A_593 = arith.index_cast %add3A_584 : i32 to index
        %get3A_594 = arith.constant 16 : index
        %get3A_595 = tpu.vector_load %arg14[%get3A_592, %get3A_593, %get3A_594] {strides = array<i32>} : memref<2x320x128xf32, #tpu.memory_space<vmem>>, vector<16xf32>,
        %mul3A_596 = arith.mulf %get3A_343, %get3A_595 : vector<16xf32>
        %add3A_597 = arith.addf %mul3A_590, %mul3A_596 : vector<16xf32>
        %get3A_598 = arith.constant 0 : i32
        %get3A_599 = arith.index_cast %get3A_598 : i32 to index
        %get3A_600 = arith.index_cast %add3A_584 : i32 to index
        %get3A_601 = arith.constant 32 : index
        %get3A_602 = tpu.vector_load %arg14[%get3A_599, %get3A_600, %get3A_601] {strides = array<i32>} : memref<2x320x128xf32, #tpu.memory_space<vmem>>, vector<16xf32>,
        %mul3A_603 = arith.mulf %get3A_348, %get3A_602 : vector<16xf32>
        %add3A_604 = arith.addf %add3A_597, %mul3A_603 : vector<16xf32>
        %get3A_605 = arith.constant 0 : i32
        %get3A_606 = arith.index_cast %get3A_605 : i32 to index
        %get3A_607 = arith.index_cast %add3A_584 : i32 to index
        %get3A_608 = arith.constant 48 : index
        %get3A_609 = tpu.vector_load %arg14[%get3A_606, %get3A_607, %get3A_608] {strides = array<i32>} : memref<2x320x128xf32, #tpu.memory_space<vmem>>, vector<16xf32>,
        %mul3A_610 = arith.mulf %get3A_353, %get3A_609 : vector<16xf32>
        %add3A_611 = arith.addf %add3A_604, %mul3A_610 : vector<16xf32>
        %broadcast_in_dim3A_612 = arith.constant true
        %broadcast_in_dim3A_613 = vector.broadcast %broadcast_in_dim3A_612 : i1 to vector<16xi1>
        %masked_cumsum3A_614 = tpu.scan <sum>, %add3A_611 masked %broadcast_in_dim3A_613 : vector<16xf32>, vector<16xi1> -> vector<16xf32>
        %broadcast_in_dim3A_615 = vector.broadcast %add3A_584 : i32 to vector<16xi32>
        tpu.vector_store_idx %arg16[%broadcast_in_dim3A_615], %masked_cumsum3A_614 masked %eq3A_2 : memref<320xf32, #tpu.memory_space<vmem>>[vector<16xi32>], vector<16xf32>, vector<16xi1>
        %add3A_616 = arith.constant 7 : i32
        %add3A_617 = arith.addi %mul3A_384, %add3A_616 : i32
        %get3A_618 = arith.constant 0 : i32
        %get3A_619 = arith.index_cast %get3A_618 : i32 to index
        %get3A_620 = arith.index_cast %add3A_617 : i32 to index
        %get3A_621 = arith.constant 0 : index
        %get3A_622 = tpu.vector_load %arg14[%get3A_619, %get3A_620, %get3A_621] {strides = array<i32>} : memref<2x320x128xf32, #tpu.memory_space<vmem>>, vector<16xf32>,
        %mul3A_623 = arith.mulf %get3A_338, %get3A_622 : vector<16xf32>
        %get3A_624 = arith.constant 0 : i32
        %get3A_625 = arith.index_cast %get3A_624 : i32 to index
        %get3A_626 = arith.index_cast %add3A_617 : i32 to index
        %get3A_627 = arith.constant 16 : index
        %get3A_628 = tpu.vector_load %arg14[%get3A_625, %get3A_626, %get3A_627] {strides = array<i32>} : memref<2x320x128xf32, #tpu.memory_space<vmem>>, vector<16xf32>,
        %mul3A_629 = arith.mulf %get3A_343, %get3A_628 : vector<16xf32>
        %add3A_630 = arith.addf %mul3A_623, %mul3A_629 : vector<16xf32>
        %get3A_631 = arith.constant 0 : i32
        %get3A_632 = arith.index_cast %get3A_631 : i32 to index
        %get3A_633 = arith.index_cast %add3A_617 : i32 to index
        %get3A_634 = arith.constant 32 : index
        %get3A_635 = tpu.vector_load %arg14[%get3A_632, %get3A_633, %get3A_634] {strides = array<i32>} : memref<2x320x128xf32, #tpu.memory_space<vmem>>, vector<16xf32>,
        %mul3A_636 = arith.mulf %get3A_348, %get3A_635 : vector<16xf32>
        %add3A_637 = arith.addf %add3A_630, %mul3A_636 : vector<16xf32>
        %get3A_638 = arith.constant 0 : i32
        %get3A_639 = arith.index_cast %get3A_638 : i32 to index
        %get3A_640 = arith.index_cast %add3A_617 : i32 to index
        %get3A_641 = arith.constant 48 : index
        %get3A_642 = tpu.vector_load %arg14[%get3A_639, %get3A_640, %get3A_641] {strides = array<i32>} : memref<2x320x128xf32, #tpu.memory_space<vmem>>, vector<16xf32>,
        %mul3A_643 = arith.mulf %get3A_353, %get3A_642 : vector<16xf32>
        %add3A_644 = arith.addf %add3A_637, %mul3A_643 : vector<16xf32>
        %broadcast_in_dim3A_645 = arith.constant true
        %broadcast_in_dim3A_646 = vector.broadcast %broadcast_in_dim3A_645 : i1 to vector<16xi1>
        %masked_cumsum3A_647 = tpu.scan <sum>, %add3A_644 masked %broadcast_in_dim3A_646 : vector<16xf32>, vector<16xi1> -> vector<16xf32>
        %broadcast_in_dim3A_648 = vector.broadcast %add3A_617 : i32 to vector<16xi32>
        tpu.vector_store_idx %arg16[%broadcast_in_dim3A_648], %masked_cumsum3A_647 masked %eq3A_2 : memref<320xf32, #tpu.memory_space<vmem>>[vector<16xi32>], vector<16xf32>, vector<16xi1>
        %add3A_649 = arith.constant 8 : i32
        %add3A_650 = arith.addi %mul3A_384, %add3A_649 : i32
        %get3A_651 = arith.constant 0 : i32
        %get3A_652 = arith.index_cast %get3A_651 : i32 to index
        %get3A_653 = arith.index_cast %add3A_650 : i32 to index
        %get3A_654 = arith.constant 0 : index
        %get3A_655 = tpu.vector_load %arg14[%get3A_652, %get3A_653, %get3A_654] {strides = array<i32>} : memref<2x320x128xf32, #tpu.memory_space<vmem>>, vector<16xf32>,
        %mul3A_656 = arith.mulf %get3A_338, %get3A_655 : vector<16xf32>
        %get3A_657 = arith.constant 0 : i32
        %get3A_658 = arith.index_cast %get3A_657 : i32 to index
        %get3A_659 = arith.index_cast %add3A_650 : i32 to index
        %get3A_660 = arith.constant 16 : index
        %get3A_661 = tpu.vector_load %arg14[%get3A_658, %get3A_659, %get3A_660] {strides = array<i32>} : memref<2x320x128xf32, #tpu.memory_space<vmem>>, vector<16xf32>,
        %mul3A_662 = arith.mulf %get3A_343, %get3A_661 : vector<16xf32>
        %add3A_663 = arith.addf %mul3A_656, %mul3A_662 : vector<16xf32>
        %get3A_664 = arith.constant 0 : i32
        %get3A_665 = arith.index_cast %get3A_664 : i32 to index
        %get3A_666 = arith.index_cast %add3A_650 : i32 to index
        %get3A_667 = arith.constant 32 : index
        %get3A_668 = tpu.vector_load %arg14[%get3A_665, %get3A_666, %get3A_667] {strides = array<i32>} : memref<2x320x128xf32, #tpu.memory_space<vmem>>, vector<16xf32>,
        %mul3A_669 = arith.mulf %get3A_348, %get3A_668 : vector<16xf32>
        %add3A_670 = arith.addf %add3A_663, %mul3A_669 : vector<16xf32>
        %get3A_671 = arith.constant 0 : i32
        %get3A_672 = arith.index_cast %get3A_671 : i32 to index
        %get3A_673 = arith.index_cast %add3A_650 : i32 to index
        %get3A_674 = arith.constant 48 : index
        %get3A_675 = tpu.vector_load %arg14[%get3A_672, %get3A_673, %get3A_674] {strides = array<i32>} : memref<2x320x128xf32, #tpu.memory_space<vmem>>, vector<16xf32>,
        %mul3A_676 = arith.mulf %get3A_353, %get3A_675 : vector<16xf32>
        %add3A_677 = arith.addf %add3A_670, %mul3A_676 : vector<16xf32>
        %broadcast_in_dim3A_678 = arith.constant true
        %broadcast_in_dim3A_679 = vector.broadcast %broadcast_in_dim3A_678 : i1 to vector<16xi1>
        %masked_cumsum3A_680 = tpu.scan <sum>, %add3A_677 masked %broadcast_in_dim3A_679 : vector<16xf32>, vector<16xi1> -> vector<16xf32>
        %broadcast_in_dim3A_681 = vector.broadcast %add3A_650 : i32 to vector<16xi32>
        tpu.vector_store_idx %arg16[%broadcast_in_dim3A_681], %masked_cumsum3A_680 masked %eq3A_2 : memref<320xf32, #tpu.memory_space<vmem>>[vector<16xi32>], vector<16xf32>, vector<16xi1>
        %add3A_682 = arith.constant 9 : i32
        %add3A_683 = arith.addi %mul3A_384, %add3A_682 : i32
        %get3A_684 = arith.constant 0 : i32
        %get3A_685 = arith.index_cast %get3A_684 : i32 to index
        %get3A_686 = arith.index_cast %add3A_683 : i32 to index
        %get3A_687 = arith.constant 0 : index
        %get3A_688 = tpu.vector_load %arg14[%get3A_685, %get3A_686, %get3A_687] {strides = array<i32>} : memref<2x320x128xf32, #tpu.memory_space<vmem>>, vector<16xf32>,
        %mul3A_689 = arith.mulf %get3A_338, %get3A_688 : vector<16xf32>
        %get3A_690 = arith.constant 0 : i32
        %get3A_691 = arith.index_cast %get3A_690 : i32 to index
        %get3A_692 = arith.index_cast %add3A_683 : i32 to index
        %get3A_693 = arith.constant 16 : index
        %get3A_694 = tpu.vector_load %arg14[%get3A_691, %get3A_692, %get3A_693] {strides = array<i32>} : memref<2x320x128xf32, #tpu.memory_space<vmem>>, vector<16xf32>,
        %mul3A_695 = arith.mulf %get3A_343, %get3A_694 : vector<16xf32>
        %add3A_696 = arith.addf %mul3A_689, %mul3A_695 : vector<16xf32>
        %get3A_697 = arith.constant 0 : i32
        %get3A_698 = arith.index_cast %get3A_697 : i32 to index
        %get3A_699 = arith.index_cast %add3A_683 : i32 to index
        %get3A_700 = arith.constant 32 : index
        %get3A_701 = tpu.vector_load %arg14[%get3A_698, %get3A_699, %get3A_700] {strides = array<i32>} : memref<2x320x128xf32, #tpu.memory_space<vmem>>, vector<16xf32>,
        %mul3A_702 = arith.mulf %get3A_348, %get3A_701 : vector<16xf32>
        %add3A_703 = arith.addf %add3A_696, %mul3A_702 : vector<16xf32>
        %get3A_704 = arith.constant 0 : i32
        %get3A_705 = arith.index_cast %get3A_704 : i32 to index
        %get3A_706 = arith.index_cast %add3A_683 : i32 to index
        %get3A_707 = arith.constant 48 : index
        %get3A_708 = tpu.vector_load %arg14[%get3A_705, %get3A_706, %get3A_707] {strides = array<i32>} : memref<2x320x128xf32, #tpu.memory_space<vmem>>, vector<16xf32>,
        %mul3A_709 = arith.mulf %get3A_353, %get3A_708 : vector<16xf32>
        %add3A_710 = arith.addf %add3A_703, %mul3A_709 : vector<16xf32>
        %broadcast_in_dim3A_711 = arith.constant true
        %broadcast_in_dim3A_712 = vector.broadcast %broadcast_in_dim3A_711 : i1 to vector<16xi1>
        %masked_cumsum3A_713 = tpu.scan <sum>, %add3A_710 masked %broadcast_in_dim3A_712 : vector<16xf32>, vector<16xi1> -> vector<16xf32>
        %broadcast_in_dim3A_714 = vector.broadcast %add3A_683 : i32 to vector<16xi32>
        tpu.vector_store_idx %arg16[%broadcast_in_dim3A_714], %masked_cumsum3A_713 masked %eq3A_2 : memref<320xf32, #tpu.memory_space<vmem>>[vector<16xi32>], vector<16xf32>, vector<16xi1>
        %add3A_715 = arith.constant 10 : i32
        %add3A_716 = arith.addi %mul3A_384, %add3A_715 : i32
        %get3A_717 = arith.constant 0 : i32
        %get3A_718 = arith.index_cast %get3A_717 : i32 to index
        %get3A_719 = arith.index_cast %add3A_716 : i32 to index
        %get3A_720 = arith.constant 0 : index
        %get3A_721 = tpu.vector_load %arg14[%get3A_718, %get3A_719, %get3A_720] {strides = array<i32>} : memref<2x320x128xf32, #tpu.memory_space<vmem>>, vector<16xf32>,
        %mul3A_722 = arith.mulf %get3A_338, %get3A_721 : vector<16xf32>
        %get3A_723 = arith.constant 0 : i32
        %get3A_724 = arith.index_cast %get3A_723 : i32 to index
        %get3A_725 = arith.index_cast %add3A_716 : i32 to index
        %get3A_726 = arith.constant 16 : index
        %get3A_727 = tpu.vector_load %arg14[%get3A_724, %get3A_725, %get3A_726] {strides = array<i32>} : memref<2x320x128xf32, #tpu.memory_space<vmem>>, vector<16xf32>,
        %mul3A_728 = arith.mulf %get3A_343, %get3A_727 : vector<16xf32>
        %add3A_729 = arith.addf %mul3A_722, %mul3A_728 : vector<16xf32>
        %get3A_730 = arith.constant 0 : i32
        %get3A_731 = arith.index_cast %get3A_730 : i32 to index
        %get3A_732 = arith.index_cast %add3A_716 : i32 to index
        %get3A_733 = arith.constant 32 : index
        %get3A_734 = tpu.vector_load %arg14[%get3A_731, %get3A_732, %get3A_733] {strides = array<i32>} : memref<2x320x128xf32, #tpu.memory_space<vmem>>, vector<16xf32>,
        %mul3A_735 = arith.mulf %get3A_348, %get3A_734 : vector<16xf32>
        %add3A_736 = arith.addf %add3A_729, %mul3A_735 : vector<16xf32>
        %get3A_737 = arith.constant 0 : i32
        %get3A_738 = arith.index_cast %get3A_737 : i32 to index
        %get3A_739 = arith.index_cast %add3A_716 : i32 to index
        %get3A_740 = arith.constant 48 : index
        %get3A_741 = tpu.vector_load %arg14[%get3A_738, %get3A_739, %get3A_740] {strides = array<i32>} : memref<2x320x128xf32, #tpu.memory_space<vmem>>, vector<16xf32>,
        %mul3A_742 = arith.mulf %get3A_353, %get3A_741 : vector<16xf32>
        %add3A_743 = arith.addf %add3A_736, %mul3A_742 : vector<16xf32>
        %broadcast_in_dim3A_744 = arith.constant true
        %broadcast_in_dim3A_745 = vector.broadcast %broadcast_in_dim3A_744 : i1 to vector<16xi1>
        %masked_cumsum3A_746 = tpu.scan <sum>, %add3A_743 masked %broadcast_in_dim3A_745 : vector<16xf32>, vector<16xi1> -> vector<16xf32>
        %broadcast_in_dim3A_747 = vector.broadcast %add3A_716 : i32 to vector<16xi32>
        tpu.vector_store_idx %arg16[%broadcast_in_dim3A_747], %masked_cumsum3A_746 masked %eq3A_2 : memref<320xf32, #tpu.memory_space<vmem>>[vector<16xi32>], vector<16xf32>, vector<16xi1>
        %add3A_748 = arith.constant 11 : i32
        %add3A_749 = arith.addi %mul3A_384, %add3A_748 : i32
        %get3A_750 = arith.constant 0 : i32
        %get3A_751 = arith.index_cast %get3A_750 : i32 to index
        %get3A_752 = arith.index_cast %add3A_749 : i32 to index
        %get3A_753 = arith.constant 0 : index
        %get3A_754 = tpu.vector_load %arg14[%get3A_751, %get3A_752, %get3A_753] {strides = array<i32>} : memref<2x320x128xf32, #tpu.memory_space<vmem>>, vector<16xf32>,
        %mul3A_755 = arith.mulf %get3A_338, %get3A_754 : vector<16xf32>
        %get3A_756 = arith.constant 0 : i32
        %get3A_757 = arith.index_cast %get3A_756 : i32 to index
        %get3A_758 = arith.index_cast %add3A_749 : i32 to index
        %get3A_759 = arith.constant 16 : index
        %get3A_760 = tpu.vector_load %arg14[%get3A_757, %get3A_758, %get3A_759] {strides = array<i32>} : memref<2x320x128xf32, #tpu.memory_space<vmem>>, vector<16xf32>,
        %mul3A_761 = arith.mulf %get3A_343, %get3A_760 : vector<16xf32>
        %add3A_762 = arith.addf %mul3A_755, %mul3A_761 : vector<16xf32>
        %get3A_763 = arith.constant 0 : i32
        %get3A_764 = arith.index_cast %get3A_763 : i32 to index
        %get3A_765 = arith.index_cast %add3A_749 : i32 to index
        %get3A_766 = arith.constant 32 : index
        %get3A_767 = tpu.vector_load %arg14[%get3A_764, %get3A_765, %get3A_766] {strides = array<i32>} : memref<2x320x128xf32, #tpu.memory_space<vmem>>, vector<16xf32>,
        %mul3A_768 = arith.mulf %get3A_348, %get3A_767 : vector<16xf32>
        %add3A_769 = arith.addf %add3A_762, %mul3A_768 : vector<16xf32>
        %get3A_770 = arith.constant 0 : i32
        %get3A_771 = arith.index_cast %get3A_770 : i32 to index
        %get3A_772 = arith.index_cast %add3A_749 : i32 to index
        %get3A_773 = arith.constant 48 : index
        %get3A_774 = tpu.vector_load %arg14[%get3A_771, %get3A_772, %get3A_773] {strides = array<i32>} : memref<2x320x128xf32, #tpu.memory_space<vmem>>, vector<16xf32>,
        %mul3A_775 = arith.mulf %get3A_353, %get3A_774 : vector<16xf32>
        %add3A_776 = arith.addf %add3A_769, %mul3A_775 : vector<16xf32>
        %broadcast_in_dim3A_777 = arith.constant true
        %broadcast_in_dim3A_778 = vector.broadcast %broadcast_in_dim3A_777 : i1 to vector<16xi1>
        %masked_cumsum3A_779 = tpu.scan <sum>, %add3A_776 masked %broadcast_in_dim3A_778 : vector<16xf32>, vector<16xi1> -> vector<16xf32>
        %broadcast_in_dim3A_780 = vector.broadcast %add3A_749 : i32 to vector<16xi32>
        tpu.vector_store_idx %arg16[%broadcast_in_dim3A_780], %masked_cumsum3A_779 masked %eq3A_2 : memref<320xf32, #tpu.memory_space<vmem>>[vector<16xi32>], vector<16xf32>, vector<16xi1>
        %add3A_781 = arith.constant 12 : i32
        %add3A_782 = arith.addi %mul3A_384, %add3A_781 : i32
        %get3A_783 = arith.constant 0 : i32
        %get3A_784 = arith.index_cast %get3A_783 : i32 to index
        %get3A_785 = arith.index_cast %add3A_782 : i32 to index
        %get3A_786 = arith.constant 0 : index
        %get3A_787 = tpu.vector_load %arg14[%get3A_784, %get3A_785, %get3A_786] {strides = array<i32>} : memref<2x320x128xf32, #tpu.memory_space<vmem>>, vector<16xf32>,
        %mul3A_788 = arith.mulf %get3A_338, %get3A_787 : vector<16xf32>
        %get3A_789 = arith.constant 0 : i32
        %get3A_790 = arith.index_cast %get3A_789 : i32 to index
        %get3A_791 = arith.index_cast %add3A_782 : i32 to index
        %get3A_792 = arith.constant 16 : index
        %get3A_793 = tpu.vector_load %arg14[%get3A_790, %get3A_791, %get3A_792] {strides = array<i32>} : memref<2x320x128xf32, #tpu.memory_space<vmem>>, vector<16xf32>,
        %mul3A_794 = arith.mulf %get3A_343, %get3A_793 : vector<16xf32>
        %add3A_795 = arith.addf %mul3A_788, %mul3A_794 : vector<16xf32>
        %get3A_796 = arith.constant 0 : i32
        %get3A_797 = arith.index_cast %get3A_796 : i32 to index
        %get3A_798 = arith.index_cast %add3A_782 : i32 to index
        %get3A_799 = arith.constant 32 : index
        %get3A_800 = tpu.vector_load %arg14[%get3A_797, %get3A_798, %get3A_799] {strides = array<i32>} : memref<2x320x128xf32, #tpu.memory_space<vmem>>, vector<16xf32>,
        %mul3A_801 = arith.mulf %get3A_348, %get3A_800 : vector<16xf32>
        %add3A_802 = arith.addf %add3A_795, %mul3A_801 : vector<16xf32>
        %get3A_803 = arith.constant 0 : i32
        %get3A_804 = arith.index_cast %get3A_803 : i32 to index
        %get3A_805 = arith.index_cast %add3A_782 : i32 to index
        %get3A_806 = arith.constant 48 : index
        %get3A_807 = tpu.vector_load %arg14[%get3A_804, %get3A_805, %get3A_806] {strides = array<i32>} : memref<2x320x128xf32, #tpu.memory_space<vmem>>, vector<16xf32>,
        %mul3A_808 = arith.mulf %get3A_353, %get3A_807 : vector<16xf32>
        %add3A_809 = arith.addf %add3A_802, %mul3A_808 : vector<16xf32>
        %broadcast_in_dim3A_810 = arith.constant true
        %broadcast_in_dim3A_811 = vector.broadcast %broadcast_in_dim3A_810 : i1 to vector<16xi1>
        %masked_cumsum3A_812 = tpu.scan <sum>, %add3A_809 masked %broadcast_in_dim3A_811 : vector<16xf32>, vector<16xi1> -> vector<16xf32>
        %broadcast_in_dim3A_813 = vector.broadcast %add3A_782 : i32 to vector<16xi32>
        tpu.vector_store_idx %arg16[%broadcast_in_dim3A_813], %masked_cumsum3A_812 masked %eq3A_2 : memref<320xf32, #tpu.memory_space<vmem>>[vector<16xi32>], vector<16xf32>, vector<16xi1>
        %add3A_814 = arith.constant 13 : i32
        %add3A_815 = arith.addi %mul3A_384, %add3A_814 : i32
        %get3A_816 = arith.constant 0 : i32
        %get3A_817 = arith.index_cast %get3A_816 : i32 to index
        %get3A_818 = arith.index_cast %add3A_815 : i32 to index
        %get3A_819 = arith.constant 0 : index
        %get3A_820 = tpu.vector_load %arg14[%get3A_817, %get3A_818, %get3A_819] {strides = array<i32>} : memref<2x320x128xf32, #tpu.memory_space<vmem>>, vector<16xf32>,
        %mul3A_821 = arith.mulf %get3A_338, %get3A_820 : vector<16xf32>
        %get3A_822 = arith.constant 0 : i32
        %get3A_823 = arith.index_cast %get3A_822 : i32 to index
        %get3A_824 = arith.index_cast %add3A_815 : i32 to index
        %get3A_825 = arith.constant 16 : index
        %get3A_826 = tpu.vector_load %arg14[%get3A_823, %get3A_824, %get3A_825] {strides = array<i32>} : memref<2x320x128xf32, #tpu.memory_space<vmem>>, vector<16xf32>,
        %mul3A_827 = arith.mulf %get3A_343, %get3A_826 : vector<16xf32>
        %add3A_828 = arith.addf %mul3A_821, %mul3A_827 : vector<16xf32>
        %get3A_829 = arith.constant 0 : i32
        %get3A_830 = arith.index_cast %get3A_829 : i32 to index
        %get3A_831 = arith.index_cast %add3A_815 : i32 to index
        %get3A_832 = arith.constant 32 : index
        %get3A_833 = tpu.vector_load %arg14[%get3A_830, %get3A_831, %get3A_832] {strides = array<i32>} : memref<2x320x128xf32, #tpu.memory_space<vmem>>, vector<16xf32>,
        %mul3A_834 = arith.mulf %get3A_348, %get3A_833 : vector<16xf32>
        %add3A_835 = arith.addf %add3A_828, %mul3A_834 : vector<16xf32>
        %get3A_836 = arith.constant 0 : i32
        %get3A_837 = arith.index_cast %get3A_836 : i32 to index
        %get3A_838 = arith.index_cast %add3A_815 : i32 to index
        %get3A_839 = arith.constant 48 : index
        %get3A_840 = tpu.vector_load %arg14[%get3A_837, %get3A_838, %get3A_839] {strides = array<i32>} : memref<2x320x128xf32, #tpu.memory_space<vmem>>, vector<16xf32>,
        %mul3A_841 = arith.mulf %get3A_353, %get3A_840 : vector<16xf32>
        %add3A_842 = arith.addf %add3A_835, %mul3A_841 : vector<16xf32>
        %broadcast_in_dim3A_843 = arith.constant true
        %broadcast_in_dim3A_844 = vector.broadcast %broadcast_in_dim3A_843 : i1 to vector<16xi1>
        %masked_cumsum3A_845 = tpu.scan <sum>, %add3A_842 masked %broadcast_in_dim3A_844 : vector<16xf32>, vector<16xi1> -> vector<16xf32>
        %broadcast_in_dim3A_846 = vector.broadcast %add3A_815 : i32 to vector<16xi32>
        tpu.vector_store_idx %arg16[%broadcast_in_dim3A_846], %masked_cumsum3A_845 masked %eq3A_2 : memref<320xf32, #tpu.memory_space<vmem>>[vector<16xi32>], vector<16xf32>, vector<16xi1>
        %add3A_847 = arith.constant 14 : i32
        %add3A_848 = arith.addi %mul3A_384, %add3A_847 : i32
        %get3A_849 = arith.constant 0 : i32
        %get3A_850 = arith.index_cast %get3A_849 : i32 to index
        %get3A_851 = arith.index_cast %add3A_848 : i32 to index
        %get3A_852 = arith.constant 0 : index
        %get3A_853 = tpu.vector_load %arg14[%get3A_850, %get3A_851, %get3A_852] {strides = array<i32>} : memref<2x320x128xf32, #tpu.memory_space<vmem>>, vector<16xf32>,
        %mul3A_854 = arith.mulf %get3A_338, %get3A_853 : vector<16xf32>
        %get3A_855 = arith.constant 0 : i32
        %get3A_856 = arith.index_cast %get3A_855 : i32 to index
        %get3A_857 = arith.index_cast %add3A_848 : i32 to index
        %get3A_858 = arith.constant 16 : index
        %get3A_859 = tpu.vector_load %arg14[%get3A_856, %get3A_857, %get3A_858] {strides = array<i32>} : memref<2x320x128xf32, #tpu.memory_space<vmem>>, vector<16xf32>,
        %mul3A_860 = arith.mulf %get3A_343, %get3A_859 : vector<16xf32>
        %add3A_861 = arith.addf %mul3A_854, %mul3A_860 : vector<16xf32>
        %get3A_862 = arith.constant 0 : i32
        %get3A_863 = arith.index_cast %get3A_862 : i32 to index
        %get3A_864 = arith.index_cast %add3A_848 : i32 to index
        %get3A_865 = arith.constant 32 : index
        %get3A_866 = tpu.vector_load %arg14[%get3A_863, %get3A_864, %get3A_865] {strides = array<i32>} : memref<2x320x128xf32, #tpu.memory_space<vmem>>, vector<16xf32>,
        %mul3A_867 = arith.mulf %get3A_348, %get3A_866 : vector<16xf32>
        %add3A_868 = arith.addf %add3A_861, %mul3A_867 : vector<16xf32>
        %get3A_869 = arith.constant 0 : i32
        %get3A_870 = arith.index_cast %get3A_869 : i32 to index
        %get3A_871 = arith.index_cast %add3A_848 : i32 to index
        %get3A_872 = arith.constant 48 : index
        %get3A_873 = tpu.vector_load %arg14[%get3A_870, %get3A_871, %get3A_872] {strides = array<i32>} : memref<2x320x128xf32, #tpu.memory_space<vmem>>, vector<16xf32>,
        %mul3A_874 = arith.mulf %get3A_353, %get3A_873 : vector<16xf32>
        %add3A_875 = arith.addf %add3A_868, %mul3A_874 : vector<16xf32>
        %broadcast_in_dim3A_876 = arith.constant true
        %broadcast_in_dim3A_877 = vector.broadcast %broadcast_in_dim3A_876 : i1 to vector<16xi1>
        %masked_cumsum3A_878 = tpu.scan <sum>, %add3A_875 masked %broadcast_in_dim3A_877 : vector<16xf32>, vector<16xi1> -> vector<16xf32>
        %broadcast_in_dim3A_879 = vector.broadcast %add3A_848 : i32 to vector<16xi32>
        tpu.vector_store_idx %arg16[%broadcast_in_dim3A_879], %masked_cumsum3A_878 masked %eq3A_2 : memref<320xf32, #tpu.memory_space<vmem>>[vector<16xi32>], vector<16xf32>, vector<16xi1>
        %add3A_880 = arith.constant 15 : i32
        %add3A_881 = arith.addi %mul3A_384, %add3A_880 : i32
        %get3A_882 = arith.constant 0 : i32
        %get3A_883 = arith.index_cast %get3A_882 : i32 to index
        %get3A_884 = arith.index_cast %add3A_881 : i32 to index
        %get3A_885 = arith.constant 0 : index
        %get3A_886 = tpu.vector_load %arg14[%get3A_883, %get3A_884, %get3A_885] {strides = array<i32>} : memref<2x320x128xf32, #tpu.memory_space<vmem>>, vector<16xf32>,
        %mul3A_887 = arith.mulf %get3A_338, %get3A_886 : vector<16xf32>
        %get3A_888 = arith.constant 0 : i32
        %get3A_889 = arith.index_cast %get3A_888 : i32 to index
        %get3A_890 = arith.index_cast %add3A_881 : i32 to index
        %get3A_891 = arith.constant 16 : index
        %get3A_892 = tpu.vector_load %arg14[%get3A_889, %get3A_890, %get3A_891] {strides = array<i32>} : memref<2x320x128xf32, #tpu.memory_space<vmem>>, vector<16xf32>,
        %mul3A_893 = arith.mulf %get3A_343, %get3A_892 : vector<16xf32>
        %add3A_894 = arith.addf %mul3A_887, %mul3A_893 : vector<16xf32>
        %get3A_895 = arith.constant 0 : i32
        %get3A_896 = arith.index_cast %get3A_895 : i32 to index
        %get3A_897 = arith.index_cast %add3A_881 : i32 to index
        %get3A_898 = arith.constant 32 : index
        %get3A_899 = tpu.vector_load %arg14[%get3A_896, %get3A_897, %get3A_898] {strides = array<i32>} : memref<2x320x128xf32, #tpu.memory_space<vmem>>, vector<16xf32>,
        %mul3A_900 = arith.mulf %get3A_348, %get3A_899 : vector<16xf32>
        %add3A_901 = arith.addf %add3A_894, %mul3A_900 : vector<16xf32>
        %get3A_902 = arith.constant 0 : i32
        %get3A_903 = arith.index_cast %get3A_902 : i32 to index
        %get3A_904 = arith.index_cast %add3A_881 : i32 to index
        %get3A_905 = arith.constant 48 : index
        %get3A_906 = tpu.vector_load %arg14[%get3A_903, %get3A_904, %get3A_905] {strides = array<i32>} : memref<2x320x128xf32, #tpu.memory_space<vmem>>, vector<16xf32>,
        %mul3A_907 = arith.mulf %get3A_353, %get3A_906 : vector<16xf32>
        %add3A_908 = arith.addf %add3A_901, %mul3A_907 : vector<16xf32>
        %broadcast_in_dim3A_909 = arith.constant true
        %broadcast_in_dim3A_910 = vector.broadcast %broadcast_in_dim3A_909 : i1 to vector<16xi1>
        %masked_cumsum3A_911 = tpu.scan <sum>, %add3A_908 masked %broadcast_in_dim3A_910 : vector<16xf32>, vector<16xi1> -> vector<16xf32>
        %broadcast_in_dim3A_912 = vector.broadcast %add3A_881 : i32 to vector<16xi32>
        tpu.vector_store_idx %arg16[%broadcast_in_dim3A_912], %masked_cumsum3A_911 masked %eq3A_2 : memref<320xf32, #tpu.memory_space<vmem>>[vector<16xi32>], vector<16xf32>, vector<16xi1>
        %add3A_913 = arith.constant 16 : i32
        %add3A_914 = arith.addi %mul3A_384, %add3A_913 : i32
        %get3A_915 = arith.constant 0 : i32
        %get3A_916 = arith.index_cast %get3A_915 : i32 to index
        %get3A_917 = arith.index_cast %add3A_914 : i32 to index
        %get3A_918 = arith.constant 0 : index
        %get3A_919 = tpu.vector_load %arg14[%get3A_916, %get3A_917, %get3A_918] {strides = array<i32>} : memref<2x320x128xf32, #tpu.memory_space<vmem>>, vector<16xf32>,
        %mul3A_920 = arith.mulf %get3A_338, %get3A_919 : vector<16xf32>
        %get3A_921 = arith.constant 0 : i32
        %get3A_922 = arith.index_cast %get3A_921 : i32 to index
        %get3A_923 = arith.index_cast %add3A_914 : i32 to index
        %get3A_924 = arith.constant 16 : index
        %get3A_925 = tpu.vector_load %arg14[%get3A_922, %get3A_923, %get3A_924] {strides = array<i32>} : memref<2x320x128xf32, #tpu.memory_space<vmem>>, vector<16xf32>,
        %mul3A_926 = arith.mulf %get3A_343, %get3A_925 : vector<16xf32>
        %add3A_927 = arith.addf %mul3A_920, %mul3A_926 : vector<16xf32>
        %get3A_928 = arith.constant 0 : i32
        %get3A_929 = arith.index_cast %get3A_928 : i32 to index
        %get3A_930 = arith.index_cast %add3A_914 : i32 to index
        %get3A_931 = arith.constant 32 : index
        %get3A_932 = tpu.vector_load %arg14[%get3A_929, %get3A_930, %get3A_931] {strides = array<i32>} : memref<2x320x128xf32, #tpu.memory_space<vmem>>, vector<16xf32>,
        %mul3A_933 = arith.mulf %get3A_348, %get3A_932 : vector<16xf32>
        %add3A_934 = arith.addf %add3A_927, %mul3A_933 : vector<16xf32>
        %get3A_935 = arith.constant 0 : i32
        %get3A_936 = arith.index_cast %get3A_935 : i32 to index
        %get3A_937 = arith.index_cast %add3A_914 : i32 to index
        %get3A_938 = arith.constant 48 : index
        %get3A_939 = tpu.vector_load %arg14[%get3A_936, %get3A_937, %get3A_938] {strides = array<i32>} : memref<2x320x128xf32, #tpu.memory_space<vmem>>, vector<16xf32>,
        %mul3A_940 = arith.mulf %get3A_353, %get3A_939 : vector<16xf32>
        %add3A_941 = arith.addf %add3A_934, %mul3A_940 : vector<16xf32>
        %broadcast_in_dim3A_942 = arith.constant true
        %broadcast_in_dim3A_943 = vector.broadcast %broadcast_in_dim3A_942 : i1 to vector<16xi1>
        %masked_cumsum3A_944 = tpu.scan <sum>, %add3A_941 masked %broadcast_in_dim3A_943 : vector<16xf32>, vector<16xi1> -> vector<16xf32>
        %broadcast_in_dim3A_945 = vector.broadcast %add3A_914 : i32 to vector<16xi32>
        tpu.vector_store_idx %arg16[%broadcast_in_dim3A_945], %masked_cumsum3A_944 masked %eq3A_2 : memref<320xf32, #tpu.memory_space<vmem>>[vector<16xi32>], vector<16xf32>, vector<16xi1>
        %add3A_946 = arith.constant 17 : i32
        %add3A_947 = arith.addi %mul3A_384, %add3A_946 : i32
        %get3A_948 = arith.constant 0 : i32
        %get3A_949 = arith.index_cast %get3A_948 : i32 to index
        %get3A_950 = arith.index_cast %add3A_947 : i32 to index
        %get3A_951 = arith.constant 0 : index
        %get3A_952 = tpu.vector_load %arg14[%get3A_949, %get3A_950, %get3A_951] {strides = array<i32>} : memref<2x320x128xf32, #tpu.memory_space<vmem>>, vector<16xf32>,
        %mul3A_953 = arith.mulf %get3A_338, %get3A_952 : vector<16xf32>
        %get3A_954 = arith.constant 0 : i32
        %get3A_955 = arith.index_cast %get3A_954 : i32 to index
        %get3A_956 = arith.index_cast %add3A_947 : i32 to index
        %get3A_957 = arith.constant 16 : index
        %get3A_958 = tpu.vector_load %arg14[%get3A_955, %get3A_956, %get3A_957] {strides = array<i32>} : memref<2x320x128xf32, #tpu.memory_space<vmem>>, vector<16xf32>,
        %mul3A_959 = arith.mulf %get3A_343, %get3A_958 : vector<16xf32>
        %add3A_960 = arith.addf %mul3A_953, %mul3A_959 : vector<16xf32>
        %get3A_961 = arith.constant 0 : i32
        %get3A_962 = arith.index_cast %get3A_961 : i32 to index
        %get3A_963 = arith.index_cast %add3A_947 : i32 to index
        %get3A_964 = arith.constant 32 : index
        %get3A_965 = tpu.vector_load %arg14[%get3A_962, %get3A_963, %get3A_964] {strides = array<i32>} : memref<2x320x128xf32, #tpu.memory_space<vmem>>, vector<16xf32>,
        %mul3A_966 = arith.mulf %get3A_348, %get3A_965 : vector<16xf32>
        %add3A_967 = arith.addf %add3A_960, %mul3A_966 : vector<16xf32>
        %get3A_968 = arith.constant 0 : i32
        %get3A_969 = arith.index_cast %get3A_968 : i32 to index
        %get3A_970 = arith.index_cast %add3A_947 : i32 to index
        %get3A_971 = arith.constant 48 : index
        %get3A_972 = tpu.vector_load %arg14[%get3A_969, %get3A_970, %get3A_971] {strides = array<i32>} : memref<2x320x128xf32, #tpu.memory_space<vmem>>, vector<16xf32>,
        %mul3A_973 = arith.mulf %get3A_353, %get3A_972 : vector<16xf32>
        %add3A_974 = arith.addf %add3A_967, %mul3A_973 : vector<16xf32>
        %broadcast_in_dim3A_975 = arith.constant true
        %broadcast_in_dim3A_976 = vector.broadcast %broadcast_in_dim3A_975 : i1 to vector<16xi1>
        %masked_cumsum3A_977 = tpu.scan <sum>, %add3A_974 masked %broadcast_in_dim3A_976 : vector<16xf32>, vector<16xi1> -> vector<16xf32>
        %broadcast_in_dim3A_978 = vector.broadcast %add3A_947 : i32 to vector<16xi32>
        tpu.vector_store_idx %arg16[%broadcast_in_dim3A_978], %masked_cumsum3A_977 masked %eq3A_2 : memref<320xf32, #tpu.memory_space<vmem>>[vector<16xi32>], vector<16xf32>, vector<16xi1>
        %add3A_979 = arith.constant 18 : i32
        %add3A_980 = arith.addi %mul3A_384, %add3A_979 : i32
        %get3A_981 = arith.constant 0 : i32
        %get3A_982 = arith.index_cast %get3A_981 : i32 to index
        %get3A_983 = arith.index_cast %add3A_980 : i32 to index
        %get3A_984 = arith.constant 0 : index
        %get3A_985 = tpu.vector_load %arg14[%get3A_982, %get3A_983, %get3A_984] {strides = array<i32>} : memref<2x320x128xf32, #tpu.memory_space<vmem>>, vector<16xf32>,
        %mul3A_986 = arith.mulf %get3A_338, %get3A_985 : vector<16xf32>
        %get3A_987 = arith.constant 0 : i32
        %get3A_988 = arith.index_cast %get3A_987 : i32 to index
        %get3A_989 = arith.index_cast %add3A_980 : i32 to index
        %get3A_990 = arith.constant 16 : index
        %get3A_991 = tpu.vector_load %arg14[%get3A_988, %get3A_989, %get3A_990] {strides = array<i32>} : memref<2x320x128xf32, #tpu.memory_space<vmem>>, vector<16xf32>,
        %mul3A_992 = arith.mulf %get3A_343, %get3A_991 : vector<16xf32>
        %add3A_993 = arith.addf %mul3A_986, %mul3A_992 : vector<16xf32>
        %get3A_994 = arith.constant 0 : i32
        %get3A_995 = arith.index_cast %get3A_994 : i32 to index
        %get3A_996 = arith.index_cast %add3A_980 : i32 to index
        %get3A_997 = arith.constant 32 : index
        %get3A_998 = tpu.vector_load %arg14[%get3A_995, %get3A_996, %get3A_997] {strides = array<i32>} : memref<2x320x128xf32, #tpu.memory_space<vmem>>, vector<16xf32>,
        %mul3A_999 = arith.mulf %get3A_348, %get3A_998 : vector<16xf32>
        %add3A_1000 = arith.addf %add3A_993, %mul3A_999 : vector<16xf32>
        %get3A_1001 = arith.constant 0 : i32
        %get3A_1002 = arith.index_cast %get3A_1001 : i32 to index
        %get3A_1003 = arith.index_cast %add3A_980 : i32 to index
        %get3A_1004 = arith.constant 48 : index
        %get3A_1005 = tpu.vector_load %arg14[%get3A_1002, %get3A_1003, %get3A_1004] {strides = array<i32>} : memref<2x320x128xf32, #tpu.memory_space<vmem>>, vector<16xf32>,
        %mul3A_1006 = arith.mulf %get3A_353, %get3A_1005 : vector<16xf32>
        %add3A_1007 = arith.addf %add3A_1000, %mul3A_1006 : vector<16xf32>
        %broadcast_in_dim3A_1008 = arith.constant true
        %broadcast_in_dim3A_1009 = vector.broadcast %broadcast_in_dim3A_1008 : i1 to vector<16xi1>
        %masked_cumsum3A_1010 = tpu.scan <sum>, %add3A_1007 masked %broadcast_in_dim3A_1009 : vector<16xf32>, vector<16xi1> -> vector<16xf32>
        %broadcast_in_dim3A_1011 = vector.broadcast %add3A_980 : i32 to vector<16xi32>
        tpu.vector_store_idx %arg16[%broadcast_in_dim3A_1011], %masked_cumsum3A_1010 masked %eq3A_2 : memref<320xf32, #tpu.memory_space<vmem>>[vector<16xi32>], vector<16xf32>, vector<16xi1>
        %add3A_1012 = arith.constant 19 : i32
        %add3A_1013 = arith.addi %mul3A_384, %add3A_1012 : i32
        %get3A_1014 = arith.constant 0 : i32
        %get3A_1015 = arith.index_cast %get3A_1014 : i32 to index
        %get3A_1016 = arith.index_cast %add3A_1013 : i32 to index
        %get3A_1017 = arith.constant 0 : index
        %get3A_1018 = tpu.vector_load %arg14[%get3A_1015, %get3A_1016, %get3A_1017] {strides = array<i32>} : memref<2x320x128xf32, #tpu.memory_space<vmem>>, vector<16xf32>,
        %mul3A_1019 = arith.mulf %get3A_338, %get3A_1018 : vector<16xf32>
        %get3A_1020 = arith.constant 0 : i32
        %get3A_1021 = arith.index_cast %get3A_1020 : i32 to index
        %get3A_1022 = arith.index_cast %add3A_1013 : i32 to index
        %get3A_1023 = arith.constant 16 : index
        %get3A_1024 = tpu.vector_load %arg14[%get3A_1021, %get3A_1022, %get3A_1023] {strides = array<i32>} : memref<2x320x128xf32, #tpu.memory_space<vmem>>, vector<16xf32>,
        %mul3A_1025 = arith.mulf %get3A_343, %get3A_1024 : vector<16xf32>
        %add3A_1026 = arith.addf %mul3A_1019, %mul3A_1025 : vector<16xf32>
        %get3A_1027 = arith.constant 0 : i32
        %get3A_1028 = arith.index_cast %get3A_1027 : i32 to index
        %get3A_1029 = arith.index_cast %add3A_1013 : i32 to index
        %get3A_1030 = arith.constant 32 : index
        %get3A_1031 = tpu.vector_load %arg14[%get3A_1028, %get3A_1029, %get3A_1030] {strides = array<i32>} : memref<2x320x128xf32, #tpu.memory_space<vmem>>, vector<16xf32>,
        %mul3A_1032 = arith.mulf %get3A_348, %get3A_1031 : vector<16xf32>
        %add3A_1033 = arith.addf %add3A_1026, %mul3A_1032 : vector<16xf32>
        %get3A_1034 = arith.constant 0 : i32
        %get3A_1035 = arith.index_cast %get3A_1034 : i32 to index
        %get3A_1036 = arith.index_cast %add3A_1013 : i32 to index
        %get3A_1037 = arith.constant 48 : index
        %get3A_1038 = tpu.vector_load %arg14[%get3A_1035, %get3A_1036, %get3A_1037] {strides = array<i32>} : memref<2x320x128xf32, #tpu.memory_space<vmem>>, vector<16xf32>,
        %mul3A_1039 = arith.mulf %get3A_353, %get3A_1038 : vector<16xf32>
        %add3A_1040 = arith.addf %add3A_1033, %mul3A_1039 : vector<16xf32>
        %broadcast_in_dim3A_1041 = arith.constant true
        %broadcast_in_dim3A_1042 = vector.broadcast %broadcast_in_dim3A_1041 : i1 to vector<16xi1>
        %masked_cumsum3A_1043 = tpu.scan <sum>, %add3A_1040 masked %broadcast_in_dim3A_1042 : vector<16xf32>, vector<16xi1> -> vector<16xf32>
        %broadcast_in_dim3A_1044 = vector.broadcast %add3A_1013 : i32 to vector<16xi32>
        tpu.vector_store_idx %arg16[%broadcast_in_dim3A_1044], %masked_cumsum3A_1043 masked %eq3A_2 : memref<320xf32, #tpu.memory_space<vmem>>[vector<16xi32>], vector<16xf32>, vector<16xi1>
        %scan3A_1045 = arith.constant 0 : i32
        scf.yield %scan3A_1045 : i32
      }
      %scan3A_239 = arith.constant 16 : i32
      "tpu.region"() ({
        %run_scoped3A = tpu.sem_alloc : memref<!tpu.dma_semaphore, #tpu.memory_space<semaphore_mem>>
        %dma_start3A_333 = arith.constant 0 : i32
        %dma_start3A_334 = tpu.memref_slice %arg7[%add3A, %mul3A_163, %dma_start3A_333] : memref<32x32x16xf32, #tpu.memory_space<hbm>> -> memref<1x1x16xf32, #tpu.memory_space<hbm>>
        %dma_start3A_335 = tpu.memref_squeeze %dma_start3A_334 : memref<1x1x16xf32, #tpu.memory_space<hbm>> -> memref<16xf32, #tpu.memory_space<hbm>>
        %dma_start3A_336 = arith.constant 0 : i32
        %dma_start3A_337 = tpu.memref_slice %arg7[%add3A, %mul3A_163, %dma_start3A_336] : memref<32x32x16xf32, #tpu.memory_space<hbm>> -> memref<1x1x16xf32, #tpu.memory_space<hbm>>
        %dma_start3A_338 = tpu.memref_squeeze %dma_start3A_337 : memref<1x1x16xf32, #tpu.memory_space<hbm>> -> memref<16xf32, #tpu.memory_space<hbm>>
        tpu.enqueue_dma source(%arg15 : memref<16xf32, #tpu.memory_space<vmem>>) target(%dma_start3A_338 : memref<16xf32, #tpu.memory_space<hbm>>) target_semaphore(%run_scoped3A : memref<!tpu.dma_semaphore, #tpu.memory_space<semaphore_mem>>)
        %dma_wait3A_339 = arith.constant 0 : i32
        %dma_wait3A_340 = tpu.memref_slice %arg7[%add3A, %mul3A_163, %dma_wait3A_339] : memref<32x32x16xf32, #tpu.memory_space<hbm>> -> memref<1x1x16xf32, #tpu.memory_space<hbm>>
        %dma_wait3A_341 = tpu.memref_squeeze %dma_wait3A_340 : memref<1x1x16xf32, #tpu.memory_space<hbm>> -> memref<16xf32, #tpu.memory_space<hbm>>
        %dma_wait3A_342 = arith.constant 0 : i32
        %dma_wait3A_343 = tpu.memref_slice %arg7[%add3A, %mul3A_163, %dma_wait3A_342] : memref<32x32x16xf32, #tpu.memory_space<hbm>> -> memref<1x1x16xf32, #tpu.memory_space<hbm>>
        %dma_wait3A_344 = tpu.memref_squeeze %dma_wait3A_343 : memref<1x1x16xf32, #tpu.memory_space<hbm>> -> memref<16xf32, #tpu.memory_space<hbm>>
        tpu.wait_dma2 semaphore(%run_scoped3A : memref<!tpu.dma_semaphore, #tpu.memory_space<semaphore_mem>>) src(%arg15 : memref<16xf32, #tpu.memory_space<vmem>>) dst(%dma_wait3A_344 : memref<16xf32, #tpu.memory_space<hbm>>)
        tpu.yield
      }) : () -> ()
      "tpu.region"() ({
        %run_scoped3A = tpu.sem_alloc : memref<!tpu.dma_semaphore, #tpu.memory_space<semaphore_mem>>
        %dma_start3A_333 = arith.constant 0 : i32
        %dma_start3A_334 = tpu.memref_slice %arg8[%add3A, %mul3A_163, %dma_start3A_333] : memref<32x32x320xf32, #tpu.memory_space<hbm>> -> memref<1x1x320xf32, #tpu.memory_space<hbm>>
        %dma_start3A_335 = tpu.memref_squeeze %dma_start3A_334 : memref<1x1x320xf32, #tpu.memory_space<hbm>> -> memref<320xf32, #tpu.memory_space<hbm>>
        %dma_start3A_336 = arith.constant 0 : i32
        %dma_start3A_337 = tpu.memref_slice %arg8[%add3A, %mul3A_163, %dma_start3A_336] : memref<32x32x320xf32, #tpu.memory_space<hbm>> -> memref<1x1x320xf32, #tpu.memory_space<hbm>>
        %dma_start3A_338 = tpu.memref_squeeze %dma_start3A_337 : memref<1x1x320xf32, #tpu.memory_space<hbm>> -> memref<320xf32, #tpu.memory_space<hbm>>
        tpu.enqueue_dma source(%arg16 : memref<320xf32, #tpu.memory_space<vmem>>) target(%dma_start3A_338 : memref<320xf32, #tpu.memory_space<hbm>>) target_semaphore(%run_scoped3A : memref<!tpu.dma_semaphore, #tpu.memory_space<semaphore_mem>>)
        %dma_wait3A_339 = arith.constant 0 : i32
        %dma_wait3A_340 = tpu.memref_slice %arg8[%add3A, %mul3A_163, %dma_wait3A_339] : memref<32x32x320xf32, #tpu.memory_space<hbm>> -> memref<1x1x320xf32, #tpu.memory_space<hbm>>
        %dma_wait3A_341 = tpu.memref_squeeze %dma_wait3A_340 : memref<1x1x320xf32, #tpu.memory_space<hbm>> -> memref<320xf32, #tpu.memory_space<hbm>>
        %dma_wait3A_342 = arith.constant 0 : i32
        %dma_wait3A_343 = tpu.memref_slice %arg8[%add3A, %mul3A_163, %dma_wait3A_342] : memref<32x32x320xf32, #tpu.memory_space<hbm>> -> memref<1x1x320xf32, #tpu.memory_space<hbm>>
        %dma_wait3A_344 = tpu.memref_squeeze %dma_wait3A_343 : memref<1x1x320xf32, #tpu.memory_space<hbm>> -> memref<320xf32, #tpu.memory_space<hbm>>
        tpu.wait_dma2 semaphore(%run_scoped3A : memref<!tpu.dma_semaphore, #tpu.memory_space<semaphore_mem>>) src(%arg16 : memref<320xf32, #tpu.memory_space<vmem>>) dst(%dma_wait3A_344 : memref<320xf32, #tpu.memory_space<hbm>>)
        tpu.yield
      }) : () -> ()
      %add3A_240 = arith.constant 2 : i32
      %add3A_241 = arith.addi %mul3A_163, %add3A_240 : i32
      %lt3A = arith.constant 32 : i32
      %lt3A_242 = arith.cmpi slt, %add3A_241, %lt3A : i32
      %convert_element_type3A = arith.extui %lt3A_242 : i1 to i32
      %cond3A = arith.constant 0 : i32
      %cond3A_243 = arith.cmpi ne, %convert_element_type3A, %cond3A : i32
      scf.if %cond3A_243 {
        %add3A_333 = arith.constant 2 : i32
        %add3A_334 = arith.addi %mul3A_163, %add3A_333 : i32
        %dma_start3A_335 = arith.constant 0 : i32
        %dma_start3A_336 = arith.constant 0 : i32
        %dma_start3A_337 = arith.constant 0 : i32
        %dma_start3A_338 = tpu.memref_slice %arg12[%dma_start3A_335, %dma_start3A_336, %dma_start3A_337] : memref<2x16x128xf32, #tpu.memory_space<vmem>> -> memref<1x16x128xf32, #tpu.memory_space<vmem>>
        %dma_start3A_339 = tpu.memref_squeeze %dma_start3A_338 : memref<1x16x128xf32, #tpu.memory_space<vmem>> -> memref<16x128xf32, #tpu.memory_space<vmem>>
        %dma_start3A_340 = arith.constant 0 : i32
        %dma_start3A_341 = tpu.memref_slice %arg9[%add3A_334, %dma_start3A_340] : memref<32x16xi32, #tpu.memory_space<vmem>> -> memref<1x16xi32, #tpu.memory_space<vmem>>
        %dma_start3A_342 = tpu.memref_squeeze %dma_start3A_341 : memref<1x16xi32, #tpu.memory_space<vmem>> -> memref<16xi32, #tpu.memory_space<vmem>>
        %dma_start3A_343 = arith.constant 0 : i32
        %dma_start3A_344 = arith.constant 0 : i32
        %dma_start3A_345 = tpu.memref_slice %arg5[%dma_start3A_343, %dma_start3A_344] : memref<1000000x128xf32, #tpu.memory_space<hbm>> -> memref<1000000x128xf32, #tpu.memory_space<hbm>>
        tpu.enqueue_indirect_dma source(%dma_start3A_345 : memref<1000000x128xf32, #tpu.memory_space<hbm>>) target(%dma_start3A_339 : memref<16x128xf32, #tpu.memory_space<vmem>>) offsets(%dma_start3A_342 : memref<16xi32, #tpu.memory_space<vmem>>) semaphore(%arg17 : memref<!tpu.dma_semaphore, #tpu.memory_space<semaphore_mem>>)
        %dma_start3A_346 = arith.constant 0 : i32
        %dma_start3A_347 = arith.constant 0 : i32
        %dma_start3A_348 = arith.constant 0 : i32
        %dma_start3A_349 = tpu.memref_slice %arg13[%dma_start3A_346, %dma_start3A_347, %dma_start3A_348] : memref<2x16x128xf32, #tpu.memory_space<vmem>> -> memref<1x16x128xf32, #tpu.memory_space<vmem>>
        %dma_start3A_350 = tpu.memref_squeeze %dma_start3A_349 : memref<1x16x128xf32, #tpu.memory_space<vmem>> -> memref<16x128xf32, #tpu.memory_space<vmem>>
        %dma_start3A_351 = arith.constant 0 : i32
        %dma_start3A_352 = tpu.memref_slice %arg10[%add3A_334, %dma_start3A_351] : memref<32x16xi32, #tpu.memory_space<vmem>> -> memref<1x16xi32, #tpu.memory_space<vmem>>
        %dma_start3A_353 = tpu.memref_squeeze %dma_start3A_352 : memref<1x16xi32, #tpu.memory_space<vmem>> -> memref<16xi32, #tpu.memory_space<vmem>>
        %dma_start3A_354 = arith.constant 0 : i32
        %dma_start3A_355 = arith.constant 0 : i32
        %dma_start3A_356 = tpu.memref_slice %arg6[%dma_start3A_354, %dma_start3A_355] : memref<1000000x128xf32, #tpu.memory_space<hbm>> -> memref<1000000x128xf32, #tpu.memory_space<hbm>>
        tpu.enqueue_indirect_dma source(%dma_start3A_356 : memref<1000000x128xf32, #tpu.memory_space<hbm>>) target(%dma_start3A_350 : memref<16x128xf32, #tpu.memory_space<vmem>>) offsets(%dma_start3A_353 : memref<16xi32, #tpu.memory_space<vmem>>) semaphore(%arg17 : memref<!tpu.dma_semaphore, #tpu.memory_space<semaphore_mem>>)
        %dma_start3A_357 = arith.constant 0 : i32
        %dma_start3A_358 = arith.constant 0 : i32
        %dma_start3A_359 = arith.constant 0 : i32
        %dma_start3A_360 = arith.constant 0 : i32
        %dma_start3A_361 = tpu.memref_slice %arg14[%dma_start3A_358, %dma_start3A_359, %dma_start3A_360] : memref<2x320x128xf32, #tpu.memory_space<vmem>> -> memref<1x80x128xf32, #tpu.memory_space<vmem>>
        %dma_start3A_362 = tpu.memref_squeeze %dma_start3A_361 : memref<1x80x128xf32, #tpu.memory_space<vmem>> -> memref<80x128xf32, #tpu.memory_space<vmem>>
        %dma_start3A_363 = arith.constant 0 : i32
        %dma_start3A_364 = tpu.memref_slice %arg11[%add3A_334, %dma_start3A_357, %dma_start3A_363] : memref<32x4x80xi32, #tpu.memory_space<vmem>> -> memref<1x1x80xi32, #tpu.memory_space<vmem>>
        %dma_start3A_365 = tpu.memref_squeeze %dma_start3A_364 : memref<1x1x80xi32, #tpu.memory_space<vmem>> -> memref<80xi32, #tpu.memory_space<vmem>>
        %dma_start3A_366 = arith.constant 0 : i32
        %dma_start3A_367 = arith.constant 0 : i32
        %dma_start3A_368 = tpu.memref_slice %arg6[%dma_start3A_366, %dma_start3A_367] : memref<1000000x128xf32, #tpu.memory_space<hbm>> -> memref<1000000x128xf32, #tpu.memory_space<hbm>>
        tpu.enqueue_indirect_dma source(%dma_start3A_368 : memref<1000000x128xf32, #tpu.memory_space<hbm>>) target(%dma_start3A_362 : memref<80x128xf32, #tpu.memory_space<vmem>>) offsets(%dma_start3A_365 : memref<80xi32, #tpu.memory_space<vmem>>) semaphore(%arg17 : memref<!tpu.dma_semaphore, #tpu.memory_space<semaphore_mem>>)
        %dma_start3A_369 = arith.constant 1 : i32
        %dma_start3A_370 = arith.constant 0 : i32
        %dma_start3A_371 = arith.constant 80 : i32
        %dma_start3A_372 = arith.constant 0 : i32
        %dma_start3A_373 = tpu.memref_slice %arg14[%dma_start3A_370, %dma_start3A_371, %dma_start3A_372] : memref<2x320x128xf32, #tpu.memory_space<vmem>> -> memref<1x80x128xf32, #tpu.memory_space<vmem>>
        %dma_start3A_374 = tpu.memref_squeeze %dma_start3A_373 : memref<1x80x128xf32, #tpu.memory_space<vmem>> -> memref<80x128xf32, #tpu.memory_space<vmem>>
        %dma_start3A_375 = arith.constant 0 : i32
        %dma_start3A_376 = tpu.memref_slice %arg11[%add3A_334, %dma_start3A_369, %dma_start3A_375] : memref<32x4x80xi32, #tpu.memory_space<vmem>> -> memref<1x1x80xi32, #tpu.memory_space<vmem>>
        %dma_start3A_377 = tpu.memref_squeeze %dma_start3A_376 : memref<1x1x80xi32, #tpu.memory_space<vmem>> -> memref<80xi32, #tpu.memory_space<vmem>>
        %dma_start3A_378 = arith.constant 0 : i32
        %dma_start3A_379 = arith.constant 0 : i32
        %dma_start3A_380 = tpu.memref_slice %arg6[%dma_start3A_378, %dma_start3A_379] : memref<1000000x128xf32, #tpu.memory_space<hbm>> -> memref<1000000x128xf32, #tpu.memory_space<hbm>>
        tpu.enqueue_indirect_dma source(%dma_start3A_380 : memref<1000000x128xf32, #tpu.memory_space<hbm>>) target(%dma_start3A_374 : memref<80x128xf32, #tpu.memory_space<vmem>>) offsets(%dma_start3A_377 : memref<80xi32, #tpu.memory_space<vmem>>) semaphore(%arg17 : memref<!tpu.dma_semaphore, #tpu.memory_space<semaphore_mem>>)
        %dma_start3A_381 = arith.constant 2 : i32
        %dma_start3A_382 = arith.constant 0 : i32
        %dma_start3A_383 = arith.constant 160 : i32
        %dma_start3A_384 = arith.constant 0 : i32
        %dma_start3A_385 = tpu.memref_slice %arg14[%dma_start3A_382, %dma_start3A_383, %dma_start3A_384] : memref<2x320x128xf32, #tpu.memory_space<vmem>> -> memref<1x80x128xf32, #tpu.memory_space<vmem>>
        %dma_start3A_386 = tpu.memref_squeeze %dma_start3A_385 : memref<1x80x128xf32, #tpu.memory_space<vmem>> -> memref<80x128xf32, #tpu.memory_space<vmem>>
        %dma_start3A_387 = arith.constant 0 : i32
        %dma_start3A_388 = tpu.memref_slice %arg11[%add3A_334, %dma_start3A_381, %dma_start3A_387] : memref<32x4x80xi32, #tpu.memory_space<vmem>> -> memref<1x1x80xi32, #tpu.memory_space<vmem>>
        %dma_start3A_389 = tpu.memref_squeeze %dma_start3A_388 : memref<1x1x80xi32, #tpu.memory_space<vmem>> -> memref<80xi32, #tpu.memory_space<vmem>>
        %dma_start3A_390 = arith.constant 0 : i32
        %dma_start3A_391 = arith.constant 0 : i32
        %dma_start3A_392 = tpu.memref_slice %arg6[%dma_start3A_390, %dma_start3A_391] : memref<1000000x128xf32, #tpu.memory_space<hbm>> -> memref<1000000x128xf32, #tpu.memory_space<hbm>>
        tpu.enqueue_indirect_dma source(%dma_start3A_392 : memref<1000000x128xf32, #tpu.memory_space<hbm>>) target(%dma_start3A_386 : memref<80x128xf32, #tpu.memory_space<vmem>>) offsets(%dma_start3A_389 : memref<80xi32, #tpu.memory_space<vmem>>) semaphore(%arg17 : memref<!tpu.dma_semaphore, #tpu.memory_space<semaphore_mem>>)
        %dma_start3A_393 = arith.constant 3 : i32
        %dma_start3A_394 = arith.constant 0 : i32
        %dma_start3A_395 = arith.constant 240 : i32
        %dma_start3A_396 = arith.constant 0 : i32
        %dma_start3A_397 = tpu.memref_slice %arg14[%dma_start3A_394, %dma_start3A_395, %dma_start3A_396] : memref<2x320x128xf32, #tpu.memory_space<vmem>> -> memref<1x80x128xf32, #tpu.memory_space<vmem>>
        %dma_start3A_398 = tpu.memref_squeeze %dma_start3A_397 : memref<1x80x128xf32, #tpu.memory_space<vmem>> -> memref<80x128xf32, #tpu.memory_space<vmem>>
        %dma_start3A_399 = arith.constant 0 : i32
        %dma_start3A_400 = tpu.memref_slice %arg11[%add3A_334, %dma_start3A_393, %dma_start3A_399] : memref<32x4x80xi32, #tpu.memory_space<vmem>> -> memref<1x1x80xi32, #tpu.memory_space<vmem>>
        %dma_start3A_401 = tpu.memref_squeeze %dma_start3A_400 : memref<1x1x80xi32, #tpu.memory_space<vmem>> -> memref<80xi32, #tpu.memory_space<vmem>>
        %dma_start3A_402 = arith.constant 0 : i32
        %dma_start3A_403 = arith.constant 0 : i32
        %dma_start3A_404 = tpu.memref_slice %arg6[%dma_start3A_402, %dma_start3A_403] : memref<1000000x128xf32, #tpu.memory_space<hbm>> -> memref<1000000x128xf32, #tpu.memory_space<hbm>>
        tpu.enqueue_indirect_dma source(%dma_start3A_404 : memref<1000000x128xf32, #tpu.memory_space<hbm>>) target(%dma_start3A_398 : memref<80x128xf32, #tpu.memory_space<vmem>>) offsets(%dma_start3A_401 : memref<80xi32, #tpu.memory_space<vmem>>) semaphore(%arg17 : memref<!tpu.dma_semaphore, #tpu.memory_space<semaphore_mem>>)
      } else {
      }
      %add3A_244 = arith.constant 1 : i32
      %add3A_245 = arith.addi %mul3A_163, %add3A_244 : i32
      %dma_wait3A_246 = arith.constant 1 : i32
      %dma_wait3A_247 = arith.constant 0 : i32
      %dma_wait3A_248 = arith.constant 0 : i32
      %dma_wait3A_249 = tpu.memref_slice %arg12[%dma_wait3A_246, %dma_wait3A_247, %dma_wait3A_248] : memref<2x16x128xf32, #tpu.memory_space<vmem>> -> memref<1x16x128xf32, #tpu.memory_space<vmem>>
      %dma_wait3A_250 = tpu.memref_squeeze %dma_wait3A_249 : memref<1x16x128xf32, #tpu.memory_space<vmem>> -> memref<16x128xf32, #tpu.memory_space<vmem>>
      %dma_wait3A_251 = arith.constant 0 : i32
      %dma_wait3A_252 = tpu.memref_slice %arg9[%add3A_245, %dma_wait3A_251] : memref<32x16xi32, #tpu.memory_space<vmem>> -> memref<1x16xi32, #tpu.memory_space<vmem>>
      %dma_wait3A_253 = tpu.memref_squeeze %dma_wait3A_252 : memref<1x16xi32, #tpu.memory_space<vmem>> -> memref<16xi32, #tpu.memory_space<vmem>>
      %dma_wait3A_254 = arith.constant 0 : i32
      %dma_wait3A_255 = arith.constant 0 : i32
      %dma_wait3A_256 = tpu.memref_slice %arg5[%dma_wait3A_254, %dma_wait3A_255] : memref<1000000x128xf32, #tpu.memory_space<hbm>> -> memref<1000000x128xf32, #tpu.memory_space<hbm>>
      tpu.wait_indirect_dma semaphore(%arg18 : memref<!tpu.dma_semaphore, #tpu.memory_space<semaphore_mem>>) src(%dma_wait3A_256 : memref<1000000x128xf32, #tpu.memory_space<hbm>>) dst(%dma_wait3A_250 : memref<16x128xf32, #tpu.memory_space<vmem>>)
      %dma_wait3A_257 = arith.constant 1 : i32
      %dma_wait3A_258 = arith.constant 0 : i32
      %dma_wait3A_259 = arith.constant 0 : i32
      %dma_wait3A_260 = tpu.memref_slice %arg13[%dma_wait3A_257, %dma_wait3A_258, %dma_wait3A_259] : memref<2x16x128xf32, #tpu.memory_space<vmem>> -> memref<1x16x128xf32, #tpu.memory_space<vmem>>
      %dma_wait3A_261 = tpu.memref_squeeze %dma_wait3A_260 : memref<1x16x128xf32, #tpu.memory_space<vmem>> -> memref<16x128xf32, #tpu.memory_space<vmem>>
      %dma_wait3A_262 = arith.constant 0 : i32
      %dma_wait3A_263 = tpu.memref_slice %arg10[%add3A_245, %dma_wait3A_262] : memref<32x16xi32, #tpu.memory_space<vmem>> -> memref<1x16xi32, #tpu.memory_space<vmem>>
      %dma_wait3A_264 = tpu.memref_squeeze %dma_wait3A_263 : memref<1x16xi32, #tpu.memory_space<vmem>> -> memref<16xi32, #tpu.memory_space<vmem>>
      %dma_wait3A_265 = arith.constant 0 : i32
      %dma_wait3A_266 = arith.constant 0 : i32
      %dma_wait3A_267 = tpu.memref_slice %arg6[%dma_wait3A_265, %dma_wait3A_266] : memref<1000000x128xf32, #tpu.memory_space<hbm>> -> memref<1000000x128xf32, #tpu.memory_space<hbm>>
      tpu.wait_indirect_dma semaphore(%arg18 : memref<!tpu.dma_semaphore, #tpu.memory_space<semaphore_mem>>) src(%dma_wait3A_267 : memref<1000000x128xf32, #tpu.memory_space<hbm>>) dst(%dma_wait3A_261 : memref<16x128xf32, #tpu.memory_space<vmem>>)
      %dma_wait3A_268 = arith.constant 0 : i32
      %dma_wait3A_269 = arith.constant 1 : i32
      %dma_wait3A_270 = arith.constant 0 : i32
      %dma_wait3A_271 = arith.constant 0 : i32
      %dma_wait3A_272 = tpu.memref_slice %arg14[%dma_wait3A_269, %dma_wait3A_270, %dma_wait3A_271] : memref<2x320x128xf32, #tpu.memory_space<vmem>> -> memref<1x80x128xf32, #tpu.memory_space<vmem>>
      %dma_wait3A_273 = tpu.memref_squeeze %dma_wait3A_272 : memref<1x80x128xf32, #tpu.memory_space<vmem>> -> memref<80x128xf32, #tpu.memory_space<vmem>>
      %dma_wait3A_274 = arith.constant 0 : i32
      %dma_wait3A_275 = tpu.memref_slice %arg11[%add3A_245, %dma_wait3A_268, %dma_wait3A_274] : memref<32x4x80xi32, #tpu.memory_space<vmem>> -> memref<1x1x80xi32, #tpu.memory_space<vmem>>
      %dma_wait3A_276 = tpu.memref_squeeze %dma_wait3A_275 : memref<1x1x80xi32, #tpu.memory_space<vmem>> -> memref<80xi32, #tpu.memory_space<vmem>>
      %dma_wait3A_277 = arith.constant 0 : i32
      %dma_wait3A_278 = arith.constant 0 : i32
      %dma_wait3A_279 = tpu.memref_slice %arg6[%dma_wait3A_277, %dma_wait3A_278] : memref<1000000x128xf32, #tpu.memory_space<hbm>> -> memref<1000000x128xf32, #tpu.memory_space<hbm>>
      tpu.wait_indirect_dma semaphore(%arg18 : memref<!tpu.dma_semaphore, #tpu.memory_space<semaphore_mem>>) src(%dma_wait3A_279 : memref<1000000x128xf32, #tpu.memory_space<hbm>>) dst(%dma_wait3A_273 : memref<80x128xf32, #tpu.memory_space<vmem>>)
      %dma_wait3A_280 = arith.constant 1 : i32
      %dma_wait3A_281 = arith.constant 1 : i32
      %dma_wait3A_282 = arith.constant 80 : i32
      %dma_wait3A_283 = arith.constant 0 : i32
      %dma_wait3A_284 = tpu.memref_slice %arg14[%dma_wait3A_281, %dma_wait3A_282, %dma_wait3A_283] : memref<2x320x128xf32, #tpu.memory_space<vmem>> -> memref<1x80x128xf32, #tpu.memory_space<vmem>>
      %dma_wait3A_285 = tpu.memref_squeeze %dma_wait3A_284 : memref<1x80x128xf32, #tpu.memory_space<vmem>> -> memref<80x128xf32, #tpu.memory_space<vmem>>
      %dma_wait3A_286 = arith.constant 0 : i32
      %dma_wait3A_287 = tpu.memref_slice %arg11[%add3A_245, %dma_wait3A_280, %dma_wait3A_286] : memref<32x4x80xi32, #tpu.memory_space<vmem>> -> memref<1x1x80xi32, #tpu.memory_space<vmem>>
      %dma_wait3A_288 = tpu.memref_squeeze %dma_wait3A_287 : memref<1x1x80xi32, #tpu.memory_space<vmem>> -> memref<80xi32, #tpu.memory_space<vmem>>
      %dma_wait3A_289 = arith.constant 0 : i32
      %dma_wait3A_290 = arith.constant 0 : i32
      %dma_wait3A_291 = tpu.memref_slice %arg6[%dma_wait3A_289, %dma_wait3A_290] : memref<1000000x128xf32, #tpu.memory_space<hbm>> -> memref<1000000x128xf32, #tpu.memory_space<hbm>>
      tpu.wait_indirect_dma semaphore(%arg18 : memref<!tpu.dma_semaphore, #tpu.memory_space<semaphore_mem>>) src(%dma_wait3A_291 : memref<1000000x128xf32, #tpu.memory_space<hbm>>) dst(%dma_wait3A_285 : memref<80x128xf32, #tpu.memory_space<vmem>>)
      %dma_wait3A_292 = arith.constant 2 : i32
      %dma_wait3A_293 = arith.constant 1 : i32
      %dma_wait3A_294 = arith.constant 160 : i32
      %dma_wait3A_295 = arith.constant 0 : i32
      %dma_wait3A_296 = tpu.memref_slice %arg14[%dma_wait3A_293, %dma_wait3A_294, %dma_wait3A_295] : memref<2x320x128xf32, #tpu.memory_space<vmem>> -> memref<1x80x128xf32, #tpu.memory_space<vmem>>
      %dma_wait3A_297 = tpu.memref_squeeze %dma_wait3A_296 : memref<1x80x128xf32, #tpu.memory_space<vmem>> -> memref<80x128xf32, #tpu.memory_space<vmem>>
      %dma_wait3A_298 = arith.constant 0 : i32
      %dma_wait3A_299 = tpu.memref_slice %arg11[%add3A_245, %dma_wait3A_292, %dma_wait3A_298] : memref<32x4x80xi32, #tpu.memory_space<vmem>> -> memref<1x1x80xi32, #tpu.memory_space<vmem>>
      %dma_wait3A_300 = tpu.memref_squeeze %dma_wait3A_299 : memref<1x1x80xi32, #tpu.memory_space<vmem>> -> memref<80xi32, #tpu.memory_space<vmem>>
      %dma_wait3A_301 = arith.constant 0 : i32
      %dma_wait3A_302 = arith.constant 0 : i32
      %dma_wait3A_303 = tpu.memref_slice %arg6[%dma_wait3A_301, %dma_wait3A_302] : memref<1000000x128xf32, #tpu.memory_space<hbm>> -> memref<1000000x128xf32, #tpu.memory_space<hbm>>
      tpu.wait_indirect_dma semaphore(%arg18 : memref<!tpu.dma_semaphore, #tpu.memory_space<semaphore_mem>>) src(%dma_wait3A_303 : memref<1000000x128xf32, #tpu.memory_space<hbm>>) dst(%dma_wait3A_297 : memref<80x128xf32, #tpu.memory_space<vmem>>)
      %dma_wait3A_304 = arith.constant 3 : i32
      %dma_wait3A_305 = arith.constant 1 : i32
      %dma_wait3A_306 = arith.constant 240 : i32
      %dma_wait3A_307 = arith.constant 0 : i32
      %dma_wait3A_308 = tpu.memref_slice %arg14[%dma_wait3A_305, %dma_wait3A_306, %dma_wait3A_307] : memref<2x320x128xf32, #tpu.memory_space<vmem>> -> memref<1x80x128xf32, #tpu.memory_space<vmem>>
      %dma_wait3A_309 = tpu.memref_squeeze %dma_wait3A_308 : memref<1x80x128xf32, #tpu.memory_space<vmem>> -> memref<80x128xf32, #tpu.memory_space<vmem>>
      %dma_wait3A_310 = arith.constant 0 : i32
      %dma_wait3A_311 = tpu.memref_slice %arg11[%add3A_245, %dma_wait3A_304, %dma_wait3A_310] : memref<32x4x80xi32, #tpu.memory_space<vmem>> -> memref<1x1x80xi32, #tpu.memory_space<vmem>>
      %dma_wait3A_312 = tpu.memref_squeeze %dma_wait3A_311 : memref<1x1x80xi32, #tpu.memory_space<vmem>> -> memref<80xi32, #tpu.memory_space<vmem>>
      %dma_wait3A_313 = arith.constant 0 : i32
      %dma_wait3A_314 = arith.constant 0 : i32
      %dma_wait3A_315 = tpu.memref_slice %arg6[%dma_wait3A_313, %dma_wait3A_314] : memref<1000000x128xf32, #tpu.memory_space<hbm>> -> memref<1000000x128xf32, #tpu.memory_space<hbm>>
      tpu.wait_indirect_dma semaphore(%arg18 : memref<!tpu.dma_semaphore, #tpu.memory_space<semaphore_mem>>) src(%dma_wait3A_315 : memref<1000000x128xf32, #tpu.memory_space<hbm>>) dst(%dma_wait3A_309 : memref<80x128xf32, #tpu.memory_space<vmem>>)
      %add3A_316 = arith.constant 1 : i32
      %add3A_317 = arith.addi %mul3A_163, %add3A_316 : i32
      %scan3A_318 = arith.constant 0 : i32
      %scan3A_319 = arith.constant 0 : i32
      %scan3A_320 = arith.constant 16 : i32
      %scan3A_321 = arith.addi %scan3A_319, %scan3A_320 : i32
      %scan3A_322 = arith.constant 1 : i32
      %scan3A_323 = scf.for %scan3A_333 = %scan3A_319 to %scan3A_321 step %scan3A_322 iter_args(%scan3A_334 = %scan3A_318) -> (i32)  : i32 {
        %get3A = arith.constant 1 : i32
        %get3A_335 = arith.index_cast %get3A : i32 to index
        %get3A_336 = arith.index_cast %scan3A_333 : i32 to index
        %get3A_337 = arith.constant 0 : index
        %get3A_338 = tpu.vector_load %arg12[%get3A_335, %get3A_336, %get3A_337] {strides = array<i32>} : memref<2x16x128xf32, #tpu.memory_space<vmem>>, vector<16xf32>,
        %get3A_339 = arith.constant 1 : i32
        %get3A_340 = arith.index_cast %get3A_339 : i32 to index
        %get3A_341 = arith.index_cast %scan3A_333 : i32 to index
        %get3A_342 = arith.constant 16 : index
        %get3A_343 = tpu.vector_load %arg12[%get3A_340, %get3A_341, %get3A_342] {strides = array<i32>} : memref<2x16x128xf32, #tpu.memory_space<vmem>>, vector<16xf32>,
        %get3A_344 = arith.constant 1 : i32
        %get3A_345 = arith.index_cast %get3A_344 : i32 to index
        %get3A_346 = arith.index_cast %scan3A_333 : i32 to index
        %get3A_347 = arith.constant 32 : index
        %get3A_348 = tpu.vector_load %arg12[%get3A_345, %get3A_346, %get3A_347] {strides = array<i32>} : memref<2x16x128xf32, #tpu.memory_space<vmem>>, vector<16xf32>,
        %get3A_349 = arith.constant 1 : i32
        %get3A_350 = arith.index_cast %get3A_349 : i32 to index
        %get3A_351 = arith.index_cast %scan3A_333 : i32 to index
        %get3A_352 = arith.constant 48 : index
        %get3A_353 = tpu.vector_load %arg12[%get3A_350, %get3A_351, %get3A_352] {strides = array<i32>} : memref<2x16x128xf32, #tpu.memory_space<vmem>>, vector<16xf32>,
        %get3A_354 = arith.constant 1 : i32
        %get3A_355 = arith.index_cast %get3A_354 : i32 to index
        %get3A_356 = arith.index_cast %scan3A_333 : i32 to index
        %get3A_357 = arith.constant 0 : index
        %get3A_358 = tpu.vector_load %arg13[%get3A_355, %get3A_356, %get3A_357] {strides = array<i32>} : memref<2x16x128xf32, #tpu.memory_space<vmem>>, vector<16xf32>,
        %mul3A_359 = arith.mulf %get3A_338, %get3A_358 : vector<16xf32>
        %get3A_360 = arith.constant 1 : i32
        %get3A_361 = arith.index_cast %get3A_360 : i32 to index
        %get3A_362 = arith.index_cast %scan3A_333 : i32 to index
        %get3A_363 = arith.constant 16 : index
        %get3A_364 = tpu.vector_load %arg13[%get3A_361, %get3A_362, %get3A_363] {strides = array<i32>} : memref<2x16x128xf32, #tpu.memory_space<vmem>>, vector<16xf32>,
        %mul3A_365 = arith.mulf %get3A_343, %get3A_364 : vector<16xf32>
        %add3A_366 = arith.addf %mul3A_359, %mul3A_365 : vector<16xf32>
        %get3A_367 = arith.constant 1 : i32
        %get3A_368 = arith.index_cast %get3A_367 : i32 to index
        %get3A_369 = arith.index_cast %scan3A_333 : i32 to index
        %get3A_370 = arith.constant 32 : index
        %get3A_371 = tpu.vector_load %arg13[%get3A_368, %get3A_369, %get3A_370] {strides = array<i32>} : memref<2x16x128xf32, #tpu.memory_space<vmem>>, vector<16xf32>,
        %mul3A_372 = arith.mulf %get3A_348, %get3A_371 : vector<16xf32>
        %add3A_373 = arith.addf %add3A_366, %mul3A_372 : vector<16xf32>
        %get3A_374 = arith.constant 1 : i32
        %get3A_375 = arith.index_cast %get3A_374 : i32 to index
        %get3A_376 = arith.index_cast %scan3A_333 : i32 to index
        %get3A_377 = arith.constant 48 : index
        %get3A_378 = tpu.vector_load %arg13[%get3A_375, %get3A_376, %get3A_377] {strides = array<i32>} : memref<2x16x128xf32, #tpu.memory_space<vmem>>, vector<16xf32>,
        %mul3A_379 = arith.mulf %get3A_353, %get3A_378 : vector<16xf32>
        %add3A_380 = arith.addf %add3A_373, %mul3A_379 : vector<16xf32>
        %broadcast_in_dim3A = arith.constant true
        %broadcast_in_dim3A_381 = vector.broadcast %broadcast_in_dim3A : i1 to vector<16xi1>
        %masked_cumsum3A = tpu.scan <sum>, %add3A_380 masked %broadcast_in_dim3A_381 : vector<16xf32>, vector<16xi1> -> vector<16xf32>
        %broadcast_in_dim3A_382 = vector.broadcast %scan3A_333 : i32 to vector<16xi32>
        tpu.vector_store_idx %arg15[%broadcast_in_dim3A_382], %masked_cumsum3A masked %eq3A_2 : memref<16xf32, #tpu.memory_space<vmem>>[vector<16xi32>], vector<16xf32>, vector<16xi1>
        %mul3A_383 = arith.constant 20 : i32
        %mul3A_384 = arith.muli %scan3A_333, %mul3A_383 : i32
        %add3A_385 = arith.constant 0 : i32
        %add3A_386 = arith.addi %mul3A_384, %add3A_385 : i32
        %get3A_387 = arith.constant 1 : i32
        %get3A_388 = arith.index_cast %get3A_387 : i32 to index
        %get3A_389 = arith.index_cast %add3A_386 : i32 to index
        %get3A_390 = arith.constant 0 : index
        %get3A_391 = tpu.vector_load %arg14[%get3A_388, %get3A_389, %get3A_390] {strides = array<i32>} : memref<2x320x128xf32, #tpu.memory_space<vmem>>, vector<16xf32>,
        %mul3A_392 = arith.mulf %get3A_338, %get3A_391 : vector<16xf32>
        %get3A_393 = arith.constant 1 : i32
        %get3A_394 = arith.index_cast %get3A_393 : i32 to index
        %get3A_395 = arith.index_cast %add3A_386 : i32 to index
        %get3A_396 = arith.constant 16 : index
        %get3A_397 = tpu.vector_load %arg14[%get3A_394, %get3A_395, %get3A_396] {strides = array<i32>} : memref<2x320x128xf32, #tpu.memory_space<vmem>>, vector<16xf32>,
        %mul3A_398 = arith.mulf %get3A_343, %get3A_397 : vector<16xf32>
        %add3A_399 = arith.addf %mul3A_392, %mul3A_398 : vector<16xf32>
        %get3A_400 = arith.constant 1 : i32
        %get3A_401 = arith.index_cast %get3A_400 : i32 to index
        %get3A_402 = arith.index_cast %add3A_386 : i32 to index
        %get3A_403 = arith.constant 32 : index
        %get3A_404 = tpu.vector_load %arg14[%get3A_401, %get3A_402, %get3A_403] {strides = array<i32>} : memref<2x320x128xf32, #tpu.memory_space<vmem>>, vector<16xf32>,
        %mul3A_405 = arith.mulf %get3A_348, %get3A_404 : vector<16xf32>
        %add3A_406 = arith.addf %add3A_399, %mul3A_405 : vector<16xf32>
        %get3A_407 = arith.constant 1 : i32
        %get3A_408 = arith.index_cast %get3A_407 : i32 to index
        %get3A_409 = arith.index_cast %add3A_386 : i32 to index
        %get3A_410 = arith.constant 48 : index
        %get3A_411 = tpu.vector_load %arg14[%get3A_408, %get3A_409, %get3A_410] {strides = array<i32>} : memref<2x320x128xf32, #tpu.memory_space<vmem>>, vector<16xf32>,
        %mul3A_412 = arith.mulf %get3A_353, %get3A_411 : vector<16xf32>
        %add3A_413 = arith.addf %add3A_406, %mul3A_412 : vector<16xf32>
        %broadcast_in_dim3A_414 = arith.constant true
        %broadcast_in_dim3A_415 = vector.broadcast %broadcast_in_dim3A_414 : i1 to vector<16xi1>
        %masked_cumsum3A_416 = tpu.scan <sum>, %add3A_413 masked %broadcast_in_dim3A_415 : vector<16xf32>, vector<16xi1> -> vector<16xf32>
        %broadcast_in_dim3A_417 = vector.broadcast %add3A_386 : i32 to vector<16xi32>
        tpu.vector_store_idx %arg16[%broadcast_in_dim3A_417], %masked_cumsum3A_416 masked %eq3A_2 : memref<320xf32, #tpu.memory_space<vmem>>[vector<16xi32>], vector<16xf32>, vector<16xi1>
        %add3A_418 = arith.constant 1 : i32
        %add3A_419 = arith.addi %mul3A_384, %add3A_418 : i32
        %get3A_420 = arith.constant 1 : i32
        %get3A_421 = arith.index_cast %get3A_420 : i32 to index
        %get3A_422 = arith.index_cast %add3A_419 : i32 to index
        %get3A_423 = arith.constant 0 : index
        %get3A_424 = tpu.vector_load %arg14[%get3A_421, %get3A_422, %get3A_423] {strides = array<i32>} : memref<2x320x128xf32, #tpu.memory_space<vmem>>, vector<16xf32>,
        %mul3A_425 = arith.mulf %get3A_338, %get3A_424 : vector<16xf32>
        %get3A_426 = arith.constant 1 : i32
        %get3A_427 = arith.index_cast %get3A_426 : i32 to index
        %get3A_428 = arith.index_cast %add3A_419 : i32 to index
        %get3A_429 = arith.constant 16 : index
        %get3A_430 = tpu.vector_load %arg14[%get3A_427, %get3A_428, %get3A_429] {strides = array<i32>} : memref<2x320x128xf32, #tpu.memory_space<vmem>>, vector<16xf32>,
        %mul3A_431 = arith.mulf %get3A_343, %get3A_430 : vector<16xf32>
        %add3A_432 = arith.addf %mul3A_425, %mul3A_431 : vector<16xf32>
        %get3A_433 = arith.constant 1 : i32
        %get3A_434 = arith.index_cast %get3A_433 : i32 to index
        %get3A_435 = arith.index_cast %add3A_419 : i32 to index
        %get3A_436 = arith.constant 32 : index
        %get3A_437 = tpu.vector_load %arg14[%get3A_434, %get3A_435, %get3A_436] {strides = array<i32>} : memref<2x320x128xf32, #tpu.memory_space<vmem>>, vector<16xf32>,
        %mul3A_438 = arith.mulf %get3A_348, %get3A_437 : vector<16xf32>
        %add3A_439 = arith.addf %add3A_432, %mul3A_438 : vector<16xf32>
        %get3A_440 = arith.constant 1 : i32
        %get3A_441 = arith.index_cast %get3A_440 : i32 to index
        %get3A_442 = arith.index_cast %add3A_419 : i32 to index
        %get3A_443 = arith.constant 48 : index
        %get3A_444 = tpu.vector_load %arg14[%get3A_441, %get3A_442, %get3A_443] {strides = array<i32>} : memref<2x320x128xf32, #tpu.memory_space<vmem>>, vector<16xf32>,
        %mul3A_445 = arith.mulf %get3A_353, %get3A_444 : vector<16xf32>
        %add3A_446 = arith.addf %add3A_439, %mul3A_445 : vector<16xf32>
        %broadcast_in_dim3A_447 = arith.constant true
        %broadcast_in_dim3A_448 = vector.broadcast %broadcast_in_dim3A_447 : i1 to vector<16xi1>
        %masked_cumsum3A_449 = tpu.scan <sum>, %add3A_446 masked %broadcast_in_dim3A_448 : vector<16xf32>, vector<16xi1> -> vector<16xf32>
        %broadcast_in_dim3A_450 = vector.broadcast %add3A_419 : i32 to vector<16xi32>
        tpu.vector_store_idx %arg16[%broadcast_in_dim3A_450], %masked_cumsum3A_449 masked %eq3A_2 : memref<320xf32, #tpu.memory_space<vmem>>[vector<16xi32>], vector<16xf32>, vector<16xi1>
        %add3A_451 = arith.constant 2 : i32
        %add3A_452 = arith.addi %mul3A_384, %add3A_451 : i32
        %get3A_453 = arith.constant 1 : i32
        %get3A_454 = arith.index_cast %get3A_453 : i32 to index
        %get3A_455 = arith.index_cast %add3A_452 : i32 to index
        %get3A_456 = arith.constant 0 : index
        %get3A_457 = tpu.vector_load %arg14[%get3A_454, %get3A_455, %get3A_456] {strides = array<i32>} : memref<2x320x128xf32, #tpu.memory_space<vmem>>, vector<16xf32>,
        %mul3A_458 = arith.mulf %get3A_338, %get3A_457 : vector<16xf32>
        %get3A_459 = arith.constant 1 : i32
        %get3A_460 = arith.index_cast %get3A_459 : i32 to index
        %get3A_461 = arith.index_cast %add3A_452 : i32 to index
        %get3A_462 = arith.constant 16 : index
        %get3A_463 = tpu.vector_load %arg14[%get3A_460, %get3A_461, %get3A_462] {strides = array<i32>} : memref<2x320x128xf32, #tpu.memory_space<vmem>>, vector<16xf32>,
        %mul3A_464 = arith.mulf %get3A_343, %get3A_463 : vector<16xf32>
        %add3A_465 = arith.addf %mul3A_458, %mul3A_464 : vector<16xf32>
        %get3A_466 = arith.constant 1 : i32
        %get3A_467 = arith.index_cast %get3A_466 : i32 to index
        %get3A_468 = arith.index_cast %add3A_452 : i32 to index
        %get3A_469 = arith.constant 32 : index
        %get3A_470 = tpu.vector_load %arg14[%get3A_467, %get3A_468, %get3A_469] {strides = array<i32>} : memref<2x320x128xf32, #tpu.memory_space<vmem>>, vector<16xf32>,
        %mul3A_471 = arith.mulf %get3A_348, %get3A_470 : vector<16xf32>
        %add3A_472 = arith.addf %add3A_465, %mul3A_471 : vector<16xf32>
        %get3A_473 = arith.constant 1 : i32
        %get3A_474 = arith.index_cast %get3A_473 : i32 to index
        %get3A_475 = arith.index_cast %add3A_452 : i32 to index
        %get3A_476 = arith.constant 48 : index
        %get3A_477 = tpu.vector_load %arg14[%get3A_474, %get3A_475, %get3A_476] {strides = array<i32>} : memref<2x320x128xf32, #tpu.memory_space<vmem>>, vector<16xf32>,
        %mul3A_478 = arith.mulf %get3A_353, %get3A_477 : vector<16xf32>
        %add3A_479 = arith.addf %add3A_472, %mul3A_478 : vector<16xf32>
        %broadcast_in_dim3A_480 = arith.constant true
        %broadcast_in_dim3A_481 = vector.broadcast %broadcast_in_dim3A_480 : i1 to vector<16xi1>
        %masked_cumsum3A_482 = tpu.scan <sum>, %add3A_479 masked %broadcast_in_dim3A_481 : vector<16xf32>, vector<16xi1> -> vector<16xf32>
        %broadcast_in_dim3A_483 = vector.broadcast %add3A_452 : i32 to vector<16xi32>
        tpu.vector_store_idx %arg16[%broadcast_in_dim3A_483], %masked_cumsum3A_482 masked %eq3A_2 : memref<320xf32, #tpu.memory_space<vmem>>[vector<16xi32>], vector<16xf32>, vector<16xi1>
        %add3A_484 = arith.constant 3 : i32
        %add3A_485 = arith.addi %mul3A_384, %add3A_484 : i32
        %get3A_486 = arith.constant 1 : i32
        %get3A_487 = arith.index_cast %get3A_486 : i32 to index
        %get3A_488 = arith.index_cast %add3A_485 : i32 to index
        %get3A_489 = arith.constant 0 : index
        %get3A_490 = tpu.vector_load %arg14[%get3A_487, %get3A_488, %get3A_489] {strides = array<i32>} : memref<2x320x128xf32, #tpu.memory_space<vmem>>, vector<16xf32>,
        %mul3A_491 = arith.mulf %get3A_338, %get3A_490 : vector<16xf32>
        %get3A_492 = arith.constant 1 : i32
        %get3A_493 = arith.index_cast %get3A_492 : i32 to index
        %get3A_494 = arith.index_cast %add3A_485 : i32 to index
        %get3A_495 = arith.constant 16 : index
        %get3A_496 = tpu.vector_load %arg14[%get3A_493, %get3A_494, %get3A_495] {strides = array<i32>} : memref<2x320x128xf32, #tpu.memory_space<vmem>>, vector<16xf32>,
        %mul3A_497 = arith.mulf %get3A_343, %get3A_496 : vector<16xf32>
        %add3A_498 = arith.addf %mul3A_491, %mul3A_497 : vector<16xf32>
        %get3A_499 = arith.constant 1 : i32
        %get3A_500 = arith.index_cast %get3A_499 : i32 to index
        %get3A_501 = arith.index_cast %add3A_485 : i32 to index
        %get3A_502 = arith.constant 32 : index
        %get3A_503 = tpu.vector_load %arg14[%get3A_500, %get3A_501, %get3A_502] {strides = array<i32>} : memref<2x320x128xf32, #tpu.memory_space<vmem>>, vector<16xf32>,
        %mul3A_504 = arith.mulf %get3A_348, %get3A_503 : vector<16xf32>
        %add3A_505 = arith.addf %add3A_498, %mul3A_504 : vector<16xf32>
        %get3A_506 = arith.constant 1 : i32
        %get3A_507 = arith.index_cast %get3A_506 : i32 to index
        %get3A_508 = arith.index_cast %add3A_485 : i32 to index
        %get3A_509 = arith.constant 48 : index
        %get3A_510 = tpu.vector_load %arg14[%get3A_507, %get3A_508, %get3A_509] {strides = array<i32>} : memref<2x320x128xf32, #tpu.memory_space<vmem>>, vector<16xf32>,
        %mul3A_511 = arith.mulf %get3A_353, %get3A_510 : vector<16xf32>
        %add3A_512 = arith.addf %add3A_505, %mul3A_511 : vector<16xf32>
        %broadcast_in_dim3A_513 = arith.constant true
        %broadcast_in_dim3A_514 = vector.broadcast %broadcast_in_dim3A_513 : i1 to vector<16xi1>
        %masked_cumsum3A_515 = tpu.scan <sum>, %add3A_512 masked %broadcast_in_dim3A_514 : vector<16xf32>, vector<16xi1> -> vector<16xf32>
        %broadcast_in_dim3A_516 = vector.broadcast %add3A_485 : i32 to vector<16xi32>
        tpu.vector_store_idx %arg16[%broadcast_in_dim3A_516], %masked_cumsum3A_515 masked %eq3A_2 : memref<320xf32, #tpu.memory_space<vmem>>[vector<16xi32>], vector<16xf32>, vector<16xi1>
        %add3A_517 = arith.constant 4 : i32
        %add3A_518 = arith.addi %mul3A_384, %add3A_517 : i32
        %get3A_519 = arith.constant 1 : i32
        %get3A_520 = arith.index_cast %get3A_519 : i32 to index
        %get3A_521 = arith.index_cast %add3A_518 : i32 to index
        %get3A_522 = arith.constant 0 : index
        %get3A_523 = tpu.vector_load %arg14[%get3A_520, %get3A_521, %get3A_522] {strides = array<i32>} : memref<2x320x128xf32, #tpu.memory_space<vmem>>, vector<16xf32>,
        %mul3A_524 = arith.mulf %get3A_338, %get3A_523 : vector<16xf32>
        %get3A_525 = arith.constant 1 : i32
        %get3A_526 = arith.index_cast %get3A_525 : i32 to index
        %get3A_527 = arith.index_cast %add3A_518 : i32 to index
        %get3A_528 = arith.constant 16 : index
        %get3A_529 = tpu.vector_load %arg14[%get3A_526, %get3A_527, %get3A_528] {strides = array<i32>} : memref<2x320x128xf32, #tpu.memory_space<vmem>>, vector<16xf32>,
        %mul3A_530 = arith.mulf %get3A_343, %get3A_529 : vector<16xf32>
        %add3A_531 = arith.addf %mul3A_524, %mul3A_530 : vector<16xf32>
        %get3A_532 = arith.constant 1 : i32
        %get3A_533 = arith.index_cast %get3A_532 : i32 to index
        %get3A_534 = arith.index_cast %add3A_518 : i32 to index
        %get3A_535 = arith.constant 32 : index
        %get3A_536 = tpu.vector_load %arg14[%get3A_533, %get3A_534, %get3A_535] {strides = array<i32>} : memref<2x320x128xf32, #tpu.memory_space<vmem>>, vector<16xf32>,
        %mul3A_537 = arith.mulf %get3A_348, %get3A_536 : vector<16xf32>
        %add3A_538 = arith.addf %add3A_531, %mul3A_537 : vector<16xf32>
        %get3A_539 = arith.constant 1 : i32
        %get3A_540 = arith.index_cast %get3A_539 : i32 to index
        %get3A_541 = arith.index_cast %add3A_518 : i32 to index
        %get3A_542 = arith.constant 48 : index
        %get3A_543 = tpu.vector_load %arg14[%get3A_540, %get3A_541, %get3A_542] {strides = array<i32>} : memref<2x320x128xf32, #tpu.memory_space<vmem>>, vector<16xf32>,
        %mul3A_544 = arith.mulf %get3A_353, %get3A_543 : vector<16xf32>
        %add3A_545 = arith.addf %add3A_538, %mul3A_544 : vector<16xf32>
        %broadcast_in_dim3A_546 = arith.constant true
        %broadcast_in_dim3A_547 = vector.broadcast %broadcast_in_dim3A_546 : i1 to vector<16xi1>
        %masked_cumsum3A_548 = tpu.scan <sum>, %add3A_545 masked %broadcast_in_dim3A_547 : vector<16xf32>, vector<16xi1> -> vector<16xf32>
        %broadcast_in_dim3A_549 = vector.broadcast %add3A_518 : i32 to vector<16xi32>
        tpu.vector_store_idx %arg16[%broadcast_in_dim3A_549], %masked_cumsum3A_548 masked %eq3A_2 : memref<320xf32, #tpu.memory_space<vmem>>[vector<16xi32>], vector<16xf32>, vector<16xi1>
        %add3A_550 = arith.constant 5 : i32
        %add3A_551 = arith.addi %mul3A_384, %add3A_550 : i32
        %get3A_552 = arith.constant 1 : i32
        %get3A_553 = arith.index_cast %get3A_552 : i32 to index
        %get3A_554 = arith.index_cast %add3A_551 : i32 to index
        %get3A_555 = arith.constant 0 : index
        %get3A_556 = tpu.vector_load %arg14[%get3A_553, %get3A_554, %get3A_555] {strides = array<i32>} : memref<2x320x128xf32, #tpu.memory_space<vmem>>, vector<16xf32>,
        %mul3A_557 = arith.mulf %get3A_338, %get3A_556 : vector<16xf32>
        %get3A_558 = arith.constant 1 : i32
        %get3A_559 = arith.index_cast %get3A_558 : i32 to index
        %get3A_560 = arith.index_cast %add3A_551 : i32 to index
        %get3A_561 = arith.constant 16 : index
        %get3A_562 = tpu.vector_load %arg14[%get3A_559, %get3A_560, %get3A_561] {strides = array<i32>} : memref<2x320x128xf32, #tpu.memory_space<vmem>>, vector<16xf32>,
        %mul3A_563 = arith.mulf %get3A_343, %get3A_562 : vector<16xf32>
        %add3A_564 = arith.addf %mul3A_557, %mul3A_563 : vector<16xf32>
        %get3A_565 = arith.constant 1 : i32
        %get3A_566 = arith.index_cast %get3A_565 : i32 to index
        %get3A_567 = arith.index_cast %add3A_551 : i32 to index
        %get3A_568 = arith.constant 32 : index
        %get3A_569 = tpu.vector_load %arg14[%get3A_566, %get3A_567, %get3A_568] {strides = array<i32>} : memref<2x320x128xf32, #tpu.memory_space<vmem>>, vector<16xf32>,
        %mul3A_570 = arith.mulf %get3A_348, %get3A_569 : vector<16xf32>
        %add3A_571 = arith.addf %add3A_564, %mul3A_570 : vector<16xf32>
        %get3A_572 = arith.constant 1 : i32
        %get3A_573 = arith.index_cast %get3A_572 : i32 to index
        %get3A_574 = arith.index_cast %add3A_551 : i32 to index
        %get3A_575 = arith.constant 48 : index
        %get3A_576 = tpu.vector_load %arg14[%get3A_573, %get3A_574, %get3A_575] {strides = array<i32>} : memref<2x320x128xf32, #tpu.memory_space<vmem>>, vector<16xf32>,
        %mul3A_577 = arith.mulf %get3A_353, %get3A_576 : vector<16xf32>
        %add3A_578 = arith.addf %add3A_571, %mul3A_577 : vector<16xf32>
        %broadcast_in_dim3A_579 = arith.constant true
        %broadcast_in_dim3A_580 = vector.broadcast %broadcast_in_dim3A_579 : i1 to vector<16xi1>
        %masked_cumsum3A_581 = tpu.scan <sum>, %add3A_578 masked %broadcast_in_dim3A_580 : vector<16xf32>, vector<16xi1> -> vector<16xf32>
        %broadcast_in_dim3A_582 = vector.broadcast %add3A_551 : i32 to vector<16xi32>
        tpu.vector_store_idx %arg16[%broadcast_in_dim3A_582], %masked_cumsum3A_581 masked %eq3A_2 : memref<320xf32, #tpu.memory_space<vmem>>[vector<16xi32>], vector<16xf32>, vector<16xi1>
        %add3A_583 = arith.constant 6 : i32
        %add3A_584 = arith.addi %mul3A_384, %add3A_583 : i32
        %get3A_585 = arith.constant 1 : i32
        %get3A_586 = arith.index_cast %get3A_585 : i32 to index
        %get3A_587 = arith.index_cast %add3A_584 : i32 to index
        %get3A_588 = arith.constant 0 : index
        %get3A_589 = tpu.vector_load %arg14[%get3A_586, %get3A_587, %get3A_588] {strides = array<i32>} : memref<2x320x128xf32, #tpu.memory_space<vmem>>, vector<16xf32>,
        %mul3A_590 = arith.mulf %get3A_338, %get3A_589 : vector<16xf32>
        %get3A_591 = arith.constant 1 : i32
        %get3A_592 = arith.index_cast %get3A_591 : i32 to index
        %get3A_593 = arith.index_cast %add3A_584 : i32 to index
        %get3A_594 = arith.constant 16 : index
        %get3A_595 = tpu.vector_load %arg14[%get3A_592, %get3A_593, %get3A_594] {strides = array<i32>} : memref<2x320x128xf32, #tpu.memory_space<vmem>>, vector<16xf32>,
        %mul3A_596 = arith.mulf %get3A_343, %get3A_595 : vector<16xf32>
        %add3A_597 = arith.addf %mul3A_590, %mul3A_596 : vector<16xf32>
        %get3A_598 = arith.constant 1 : i32
        %get3A_599 = arith.index_cast %get3A_598 : i32 to index
        %get3A_600 = arith.index_cast %add3A_584 : i32 to index
        %get3A_601 = arith.constant 32 : index
        %get3A_602 = tpu.vector_load %arg14[%get3A_599, %get3A_600, %get3A_601] {strides = array<i32>} : memref<2x320x128xf32, #tpu.memory_space<vmem>>, vector<16xf32>,
        %mul3A_603 = arith.mulf %get3A_348, %get3A_602 : vector<16xf32>
        %add3A_604 = arith.addf %add3A_597, %mul3A_603 : vector<16xf32>
        %get3A_605 = arith.constant 1 : i32
        %get3A_606 = arith.index_cast %get3A_605 : i32 to index
        %get3A_607 = arith.index_cast %add3A_584 : i32 to index
        %get3A_608 = arith.constant 48 : index
        %get3A_609 = tpu.vector_load %arg14[%get3A_606, %get3A_607, %get3A_608] {strides = array<i32>} : memref<2x320x128xf32, #tpu.memory_space<vmem>>, vector<16xf32>,
        %mul3A_610 = arith.mulf %get3A_353, %get3A_609 : vector<16xf32>
        %add3A_611 = arith.addf %add3A_604, %mul3A_610 : vector<16xf32>
        %broadcast_in_dim3A_612 = arith.constant true
        %broadcast_in_dim3A_613 = vector.broadcast %broadcast_in_dim3A_612 : i1 to vector<16xi1>
        %masked_cumsum3A_614 = tpu.scan <sum>, %add3A_611 masked %broadcast_in_dim3A_613 : vector<16xf32>, vector<16xi1> -> vector<16xf32>
        %broadcast_in_dim3A_615 = vector.broadcast %add3A_584 : i32 to vector<16xi32>
        tpu.vector_store_idx %arg16[%broadcast_in_dim3A_615], %masked_cumsum3A_614 masked %eq3A_2 : memref<320xf32, #tpu.memory_space<vmem>>[vector<16xi32>], vector<16xf32>, vector<16xi1>
        %add3A_616 = arith.constant 7 : i32
        %add3A_617 = arith.addi %mul3A_384, %add3A_616 : i32
        %get3A_618 = arith.constant 1 : i32
        %get3A_619 = arith.index_cast %get3A_618 : i32 to index
        %get3A_620 = arith.index_cast %add3A_617 : i32 to index
        %get3A_621 = arith.constant 0 : index
        %get3A_622 = tpu.vector_load %arg14[%get3A_619, %get3A_620, %get3A_621] {strides = array<i32>} : memref<2x320x128xf32, #tpu.memory_space<vmem>>, vector<16xf32>,
        %mul3A_623 = arith.mulf %get3A_338, %get3A_622 : vector<16xf32>
        %get3A_624 = arith.constant 1 : i32
        %get3A_625 = arith.index_cast %get3A_624 : i32 to index
        %get3A_626 = arith.index_cast %add3A_617 : i32 to index
        %get3A_627 = arith.constant 16 : index
        %get3A_628 = tpu.vector_load %arg14[%get3A_625, %get3A_626, %get3A_627] {strides = array<i32>} : memref<2x320x128xf32, #tpu.memory_space<vmem>>, vector<16xf32>,
        %mul3A_629 = arith.mulf %get3A_343, %get3A_628 : vector<16xf32>
        %add3A_630 = arith.addf %mul3A_623, %mul3A_629 : vector<16xf32>
        %get3A_631 = arith.constant 1 : i32
        %get3A_632 = arith.index_cast %get3A_631 : i32 to index
        %get3A_633 = arith.index_cast %add3A_617 : i32 to index
        %get3A_634 = arith.constant 32 : index
        %get3A_635 = tpu.vector_load %arg14[%get3A_632, %get3A_633, %get3A_634] {strides = array<i32>} : memref<2x320x128xf32, #tpu.memory_space<vmem>>, vector<16xf32>,
        %mul3A_636 = arith.mulf %get3A_348, %get3A_635 : vector<16xf32>
        %add3A_637 = arith.addf %add3A_630, %mul3A_636 : vector<16xf32>
        %get3A_638 = arith.constant 1 : i32
        %get3A_639 = arith.index_cast %get3A_638 : i32 to index
        %get3A_640 = arith.index_cast %add3A_617 : i32 to index
        %get3A_641 = arith.constant 48 : index
        %get3A_642 = tpu.vector_load %arg14[%get3A_639, %get3A_640, %get3A_641] {strides = array<i32>} : memref<2x320x128xf32, #tpu.memory_space<vmem>>, vector<16xf32>,
        %mul3A_643 = arith.mulf %get3A_353, %get3A_642 : vector<16xf32>
        %add3A_644 = arith.addf %add3A_637, %mul3A_643 : vector<16xf32>
        %broadcast_in_dim3A_645 = arith.constant true
        %broadcast_in_dim3A_646 = vector.broadcast %broadcast_in_dim3A_645 : i1 to vector<16xi1>
        %masked_cumsum3A_647 = tpu.scan <sum>, %add3A_644 masked %broadcast_in_dim3A_646 : vector<16xf32>, vector<16xi1> -> vector<16xf32>
        %broadcast_in_dim3A_648 = vector.broadcast %add3A_617 : i32 to vector<16xi32>
        tpu.vector_store_idx %arg16[%broadcast_in_dim3A_648], %masked_cumsum3A_647 masked %eq3A_2 : memref<320xf32, #tpu.memory_space<vmem>>[vector<16xi32>], vector<16xf32>, vector<16xi1>
        %add3A_649 = arith.constant 8 : i32
        %add3A_650 = arith.addi %mul3A_384, %add3A_649 : i32
        %get3A_651 = arith.constant 1 : i32
        %get3A_652 = arith.index_cast %get3A_651 : i32 to index
        %get3A_653 = arith.index_cast %add3A_650 : i32 to index
        %get3A_654 = arith.constant 0 : index
        %get3A_655 = tpu.vector_load %arg14[%get3A_652, %get3A_653, %get3A_654] {strides = array<i32>} : memref<2x320x128xf32, #tpu.memory_space<vmem>>, vector<16xf32>,
        %mul3A_656 = arith.mulf %get3A_338, %get3A_655 : vector<16xf32>
        %get3A_657 = arith.constant 1 : i32
        %get3A_658 = arith.index_cast %get3A_657 : i32 to index
        %get3A_659 = arith.index_cast %add3A_650 : i32 to index
        %get3A_660 = arith.constant 16 : index
        %get3A_661 = tpu.vector_load %arg14[%get3A_658, %get3A_659, %get3A_660] {strides = array<i32>} : memref<2x320x128xf32, #tpu.memory_space<vmem>>, vector<16xf32>,
        %mul3A_662 = arith.mulf %get3A_343, %get3A_661 : vector<16xf32>
        %add3A_663 = arith.addf %mul3A_656, %mul3A_662 : vector<16xf32>
        %get3A_664 = arith.constant 1 : i32
        %get3A_665 = arith.index_cast %get3A_664 : i32 to index
        %get3A_666 = arith.index_cast %add3A_650 : i32 to index
        %get3A_667 = arith.constant 32 : index
        %get3A_668 = tpu.vector_load %arg14[%get3A_665, %get3A_666, %get3A_667] {strides = array<i32>} : memref<2x320x128xf32, #tpu.memory_space<vmem>>, vector<16xf32>,
        %mul3A_669 = arith.mulf %get3A_348, %get3A_668 : vector<16xf32>
        %add3A_670 = arith.addf %add3A_663, %mul3A_669 : vector<16xf32>
        %get3A_671 = arith.constant 1 : i32
        %get3A_672 = arith.index_cast %get3A_671 : i32 to index
        %get3A_673 = arith.index_cast %add3A_650 : i32 to index
        %get3A_674 = arith.constant 48 : index
        %get3A_675 = tpu.vector_load %arg14[%get3A_672, %get3A_673, %get3A_674] {strides = array<i32>} : memref<2x320x128xf32, #tpu.memory_space<vmem>>, vector<16xf32>,
        %mul3A_676 = arith.mulf %get3A_353, %get3A_675 : vector<16xf32>
        %add3A_677 = arith.addf %add3A_670, %mul3A_676 : vector<16xf32>
        %broadcast_in_dim3A_678 = arith.constant true
        %broadcast_in_dim3A_679 = vector.broadcast %broadcast_in_dim3A_678 : i1 to vector<16xi1>
        %masked_cumsum3A_680 = tpu.scan <sum>, %add3A_677 masked %broadcast_in_dim3A_679 : vector<16xf32>, vector<16xi1> -> vector<16xf32>
        %broadcast_in_dim3A_681 = vector.broadcast %add3A_650 : i32 to vector<16xi32>
        tpu.vector_store_idx %arg16[%broadcast_in_dim3A_681], %masked_cumsum3A_680 masked %eq3A_2 : memref<320xf32, #tpu.memory_space<vmem>>[vector<16xi32>], vector<16xf32>, vector<16xi1>
        %add3A_682 = arith.constant 9 : i32
        %add3A_683 = arith.addi %mul3A_384, %add3A_682 : i32
        %get3A_684 = arith.constant 1 : i32
        %get3A_685 = arith.index_cast %get3A_684 : i32 to index
        %get3A_686 = arith.index_cast %add3A_683 : i32 to index
        %get3A_687 = arith.constant 0 : index
        %get3A_688 = tpu.vector_load %arg14[%get3A_685, %get3A_686, %get3A_687] {strides = array<i32>} : memref<2x320x128xf32, #tpu.memory_space<vmem>>, vector<16xf32>,
        %mul3A_689 = arith.mulf %get3A_338, %get3A_688 : vector<16xf32>
        %get3A_690 = arith.constant 1 : i32
        %get3A_691 = arith.index_cast %get3A_690 : i32 to index
        %get3A_692 = arith.index_cast %add3A_683 : i32 to index
        %get3A_693 = arith.constant 16 : index
        %get3A_694 = tpu.vector_load %arg14[%get3A_691, %get3A_692, %get3A_693] {strides = array<i32>} : memref<2x320x128xf32, #tpu.memory_space<vmem>>, vector<16xf32>,
        %mul3A_695 = arith.mulf %get3A_343, %get3A_694 : vector<16xf32>
        %add3A_696 = arith.addf %mul3A_689, %mul3A_695 : vector<16xf32>
        %get3A_697 = arith.constant 1 : i32
        %get3A_698 = arith.index_cast %get3A_697 : i32 to index
        %get3A_699 = arith.index_cast %add3A_683 : i32 to index
        %get3A_700 = arith.constant 32 : index
        %get3A_701 = tpu.vector_load %arg14[%get3A_698, %get3A_699, %get3A_700] {strides = array<i32>} : memref<2x320x128xf32, #tpu.memory_space<vmem>>, vector<16xf32>,
        %mul3A_702 = arith.mulf %get3A_348, %get3A_701 : vector<16xf32>
        %add3A_703 = arith.addf %add3A_696, %mul3A_702 : vector<16xf32>
        %get3A_704 = arith.constant 1 : i32
        %get3A_705 = arith.index_cast %get3A_704 : i32 to index
        %get3A_706 = arith.index_cast %add3A_683 : i32 to index
        %get3A_707 = arith.constant 48 : index
        %get3A_708 = tpu.vector_load %arg14[%get3A_705, %get3A_706, %get3A_707] {strides = array<i32>} : memref<2x320x128xf32, #tpu.memory_space<vmem>>, vector<16xf32>,
        %mul3A_709 = arith.mulf %get3A_353, %get3A_708 : vector<16xf32>
        %add3A_710 = arith.addf %add3A_703, %mul3A_709 : vector<16xf32>
        %broadcast_in_dim3A_711 = arith.constant true
        %broadcast_in_dim3A_712 = vector.broadcast %broadcast_in_dim3A_711 : i1 to vector<16xi1>
        %masked_cumsum3A_713 = tpu.scan <sum>, %add3A_710 masked %broadcast_in_dim3A_712 : vector<16xf32>, vector<16xi1> -> vector<16xf32>
        %broadcast_in_dim3A_714 = vector.broadcast %add3A_683 : i32 to vector<16xi32>
        tpu.vector_store_idx %arg16[%broadcast_in_dim3A_714], %masked_cumsum3A_713 masked %eq3A_2 : memref<320xf32, #tpu.memory_space<vmem>>[vector<16xi32>], vector<16xf32>, vector<16xi1>
        %add3A_715 = arith.constant 10 : i32
        %add3A_716 = arith.addi %mul3A_384, %add3A_715 : i32
        %get3A_717 = arith.constant 1 : i32
        %get3A_718 = arith.index_cast %get3A_717 : i32 to index
        %get3A_719 = arith.index_cast %add3A_716 : i32 to index
        %get3A_720 = arith.constant 0 : index
        %get3A_721 = tpu.vector_load %arg14[%get3A_718, %get3A_719, %get3A_720] {strides = array<i32>} : memref<2x320x128xf32, #tpu.memory_space<vmem>>, vector<16xf32>,
        %mul3A_722 = arith.mulf %get3A_338, %get3A_721 : vector<16xf32>
        %get3A_723 = arith.constant 1 : i32
        %get3A_724 = arith.index_cast %get3A_723 : i32 to index
        %get3A_725 = arith.index_cast %add3A_716 : i32 to index
        %get3A_726 = arith.constant 16 : index
        %get3A_727 = tpu.vector_load %arg14[%get3A_724, %get3A_725, %get3A_726] {strides = array<i32>} : memref<2x320x128xf32, #tpu.memory_space<vmem>>, vector<16xf32>,
        %mul3A_728 = arith.mulf %get3A_343, %get3A_727 : vector<16xf32>
        %add3A_729 = arith.addf %mul3A_722, %mul3A_728 : vector<16xf32>
        %get3A_730 = arith.constant 1 : i32
        %get3A_731 = arith.index_cast %get3A_730 : i32 to index
        %get3A_732 = arith.index_cast %add3A_716 : i32 to index
        %get3A_733 = arith.constant 32 : index
        %get3A_734 = tpu.vector_load %arg14[%get3A_731, %get3A_732, %get3A_733] {strides = array<i32>} : memref<2x320x128xf32, #tpu.memory_space<vmem>>, vector<16xf32>,
        %mul3A_735 = arith.mulf %get3A_348, %get3A_734 : vector<16xf32>
        %add3A_736 = arith.addf %add3A_729, %mul3A_735 : vector<16xf32>
        %get3A_737 = arith.constant 1 : i32
        %get3A_738 = arith.index_cast %get3A_737 : i32 to index
        %get3A_739 = arith.index_cast %add3A_716 : i32 to index
        %get3A_740 = arith.constant 48 : index
        %get3A_741 = tpu.vector_load %arg14[%get3A_738, %get3A_739, %get3A_740] {strides = array<i32>} : memref<2x320x128xf32, #tpu.memory_space<vmem>>, vector<16xf32>,
        %mul3A_742 = arith.mulf %get3A_353, %get3A_741 : vector<16xf32>
        %add3A_743 = arith.addf %add3A_736, %mul3A_742 : vector<16xf32>
        %broadcast_in_dim3A_744 = arith.constant true
        %broadcast_in_dim3A_745 = vector.broadcast %broadcast_in_dim3A_744 : i1 to vector<16xi1>
        %masked_cumsum3A_746 = tpu.scan <sum>, %add3A_743 masked %broadcast_in_dim3A_745 : vector<16xf32>, vector<16xi1> -> vector<16xf32>
        %broadcast_in_dim3A_747 = vector.broadcast %add3A_716 : i32 to vector<16xi32>
        tpu.vector_store_idx %arg16[%broadcast_in_dim3A_747], %masked_cumsum3A_746 masked %eq3A_2 : memref<320xf32, #tpu.memory_space<vmem>>[vector<16xi32>], vector<16xf32>, vector<16xi1>
        %add3A_748 = arith.constant 11 : i32
        %add3A_749 = arith.addi %mul3A_384, %add3A_748 : i32
        %get3A_750 = arith.constant 1 : i32
        %get3A_751 = arith.index_cast %get3A_750 : i32 to index
        %get3A_752 = arith.index_cast %add3A_749 : i32 to index
        %get3A_753 = arith.constant 0 : index
        %get3A_754 = tpu.vector_load %arg14[%get3A_751, %get3A_752, %get3A_753] {strides = array<i32>} : memref<2x320x128xf32, #tpu.memory_space<vmem>>, vector<16xf32>,
        %mul3A_755 = arith.mulf %get3A_338, %get3A_754 : vector<16xf32>
        %get3A_756 = arith.constant 1 : i32
        %get3A_757 = arith.index_cast %get3A_756 : i32 to index
        %get3A_758 = arith.index_cast %add3A_749 : i32 to index
        %get3A_759 = arith.constant 16 : index
        %get3A_760 = tpu.vector_load %arg14[%get3A_757, %get3A_758, %get3A_759] {strides = array<i32>} : memref<2x320x128xf32, #tpu.memory_space<vmem>>, vector<16xf32>,
        %mul3A_761 = arith.mulf %get3A_343, %get3A_760 : vector<16xf32>
        %add3A_762 = arith.addf %mul3A_755, %mul3A_761 : vector<16xf32>
        %get3A_763 = arith.constant 1 : i32
        %get3A_764 = arith.index_cast %get3A_763 : i32 to index
        %get3A_765 = arith.index_cast %add3A_749 : i32 to index
        %get3A_766 = arith.constant 32 : index
        %get3A_767 = tpu.vector_load %arg14[%get3A_764, %get3A_765, %get3A_766] {strides = array<i32>} : memref<2x320x128xf32, #tpu.memory_space<vmem>>, vector<16xf32>,
        %mul3A_768 = arith.mulf %get3A_348, %get3A_767 : vector<16xf32>
        %add3A_769 = arith.addf %add3A_762, %mul3A_768 : vector<16xf32>
        %get3A_770 = arith.constant 1 : i32
        %get3A_771 = arith.index_cast %get3A_770 : i32 to index
        %get3A_772 = arith.index_cast %add3A_749 : i32 to index
        %get3A_773 = arith.constant 48 : index
        %get3A_774 = tpu.vector_load %arg14[%get3A_771, %get3A_772, %get3A_773] {strides = array<i32>} : memref<2x320x128xf32, #tpu.memory_space<vmem>>, vector<16xf32>,
        %mul3A_775 = arith.mulf %get3A_353, %get3A_774 : vector<16xf32>
        %add3A_776 = arith.addf %add3A_769, %mul3A_775 : vector<16xf32>
        %broadcast_in_dim3A_777 = arith.constant true
        %broadcast_in_dim3A_778 = vector.broadcast %broadcast_in_dim3A_777 : i1 to vector<16xi1>
        %masked_cumsum3A_779 = tpu.scan <sum>, %add3A_776 masked %broadcast_in_dim3A_778 : vector<16xf32>, vector<16xi1> -> vector<16xf32>
        %broadcast_in_dim3A_780 = vector.broadcast %add3A_749 : i32 to vector<16xi32>
        tpu.vector_store_idx %arg16[%broadcast_in_dim3A_780], %masked_cumsum3A_779 masked %eq3A_2 : memref<320xf32, #tpu.memory_space<vmem>>[vector<16xi32>], vector<16xf32>, vector<16xi1>
        %add3A_781 = arith.constant 12 : i32
        %add3A_782 = arith.addi %mul3A_384, %add3A_781 : i32
        %get3A_783 = arith.constant 1 : i32
        %get3A_784 = arith.index_cast %get3A_783 : i32 to index
        %get3A_785 = arith.index_cast %add3A_782 : i32 to index
        %get3A_786 = arith.constant 0 : index
        %get3A_787 = tpu.vector_load %arg14[%get3A_784, %get3A_785, %get3A_786] {strides = array<i32>} : memref<2x320x128xf32, #tpu.memory_space<vmem>>, vector<16xf32>,
        %mul3A_788 = arith.mulf %get3A_338, %get3A_787 : vector<16xf32>
        %get3A_789 = arith.constant 1 : i32
        %get3A_790 = arith.index_cast %get3A_789 : i32 to index
        %get3A_791 = arith.index_cast %add3A_782 : i32 to index
        %get3A_792 = arith.constant 16 : index
        %get3A_793 = tpu.vector_load %arg14[%get3A_790, %get3A_791, %get3A_792] {strides = array<i32>} : memref<2x320x128xf32, #tpu.memory_space<vmem>>, vector<16xf32>,
        %mul3A_794 = arith.mulf %get3A_343, %get3A_793 : vector<16xf32>
        %add3A_795 = arith.addf %mul3A_788, %mul3A_794 : vector<16xf32>
        %get3A_796 = arith.constant 1 : i32
        %get3A_797 = arith.index_cast %get3A_796 : i32 to index
        %get3A_798 = arith.index_cast %add3A_782 : i32 to index
        %get3A_799 = arith.constant 32 : index
        %get3A_800 = tpu.vector_load %arg14[%get3A_797, %get3A_798, %get3A_799] {strides = array<i32>} : memref<2x320x128xf32, #tpu.memory_space<vmem>>, vector<16xf32>,
        %mul3A_801 = arith.mulf %get3A_348, %get3A_800 : vector<16xf32>
        %add3A_802 = arith.addf %add3A_795, %mul3A_801 : vector<16xf32>
        %get3A_803 = arith.constant 1 : i32
        %get3A_804 = arith.index_cast %get3A_803 : i32 to index
        %get3A_805 = arith.index_cast %add3A_782 : i32 to index
        %get3A_806 = arith.constant 48 : index
        %get3A_807 = tpu.vector_load %arg14[%get3A_804, %get3A_805, %get3A_806] {strides = array<i32>} : memref<2x320x128xf32, #tpu.memory_space<vmem>>, vector<16xf32>,
        %mul3A_808 = arith.mulf %get3A_353, %get3A_807 : vector<16xf32>
        %add3A_809 = arith.addf %add3A_802, %mul3A_808 : vector<16xf32>
        %broadcast_in_dim3A_810 = arith.constant true
        %broadcast_in_dim3A_811 = vector.broadcast %broadcast_in_dim3A_810 : i1 to vector<16xi1>
        %masked_cumsum3A_812 = tpu.scan <sum>, %add3A_809 masked %broadcast_in_dim3A_811 : vector<16xf32>, vector<16xi1> -> vector<16xf32>
        %broadcast_in_dim3A_813 = vector.broadcast %add3A_782 : i32 to vector<16xi32>
        tpu.vector_store_idx %arg16[%broadcast_in_dim3A_813], %masked_cumsum3A_812 masked %eq3A_2 : memref<320xf32, #tpu.memory_space<vmem>>[vector<16xi32>], vector<16xf32>, vector<16xi1>
        %add3A_814 = arith.constant 13 : i32
        %add3A_815 = arith.addi %mul3A_384, %add3A_814 : i32
        %get3A_816 = arith.constant 1 : i32
        %get3A_817 = arith.index_cast %get3A_816 : i32 to index
        %get3A_818 = arith.index_cast %add3A_815 : i32 to index
        %get3A_819 = arith.constant 0 : index
        %get3A_820 = tpu.vector_load %arg14[%get3A_817, %get3A_818, %get3A_819] {strides = array<i32>} : memref<2x320x128xf32, #tpu.memory_space<vmem>>, vector<16xf32>,
        %mul3A_821 = arith.mulf %get3A_338, %get3A_820 : vector<16xf32>
        %get3A_822 = arith.constant 1 : i32
        %get3A_823 = arith.index_cast %get3A_822 : i32 to index
        %get3A_824 = arith.index_cast %add3A_815 : i32 to index
        %get3A_825 = arith.constant 16 : index
        %get3A_826 = tpu.vector_load %arg14[%get3A_823, %get3A_824, %get3A_825] {strides = array<i32>} : memref<2x320x128xf32, #tpu.memory_space<vmem>>, vector<16xf32>,
        %mul3A_827 = arith.mulf %get3A_343, %get3A_826 : vector<16xf32>
        %add3A_828 = arith.addf %mul3A_821, %mul3A_827 : vector<16xf32>
        %get3A_829 = arith.constant 1 : i32
        %get3A_830 = arith.index_cast %get3A_829 : i32 to index
        %get3A_831 = arith.index_cast %add3A_815 : i32 to index
        %get3A_832 = arith.constant 32 : index
        %get3A_833 = tpu.vector_load %arg14[%get3A_830, %get3A_831, %get3A_832] {strides = array<i32>} : memref<2x320x128xf32, #tpu.memory_space<vmem>>, vector<16xf32>,
        %mul3A_834 = arith.mulf %get3A_348, %get3A_833 : vector<16xf32>
        %add3A_835 = arith.addf %add3A_828, %mul3A_834 : vector<16xf32>
        %get3A_836 = arith.constant 1 : i32
        %get3A_837 = arith.index_cast %get3A_836 : i32 to index
        %get3A_838 = arith.index_cast %add3A_815 : i32 to index
        %get3A_839 = arith.constant 48 : index
        %get3A_840 = tpu.vector_load %arg14[%get3A_837, %get3A_838, %get3A_839] {strides = array<i32>} : memref<2x320x128xf32, #tpu.memory_space<vmem>>, vector<16xf32>,
        %mul3A_841 = arith.mulf %get3A_353, %get3A_840 : vector<16xf32>
        %add3A_842 = arith.addf %add3A_835, %mul3A_841 : vector<16xf32>
        %broadcast_in_dim3A_843 = arith.constant true
        %broadcast_in_dim3A_844 = vector.broadcast %broadcast_in_dim3A_843 : i1 to vector<16xi1>
        %masked_cumsum3A_845 = tpu.scan <sum>, %add3A_842 masked %broadcast_in_dim3A_844 : vector<16xf32>, vector<16xi1> -> vector<16xf32>
        %broadcast_in_dim3A_846 = vector.broadcast %add3A_815 : i32 to vector<16xi32>
        tpu.vector_store_idx %arg16[%broadcast_in_dim3A_846], %masked_cumsum3A_845 masked %eq3A_2 : memref<320xf32, #tpu.memory_space<vmem>>[vector<16xi32>], vector<16xf32>, vector<16xi1>
        %add3A_847 = arith.constant 14 : i32
        %add3A_848 = arith.addi %mul3A_384, %add3A_847 : i32
        %get3A_849 = arith.constant 1 : i32
        %get3A_850 = arith.index_cast %get3A_849 : i32 to index
        %get3A_851 = arith.index_cast %add3A_848 : i32 to index
        %get3A_852 = arith.constant 0 : index
        %get3A_853 = tpu.vector_load %arg14[%get3A_850, %get3A_851, %get3A_852] {strides = array<i32>} : memref<2x320x128xf32, #tpu.memory_space<vmem>>, vector<16xf32>,
        %mul3A_854 = arith.mulf %get3A_338, %get3A_853 : vector<16xf32>
        %get3A_855 = arith.constant 1 : i32
        %get3A_856 = arith.index_cast %get3A_855 : i32 to index
        %get3A_857 = arith.index_cast %add3A_848 : i32 to index
        %get3A_858 = arith.constant 16 : index
        %get3A_859 = tpu.vector_load %arg14[%get3A_856, %get3A_857, %get3A_858] {strides = array<i32>} : memref<2x320x128xf32, #tpu.memory_space<vmem>>, vector<16xf32>,
        %mul3A_860 = arith.mulf %get3A_343, %get3A_859 : vector<16xf32>
        %add3A_861 = arith.addf %mul3A_854, %mul3A_860 : vector<16xf32>
        %get3A_862 = arith.constant 1 : i32
        %get3A_863 = arith.index_cast %get3A_862 : i32 to index
        %get3A_864 = arith.index_cast %add3A_848 : i32 to index
        %get3A_865 = arith.constant 32 : index
        %get3A_866 = tpu.vector_load %arg14[%get3A_863, %get3A_864, %get3A_865] {strides = array<i32>} : memref<2x320x128xf32, #tpu.memory_space<vmem>>, vector<16xf32>,
        %mul3A_867 = arith.mulf %get3A_348, %get3A_866 : vector<16xf32>
        %add3A_868 = arith.addf %add3A_861, %mul3A_867 : vector<16xf32>
        %get3A_869 = arith.constant 1 : i32
        %get3A_870 = arith.index_cast %get3A_869 : i32 to index
        %get3A_871 = arith.index_cast %add3A_848 : i32 to index
        %get3A_872 = arith.constant 48 : index
        %get3A_873 = tpu.vector_load %arg14[%get3A_870, %get3A_871, %get3A_872] {strides = array<i32>} : memref<2x320x128xf32, #tpu.memory_space<vmem>>, vector<16xf32>,
        %mul3A_874 = arith.mulf %get3A_353, %get3A_873 : vector<16xf32>
        %add3A_875 = arith.addf %add3A_868, %mul3A_874 : vector<16xf32>
        %broadcast_in_dim3A_876 = arith.constant true
        %broadcast_in_dim3A_877 = vector.broadcast %broadcast_in_dim3A_876 : i1 to vector<16xi1>
        %masked_cumsum3A_878 = tpu.scan <sum>, %add3A_875 masked %broadcast_in_dim3A_877 : vector<16xf32>, vector<16xi1> -> vector<16xf32>
        %broadcast_in_dim3A_879 = vector.broadcast %add3A_848 : i32 to vector<16xi32>
        tpu.vector_store_idx %arg16[%broadcast_in_dim3A_879], %masked_cumsum3A_878 masked %eq3A_2 : memref<320xf32, #tpu.memory_space<vmem>>[vector<16xi32>], vector<16xf32>, vector<16xi1>
        %add3A_880 = arith.constant 15 : i32
        %add3A_881 = arith.addi %mul3A_384, %add3A_880 : i32
        %get3A_882 = arith.constant 1 : i32
        %get3A_883 = arith.index_cast %get3A_882 : i32 to index
        %get3A_884 = arith.index_cast %add3A_881 : i32 to index
        %get3A_885 = arith.constant 0 : index
        %get3A_886 = tpu.vector_load %arg14[%get3A_883, %get3A_884, %get3A_885] {strides = array<i32>} : memref<2x320x128xf32, #tpu.memory_space<vmem>>, vector<16xf32>,
        %mul3A_887 = arith.mulf %get3A_338, %get3A_886 : vector<16xf32>
        %get3A_888 = arith.constant 1 : i32
        %get3A_889 = arith.index_cast %get3A_888 : i32 to index
        %get3A_890 = arith.index_cast %add3A_881 : i32 to index
        %get3A_891 = arith.constant 16 : index
        %get3A_892 = tpu.vector_load %arg14[%get3A_889, %get3A_890, %get3A_891] {strides = array<i32>} : memref<2x320x128xf32, #tpu.memory_space<vmem>>, vector<16xf32>,
        %mul3A_893 = arith.mulf %get3A_343, %get3A_892 : vector<16xf32>
        %add3A_894 = arith.addf %mul3A_887, %mul3A_893 : vector<16xf32>
        %get3A_895 = arith.constant 1 : i32
        %get3A_896 = arith.index_cast %get3A_895 : i32 to index
        %get3A_897 = arith.index_cast %add3A_881 : i32 to index
        %get3A_898 = arith.constant 32 : index
        %get3A_899 = tpu.vector_load %arg14[%get3A_896, %get3A_897, %get3A_898] {strides = array<i32>} : memref<2x320x128xf32, #tpu.memory_space<vmem>>, vector<16xf32>,
        %mul3A_900 = arith.mulf %get3A_348, %get3A_899 : vector<16xf32>
        %add3A_901 = arith.addf %add3A_894, %mul3A_900 : vector<16xf32>
        %get3A_902 = arith.constant 1 : i32
        %get3A_903 = arith.index_cast %get3A_902 : i32 to index
        %get3A_904 = arith.index_cast %add3A_881 : i32 to index
        %get3A_905 = arith.constant 48 : index
        %get3A_906 = tpu.vector_load %arg14[%get3A_903, %get3A_904, %get3A_905] {strides = array<i32>} : memref<2x320x128xf32, #tpu.memory_space<vmem>>, vector<16xf32>,
        %mul3A_907 = arith.mulf %get3A_353, %get3A_906 : vector<16xf32>
        %add3A_908 = arith.addf %add3A_901, %mul3A_907 : vector<16xf32>
        %broadcast_in_dim3A_909 = arith.constant true
        %broadcast_in_dim3A_910 = vector.broadcast %broadcast_in_dim3A_909 : i1 to vector<16xi1>
        %masked_cumsum3A_911 = tpu.scan <sum>, %add3A_908 masked %broadcast_in_dim3A_910 : vector<16xf32>, vector<16xi1> -> vector<16xf32>
        %broadcast_in_dim3A_912 = vector.broadcast %add3A_881 : i32 to vector<16xi32>
        tpu.vector_store_idx %arg16[%broadcast_in_dim3A_912], %masked_cumsum3A_911 masked %eq3A_2 : memref<320xf32, #tpu.memory_space<vmem>>[vector<16xi32>], vector<16xf32>, vector<16xi1>
        %add3A_913 = arith.constant 16 : i32
        %add3A_914 = arith.addi %mul3A_384, %add3A_913 : i32
        %get3A_915 = arith.constant 1 : i32
        %get3A_916 = arith.index_cast %get3A_915 : i32 to index
        %get3A_917 = arith.index_cast %add3A_914 : i32 to index
        %get3A_918 = arith.constant 0 : index
        %get3A_919 = tpu.vector_load %arg14[%get3A_916, %get3A_917, %get3A_918] {strides = array<i32>} : memref<2x320x128xf32, #tpu.memory_space<vmem>>, vector<16xf32>,
        %mul3A_920 = arith.mulf %get3A_338, %get3A_919 : vector<16xf32>
        %get3A_921 = arith.constant 1 : i32
        %get3A_922 = arith.index_cast %get3A_921 : i32 to index
        %get3A_923 = arith.index_cast %add3A_914 : i32 to index
        %get3A_924 = arith.constant 16 : index
        %get3A_925 = tpu.vector_load %arg14[%get3A_922, %get3A_923, %get3A_924] {strides = array<i32>} : memref<2x320x128xf32, #tpu.memory_space<vmem>>, vector<16xf32>,
        %mul3A_926 = arith.mulf %get3A_343, %get3A_925 : vector<16xf32>
        %add3A_927 = arith.addf %mul3A_920, %mul3A_926 : vector<16xf32>
        %get3A_928 = arith.constant 1 : i32
        %get3A_929 = arith.index_cast %get3A_928 : i32 to index
        %get3A_930 = arith.index_cast %add3A_914 : i32 to index
        %get3A_931 = arith.constant 32 : index
        %get3A_932 = tpu.vector_load %arg14[%get3A_929, %get3A_930, %get3A_931] {strides = array<i32>} : memref<2x320x128xf32, #tpu.memory_space<vmem>>, vector<16xf32>,
        %mul3A_933 = arith.mulf %get3A_348, %get3A_932 : vector<16xf32>
        %add3A_934 = arith.addf %add3A_927, %mul3A_933 : vector<16xf32>
        %get3A_935 = arith.constant 1 : i32
        %get3A_936 = arith.index_cast %get3A_935 : i32 to index
        %get3A_937 = arith.index_cast %add3A_914 : i32 to index
        %get3A_938 = arith.constant 48 : index
        %get3A_939 = tpu.vector_load %arg14[%get3A_936, %get3A_937, %get3A_938] {strides = array<i32>} : memref<2x320x128xf32, #tpu.memory_space<vmem>>, vector<16xf32>,
        %mul3A_940 = arith.mulf %get3A_353, %get3A_939 : vector<16xf32>
        %add3A_941 = arith.addf %add3A_934, %mul3A_940 : vector<16xf32>
        %broadcast_in_dim3A_942 = arith.constant true
        %broadcast_in_dim3A_943 = vector.broadcast %broadcast_in_dim3A_942 : i1 to vector<16xi1>
        %masked_cumsum3A_944 = tpu.scan <sum>, %add3A_941 masked %broadcast_in_dim3A_943 : vector<16xf32>, vector<16xi1> -> vector<16xf32>
        %broadcast_in_dim3A_945 = vector.broadcast %add3A_914 : i32 to vector<16xi32>
        tpu.vector_store_idx %arg16[%broadcast_in_dim3A_945], %masked_cumsum3A_944 masked %eq3A_2 : memref<320xf32, #tpu.memory_space<vmem>>[vector<16xi32>], vector<16xf32>, vector<16xi1>
        %add3A_946 = arith.constant 17 : i32
        %add3A_947 = arith.addi %mul3A_384, %add3A_946 : i32
        %get3A_948 = arith.constant 1 : i32
        %get3A_949 = arith.index_cast %get3A_948 : i32 to index
        %get3A_950 = arith.index_cast %add3A_947 : i32 to index
        %get3A_951 = arith.constant 0 : index
        %get3A_952 = tpu.vector_load %arg14[%get3A_949, %get3A_950, %get3A_951] {strides = array<i32>} : memref<2x320x128xf32, #tpu.memory_space<vmem>>, vector<16xf32>,
        %mul3A_953 = arith.mulf %get3A_338, %get3A_952 : vector<16xf32>
        %get3A_954 = arith.constant 1 : i32
        %get3A_955 = arith.index_cast %get3A_954 : i32 to index
        %get3A_956 = arith.index_cast %add3A_947 : i32 to index
        %get3A_957 = arith.constant 16 : index
        %get3A_958 = tpu.vector_load %arg14[%get3A_955, %get3A_956, %get3A_957] {strides = array<i32>} : memref<2x320x128xf32, #tpu.memory_space<vmem>>, vector<16xf32>,
        %mul3A_959 = arith.mulf %get3A_343, %get3A_958 : vector<16xf32>
        %add3A_960 = arith.addf %mul3A_953, %mul3A_959 : vector<16xf32>
        %get3A_961 = arith.constant 1 : i32
        %get3A_962 = arith.index_cast %get3A_961 : i32 to index
        %get3A_963 = arith.index_cast %add3A_947 : i32 to index
        %get3A_964 = arith.constant 32 : index
        %get3A_965 = tpu.vector_load %arg14[%get3A_962, %get3A_963, %get3A_964] {strides = array<i32>} : memref<2x320x128xf32, #tpu.memory_space<vmem>>, vector<16xf32>,
        %mul3A_966 = arith.mulf %get3A_348, %get3A_965 : vector<16xf32>
        %add3A_967 = arith.addf %add3A_960, %mul3A_966 : vector<16xf32>
        %get3A_968 = arith.constant 1 : i32
        %get3A_969 = arith.index_cast %get3A_968 : i32 to index
        %get3A_970 = arith.index_cast %add3A_947 : i32 to index
        %get3A_971 = arith.constant 48 : index
        %get3A_972 = tpu.vector_load %arg14[%get3A_969, %get3A_970, %get3A_971] {strides = array<i32>} : memref<2x320x128xf32, #tpu.memory_space<vmem>>, vector<16xf32>,
        %mul3A_973 = arith.mulf %get3A_353, %get3A_972 : vector<16xf32>
        %add3A_974 = arith.addf %add3A_967, %mul3A_973 : vector<16xf32>
        %broadcast_in_dim3A_975 = arith.constant true
        %broadcast_in_dim3A_976 = vector.broadcast %broadcast_in_dim3A_975 : i1 to vector<16xi1>
        %masked_cumsum3A_977 = tpu.scan <sum>, %add3A_974 masked %broadcast_in_dim3A_976 : vector<16xf32>, vector<16xi1> -> vector<16xf32>
        %broadcast_in_dim3A_978 = vector.broadcast %add3A_947 : i32 to vector<16xi32>
        tpu.vector_store_idx %arg16[%broadcast_in_dim3A_978], %masked_cumsum3A_977 masked %eq3A_2 : memref<320xf32, #tpu.memory_space<vmem>>[vector<16xi32>], vector<16xf32>, vector<16xi1>
        %add3A_979 = arith.constant 18 : i32
        %add3A_980 = arith.addi %mul3A_384, %add3A_979 : i32
        %get3A_981 = arith.constant 1 : i32
        %get3A_982 = arith.index_cast %get3A_981 : i32 to index
        %get3A_983 = arith.index_cast %add3A_980 : i32 to index
        %get3A_984 = arith.constant 0 : index
        %get3A_985 = tpu.vector_load %arg14[%get3A_982, %get3A_983, %get3A_984] {strides = array<i32>} : memref<2x320x128xf32, #tpu.memory_space<vmem>>, vector<16xf32>,
        %mul3A_986 = arith.mulf %get3A_338, %get3A_985 : vector<16xf32>
        %get3A_987 = arith.constant 1 : i32
        %get3A_988 = arith.index_cast %get3A_987 : i32 to index
        %get3A_989 = arith.index_cast %add3A_980 : i32 to index
        %get3A_990 = arith.constant 16 : index
        %get3A_991 = tpu.vector_load %arg14[%get3A_988, %get3A_989, %get3A_990] {strides = array<i32>} : memref<2x320x128xf32, #tpu.memory_space<vmem>>, vector<16xf32>,
        %mul3A_992 = arith.mulf %get3A_343, %get3A_991 : vector<16xf32>
        %add3A_993 = arith.addf %mul3A_986, %mul3A_992 : vector<16xf32>
        %get3A_994 = arith.constant 1 : i32
        %get3A_995 = arith.index_cast %get3A_994 : i32 to index
        %get3A_996 = arith.index_cast %add3A_980 : i32 to index
        %get3A_997 = arith.constant 32 : index
        %get3A_998 = tpu.vector_load %arg14[%get3A_995, %get3A_996, %get3A_997] {strides = array<i32>} : memref<2x320x128xf32, #tpu.memory_space<vmem>>, vector<16xf32>,
        %mul3A_999 = arith.mulf %get3A_348, %get3A_998 : vector<16xf32>
        %add3A_1000 = arith.addf %add3A_993, %mul3A_999 : vector<16xf32>
        %get3A_1001 = arith.constant 1 : i32
        %get3A_1002 = arith.index_cast %get3A_1001 : i32 to index
        %get3A_1003 = arith.index_cast %add3A_980 : i32 to index
        %get3A_1004 = arith.constant 48 : index
        %get3A_1005 = tpu.vector_load %arg14[%get3A_1002, %get3A_1003, %get3A_1004] {strides = array<i32>} : memref<2x320x128xf32, #tpu.memory_space<vmem>>, vector<16xf32>,
        %mul3A_1006 = arith.mulf %get3A_353, %get3A_1005 : vector<16xf32>
        %add3A_1007 = arith.addf %add3A_1000, %mul3A_1006 : vector<16xf32>
        %broadcast_in_dim3A_1008 = arith.constant true
        %broadcast_in_dim3A_1009 = vector.broadcast %broadcast_in_dim3A_1008 : i1 to vector<16xi1>
        %masked_cumsum3A_1010 = tpu.scan <sum>, %add3A_1007 masked %broadcast_in_dim3A_1009 : vector<16xf32>, vector<16xi1> -> vector<16xf32>
        %broadcast_in_dim3A_1011 = vector.broadcast %add3A_980 : i32 to vector<16xi32>
        tpu.vector_store_idx %arg16[%broadcast_in_dim3A_1011], %masked_cumsum3A_1010 masked %eq3A_2 : memref<320xf32, #tpu.memory_space<vmem>>[vector<16xi32>], vector<16xf32>, vector<16xi1>
        %add3A_1012 = arith.constant 19 : i32
        %add3A_1013 = arith.addi %mul3A_384, %add3A_1012 : i32
        %get3A_1014 = arith.constant 1 : i32
        %get3A_1015 = arith.index_cast %get3A_1014 : i32 to index
        %get3A_1016 = arith.index_cast %add3A_1013 : i32 to index
        %get3A_1017 = arith.constant 0 : index
        %get3A_1018 = tpu.vector_load %arg14[%get3A_1015, %get3A_1016, %get3A_1017] {strides = array<i32>} : memref<2x320x128xf32, #tpu.memory_space<vmem>>, vector<16xf32>,
        %mul3A_1019 = arith.mulf %get3A_338, %get3A_1018 : vector<16xf32>
        %get3A_1020 = arith.constant 1 : i32
        %get3A_1021 = arith.index_cast %get3A_1020 : i32 to index
        %get3A_1022 = arith.index_cast %add3A_1013 : i32 to index
        %get3A_1023 = arith.constant 16 : index
        %get3A_1024 = tpu.vector_load %arg14[%get3A_1021, %get3A_1022, %get3A_1023] {strides = array<i32>} : memref<2x320x128xf32, #tpu.memory_space<vmem>>, vector<16xf32>,
        %mul3A_1025 = arith.mulf %get3A_343, %get3A_1024 : vector<16xf32>
        %add3A_1026 = arith.addf %mul3A_1019, %mul3A_1025 : vector<16xf32>
        %get3A_1027 = arith.constant 1 : i32
        %get3A_1028 = arith.index_cast %get3A_1027 : i32 to index
        %get3A_1029 = arith.index_cast %add3A_1013 : i32 to index
        %get3A_1030 = arith.constant 32 : index
        %get3A_1031 = tpu.vector_load %arg14[%get3A_1028, %get3A_1029, %get3A_1030] {strides = array<i32>} : memref<2x320x128xf32, #tpu.memory_space<vmem>>, vector<16xf32>,
        %mul3A_1032 = arith.mulf %get3A_348, %get3A_1031 : vector<16xf32>
        %add3A_1033 = arith.addf %add3A_1026, %mul3A_1032 : vector<16xf32>
        %get3A_1034 = arith.constant 1 : i32
        %get3A_1035 = arith.index_cast %get3A_1034 : i32 to index
        %get3A_1036 = arith.index_cast %add3A_1013 : i32 to index
        %get3A_1037 = arith.constant 48 : index
        %get3A_1038 = tpu.vector_load %arg14[%get3A_1035, %get3A_1036, %get3A_1037] {strides = array<i32>} : memref<2x320x128xf32, #tpu.memory_space<vmem>>, vector<16xf32>,
        %mul3A_1039 = arith.mulf %get3A_353, %get3A_1038 : vector<16xf32>
        %add3A_1040 = arith.addf %add3A_1033, %mul3A_1039 : vector<16xf32>
        %broadcast_in_dim3A_1041 = arith.constant true
        %broadcast_in_dim3A_1042 = vector.broadcast %broadcast_in_dim3A_1041 : i1 to vector<16xi1>
        %masked_cumsum3A_1043 = tpu.scan <sum>, %add3A_1040 masked %broadcast_in_dim3A_1042 : vector<16xf32>, vector<16xi1> -> vector<16xf32>
        %broadcast_in_dim3A_1044 = vector.broadcast %add3A_1013 : i32 to vector<16xi32>
        tpu.vector_store_idx %arg16[%broadcast_in_dim3A_1044], %masked_cumsum3A_1043 masked %eq3A_2 : memref<320xf32, #tpu.memory_space<vmem>>[vector<16xi32>], vector<16xf32>, vector<16xi1>
        %scan3A_1045 = arith.constant 0 : i32
        scf.yield %scan3A_1045 : i32
      }
      %scan3A_324 = arith.constant 16 : i32
      "tpu.region"() ({
        %run_scoped3A = tpu.sem_alloc : memref<!tpu.dma_semaphore, #tpu.memory_space<semaphore_mem>>
        %dma_start3A_333 = arith.constant 0 : i32
        %dma_start3A_334 = tpu.memref_slice %arg7[%add3A, %add3A_317, %dma_start3A_333] : memref<32x32x16xf32, #tpu.memory_space<hbm>> -> memref<1x1x16xf32, #tpu.memory_space<hbm>>
        %dma_start3A_335 = tpu.memref_squeeze %dma_start3A_334 : memref<1x1x16xf32, #tpu.memory_space<hbm>> -> memref<16xf32, #tpu.memory_space<hbm>>
        %dma_start3A_336 = arith.constant 0 : i32
        %dma_start3A_337 = tpu.memref_slice %arg7[%add3A, %add3A_317, %dma_start3A_336] : memref<32x32x16xf32, #tpu.memory_space<hbm>> -> memref<1x1x16xf32, #tpu.memory_space<hbm>>
        %dma_start3A_338 = tpu.memref_squeeze %dma_start3A_337 : memref<1x1x16xf32, #tpu.memory_space<hbm>> -> memref<16xf32, #tpu.memory_space<hbm>>
        tpu.enqueue_dma source(%arg15 : memref<16xf32, #tpu.memory_space<vmem>>) target(%dma_start3A_338 : memref<16xf32, #tpu.memory_space<hbm>>) target_semaphore(%run_scoped3A : memref<!tpu.dma_semaphore, #tpu.memory_space<semaphore_mem>>)
        %dma_wait3A_339 = arith.constant 0 : i32
        %dma_wait3A_340 = tpu.memref_slice %arg7[%add3A, %add3A_317, %dma_wait3A_339] : memref<32x32x16xf32, #tpu.memory_space<hbm>> -> memref<1x1x16xf32, #tpu.memory_space<hbm>>
        %dma_wait3A_341 = tpu.memref_squeeze %dma_wait3A_340 : memref<1x1x16xf32, #tpu.memory_space<hbm>> -> memref<16xf32, #tpu.memory_space<hbm>>
        %dma_wait3A_342 = arith.constant 0 : i32
        %dma_wait3A_343 = tpu.memref_slice %arg7[%add3A, %add3A_317, %dma_wait3A_342] : memref<32x32x16xf32, #tpu.memory_space<hbm>> -> memref<1x1x16xf32, #tpu.memory_space<hbm>>
        %dma_wait3A_344 = tpu.memref_squeeze %dma_wait3A_343 : memref<1x1x16xf32, #tpu.memory_space<hbm>> -> memref<16xf32, #tpu.memory_space<hbm>>
        tpu.wait_dma2 semaphore(%run_scoped3A : memref<!tpu.dma_semaphore, #tpu.memory_space<semaphore_mem>>) src(%arg15 : memref<16xf32, #tpu.memory_space<vmem>>) dst(%dma_wait3A_344 : memref<16xf32, #tpu.memory_space<hbm>>)
        tpu.yield
      }) : () -> ()
      "tpu.region"() ({
        %run_scoped3A = tpu.sem_alloc : memref<!tpu.dma_semaphore, #tpu.memory_space<semaphore_mem>>
        %dma_start3A_333 = arith.constant 0 : i32
        %dma_start3A_334 = tpu.memref_slice %arg8[%add3A, %add3A_317, %dma_start3A_333] : memref<32x32x320xf32, #tpu.memory_space<hbm>> -> memref<1x1x320xf32, #tpu.memory_space<hbm>>
        %dma_start3A_335 = tpu.memref_squeeze %dma_start3A_334 : memref<1x1x320xf32, #tpu.memory_space<hbm>> -> memref<320xf32, #tpu.memory_space<hbm>>
        %dma_start3A_336 = arith.constant 0 : i32
        %dma_start3A_337 = tpu.memref_slice %arg8[%add3A, %add3A_317, %dma_start3A_336] : memref<32x32x320xf32, #tpu.memory_space<hbm>> -> memref<1x1x320xf32, #tpu.memory_space<hbm>>
        %dma_start3A_338 = tpu.memref_squeeze %dma_start3A_337 : memref<1x1x320xf32, #tpu.memory_space<hbm>> -> memref<320xf32, #tpu.memory_space<hbm>>
        tpu.enqueue_dma source(%arg16 : memref<320xf32, #tpu.memory_space<vmem>>) target(%dma_start3A_338 : memref<320xf32, #tpu.memory_space<hbm>>) target_semaphore(%run_scoped3A : memref<!tpu.dma_semaphore, #tpu.memory_space<semaphore_mem>>)
        %dma_wait3A_339 = arith.constant 0 : i32
        %dma_wait3A_340 = tpu.memref_slice %arg8[%add3A, %add3A_317, %dma_wait3A_339] : memref<32x32x320xf32, #tpu.memory_space<hbm>> -> memref<1x1x320xf32, #tpu.memory_space<hbm>>
        %dma_wait3A_341 = tpu.memref_squeeze %dma_wait3A_340 : memref<1x1x320xf32, #tpu.memory_space<hbm>> -> memref<320xf32, #tpu.memory_space<hbm>>
        %dma_wait3A_342 = arith.constant 0 : i32
        %dma_wait3A_343 = tpu.memref_slice %arg8[%add3A, %add3A_317, %dma_wait3A_342] : memref<32x32x320xf32, #tpu.memory_space<hbm>> -> memref<1x1x320xf32, #tpu.memory_space<hbm>>
        %dma_wait3A_344 = tpu.memref_squeeze %dma_wait3A_343 : memref<1x1x320xf32, #tpu.memory_space<hbm>> -> memref<320xf32, #tpu.memory_space<hbm>>
        tpu.wait_dma2 semaphore(%run_scoped3A : memref<!tpu.dma_semaphore, #tpu.memory_space<semaphore_mem>>) src(%arg16 : memref<320xf32, #tpu.memory_space<vmem>>) dst(%dma_wait3A_344 : memref<320xf32, #tpu.memory_space<hbm>>)
        tpu.yield
      }) : () -> ()
      %add3A_325 = arith.constant 3 : i32
      %add3A_326 = arith.addi %mul3A_163, %add3A_325 : i32
      %lt3A_327 = arith.constant 32 : i32
      %lt3A_328 = arith.cmpi slt, %add3A_326, %lt3A_327 : i32
      %convert_element_type3A_329 = arith.extui %lt3A_328 : i1 to i32
      %cond3A_330 = arith.constant 0 : i32
      %cond3A_331 = arith.cmpi ne, %convert_element_type3A_329, %cond3A_330 : i32
      scf.if %cond3A_331 {
        %add3A_333 = arith.constant 3 : i32
        %add3A_334 = arith.addi %mul3A_163, %add3A_333 : i32
        %dma_start3A_335 = arith.constant 1 : i32
        %dma_start3A_336 = arith.constant 0 : i32
        %dma_start3A_337 = arith.constant 0 : i32
        %dma_start3A_338 = tpu.memref_slice %arg12[%dma_start3A_335, %dma_start3A_336, %dma_start3A_337] : memref<2x16x128xf32, #tpu.memory_space<vmem>> -> memref<1x16x128xf32, #tpu.memory_space<vmem>>
        %dma_start3A_339 = tpu.memref_squeeze %dma_start3A_338 : memref<1x16x128xf32, #tpu.memory_space<vmem>> -> memref<16x128xf32, #tpu.memory_space<vmem>>
        %dma_start3A_340 = arith.constant 0 : i32
        %dma_start3A_341 = tpu.memref_slice %arg9[%add3A_334, %dma_start3A_340] : memref<32x16xi32, #tpu.memory_space<vmem>> -> memref<1x16xi32, #tpu.memory_space<vmem>>
        %dma_start3A_342 = tpu.memref_squeeze %dma_start3A_341 : memref<1x16xi32, #tpu.memory_space<vmem>> -> memref<16xi32, #tpu.memory_space<vmem>>
        %dma_start3A_343 = arith.constant 0 : i32
        %dma_start3A_344 = arith.constant 0 : i32
        %dma_start3A_345 = tpu.memref_slice %arg5[%dma_start3A_343, %dma_start3A_344] : memref<1000000x128xf32, #tpu.memory_space<hbm>> -> memref<1000000x128xf32, #tpu.memory_space<hbm>>
        tpu.enqueue_indirect_dma source(%dma_start3A_345 : memref<1000000x128xf32, #tpu.memory_space<hbm>>) target(%dma_start3A_339 : memref<16x128xf32, #tpu.memory_space<vmem>>) offsets(%dma_start3A_342 : memref<16xi32, #tpu.memory_space<vmem>>) semaphore(%arg18 : memref<!tpu.dma_semaphore, #tpu.memory_space<semaphore_mem>>)
        %dma_start3A_346 = arith.constant 1 : i32
        %dma_start3A_347 = arith.constant 0 : i32
        %dma_start3A_348 = arith.constant 0 : i32
        %dma_start3A_349 = tpu.memref_slice %arg13[%dma_start3A_346, %dma_start3A_347, %dma_start3A_348] : memref<2x16x128xf32, #tpu.memory_space<vmem>> -> memref<1x16x128xf32, #tpu.memory_space<vmem>>
        %dma_start3A_350 = tpu.memref_squeeze %dma_start3A_349 : memref<1x16x128xf32, #tpu.memory_space<vmem>> -> memref<16x128xf32, #tpu.memory_space<vmem>>
        %dma_start3A_351 = arith.constant 0 : i32
        %dma_start3A_352 = tpu.memref_slice %arg10[%add3A_334, %dma_start3A_351] : memref<32x16xi32, #tpu.memory_space<vmem>> -> memref<1x16xi32, #tpu.memory_space<vmem>>
        %dma_start3A_353 = tpu.memref_squeeze %dma_start3A_352 : memref<1x16xi32, #tpu.memory_space<vmem>> -> memref<16xi32, #tpu.memory_space<vmem>>
        %dma_start3A_354 = arith.constant 0 : i32
        %dma_start3A_355 = arith.constant 0 : i32
        %dma_start3A_356 = tpu.memref_slice %arg6[%dma_start3A_354, %dma_start3A_355] : memref<1000000x128xf32, #tpu.memory_space<hbm>> -> memref<1000000x128xf32, #tpu.memory_space<hbm>>
        tpu.enqueue_indirect_dma source(%dma_start3A_356 : memref<1000000x128xf32, #tpu.memory_space<hbm>>) target(%dma_start3A_350 : memref<16x128xf32, #tpu.memory_space<vmem>>) offsets(%dma_start3A_353 : memref<16xi32, #tpu.memory_space<vmem>>) semaphore(%arg18 : memref<!tpu.dma_semaphore, #tpu.memory_space<semaphore_mem>>)
        %dma_start3A_357 = arith.constant 0 : i32
        %dma_start3A_358 = arith.constant 1 : i32
        %dma_start3A_359 = arith.constant 0 : i32
        %dma_start3A_360 = arith.constant 0 : i32
        %dma_start3A_361 = tpu.memref_slice %arg14[%dma_start3A_358, %dma_start3A_359, %dma_start3A_360] : memref<2x320x128xf32, #tpu.memory_space<vmem>> -> memref<1x80x128xf32, #tpu.memory_space<vmem>>
        %dma_start3A_362 = tpu.memref_squeeze %dma_start3A_361 : memref<1x80x128xf32, #tpu.memory_space<vmem>> -> memref<80x128xf32, #tpu.memory_space<vmem>>
        %dma_start3A_363 = arith.constant 0 : i32
        %dma_start3A_364 = tpu.memref_slice %arg11[%add3A_334, %dma_start3A_357, %dma_start3A_363] : memref<32x4x80xi32, #tpu.memory_space<vmem>> -> memref<1x1x80xi32, #tpu.memory_space<vmem>>
        %dma_start3A_365 = tpu.memref_squeeze %dma_start3A_364 : memref<1x1x80xi32, #tpu.memory_space<vmem>> -> memref<80xi32, #tpu.memory_space<vmem>>
        %dma_start3A_366 = arith.constant 0 : i32
        %dma_start3A_367 = arith.constant 0 : i32
        %dma_start3A_368 = tpu.memref_slice %arg6[%dma_start3A_366, %dma_start3A_367] : memref<1000000x128xf32, #tpu.memory_space<hbm>> -> memref<1000000x128xf32, #tpu.memory_space<hbm>>
        tpu.enqueue_indirect_dma source(%dma_start3A_368 : memref<1000000x128xf32, #tpu.memory_space<hbm>>) target(%dma_start3A_362 : memref<80x128xf32, #tpu.memory_space<vmem>>) offsets(%dma_start3A_365 : memref<80xi32, #tpu.memory_space<vmem>>) semaphore(%arg18 : memref<!tpu.dma_semaphore, #tpu.memory_space<semaphore_mem>>)
        %dma_start3A_369 = arith.constant 1 : i32
        %dma_start3A_370 = arith.constant 1 : i32
        %dma_start3A_371 = arith.constant 80 : i32
        %dma_start3A_372 = arith.constant 0 : i32
        %dma_start3A_373 = tpu.memref_slice %arg14[%dma_start3A_370, %dma_start3A_371, %dma_start3A_372] : memref<2x320x128xf32, #tpu.memory_space<vmem>> -> memref<1x80x128xf32, #tpu.memory_space<vmem>>
        %dma_start3A_374 = tpu.memref_squeeze %dma_start3A_373 : memref<1x80x128xf32, #tpu.memory_space<vmem>> -> memref<80x128xf32, #tpu.memory_space<vmem>>
        %dma_start3A_375 = arith.constant 0 : i32
        %dma_start3A_376 = tpu.memref_slice %arg11[%add3A_334, %dma_start3A_369, %dma_start3A_375] : memref<32x4x80xi32, #tpu.memory_space<vmem>> -> memref<1x1x80xi32, #tpu.memory_space<vmem>>
        %dma_start3A_377 = tpu.memref_squeeze %dma_start3A_376 : memref<1x1x80xi32, #tpu.memory_space<vmem>> -> memref<80xi32, #tpu.memory_space<vmem>>
        %dma_start3A_378 = arith.constant 0 : i32
        %dma_start3A_379 = arith.constant 0 : i32
        %dma_start3A_380 = tpu.memref_slice %arg6[%dma_start3A_378, %dma_start3A_379] : memref<1000000x128xf32, #tpu.memory_space<hbm>> -> memref<1000000x128xf32, #tpu.memory_space<hbm>>
        tpu.enqueue_indirect_dma source(%dma_start3A_380 : memref<1000000x128xf32, #tpu.memory_space<hbm>>) target(%dma_start3A_374 : memref<80x128xf32, #tpu.memory_space<vmem>>) offsets(%dma_start3A_377 : memref<80xi32, #tpu.memory_space<vmem>>) semaphore(%arg18 : memref<!tpu.dma_semaphore, #tpu.memory_space<semaphore_mem>>)
        %dma_start3A_381 = arith.constant 2 : i32
        %dma_start3A_382 = arith.constant 1 : i32
        %dma_start3A_383 = arith.constant 160 : i32
        %dma_start3A_384 = arith.constant 0 : i32
        %dma_start3A_385 = tpu.memref_slice %arg14[%dma_start3A_382, %dma_start3A_383, %dma_start3A_384] : memref<2x320x128xf32, #tpu.memory_space<vmem>> -> memref<1x80x128xf32, #tpu.memory_space<vmem>>
        %dma_start3A_386 = tpu.memref_squeeze %dma_start3A_385 : memref<1x80x128xf32, #tpu.memory_space<vmem>> -> memref<80x128xf32, #tpu.memory_space<vmem>>
        %dma_start3A_387 = arith.constant 0 : i32
        %dma_start3A_388 = tpu.memref_slice %arg11[%add3A_334, %dma_start3A_381, %dma_start3A_387] : memref<32x4x80xi32, #tpu.memory_space<vmem>> -> memref<1x1x80xi32, #tpu.memory_space<vmem>>
        %dma_start3A_389 = tpu.memref_squeeze %dma_start3A_388 : memref<1x1x80xi32, #tpu.memory_space<vmem>> -> memref<80xi32, #tpu.memory_space<vmem>>
        %dma_start3A_390 = arith.constant 0 : i32
        %dma_start3A_391 = arith.constant 0 : i32
        %dma_start3A_392 = tpu.memref_slice %arg6[%dma_start3A_390, %dma_start3A_391] : memref<1000000x128xf32, #tpu.memory_space<hbm>> -> memref<1000000x128xf32, #tpu.memory_space<hbm>>
        tpu.enqueue_indirect_dma source(%dma_start3A_392 : memref<1000000x128xf32, #tpu.memory_space<hbm>>) target(%dma_start3A_386 : memref<80x128xf32, #tpu.memory_space<vmem>>) offsets(%dma_start3A_389 : memref<80xi32, #tpu.memory_space<vmem>>) semaphore(%arg18 : memref<!tpu.dma_semaphore, #tpu.memory_space<semaphore_mem>>)
        %dma_start3A_393 = arith.constant 3 : i32
        %dma_start3A_394 = arith.constant 1 : i32
        %dma_start3A_395 = arith.constant 240 : i32
        %dma_start3A_396 = arith.constant 0 : i32
        %dma_start3A_397 = tpu.memref_slice %arg14[%dma_start3A_394, %dma_start3A_395, %dma_start3A_396] : memref<2x320x128xf32, #tpu.memory_space<vmem>> -> memref<1x80x128xf32, #tpu.memory_space<vmem>>
        %dma_start3A_398 = tpu.memref_squeeze %dma_start3A_397 : memref<1x80x128xf32, #tpu.memory_space<vmem>> -> memref<80x128xf32, #tpu.memory_space<vmem>>
        %dma_start3A_399 = arith.constant 0 : i32
        %dma_start3A_400 = tpu.memref_slice %arg11[%add3A_334, %dma_start3A_393, %dma_start3A_399] : memref<32x4x80xi32, #tpu.memory_space<vmem>> -> memref<1x1x80xi32, #tpu.memory_space<vmem>>
        %dma_start3A_401 = tpu.memref_squeeze %dma_start3A_400 : memref<1x1x80xi32, #tpu.memory_space<vmem>> -> memref<80xi32, #tpu.memory_space<vmem>>
        %dma_start3A_402 = arith.constant 0 : i32
        %dma_start3A_403 = arith.constant 0 : i32
        %dma_start3A_404 = tpu.memref_slice %arg6[%dma_start3A_402, %dma_start3A_403] : memref<1000000x128xf32, #tpu.memory_space<hbm>> -> memref<1000000x128xf32, #tpu.memory_space<hbm>>
        tpu.enqueue_indirect_dma source(%dma_start3A_404 : memref<1000000x128xf32, #tpu.memory_space<hbm>>) target(%dma_start3A_398 : memref<80x128xf32, #tpu.memory_space<vmem>>) offsets(%dma_start3A_401 : memref<80xi32, #tpu.memory_space<vmem>>) semaphore(%arg18 : memref<!tpu.dma_semaphore, #tpu.memory_space<semaphore_mem>>)
      } else {
      }
      %scan3A_332 = arith.constant 0 : i32
      scf.yield %scan3A_332 : i32
    }
    %scan3A_159 = arith.constant 16 : i32
    return
  }
}

module attributes {stable_mosaic.version = 14 : i64} {
  func.func @body(%arg0: memref<128x128xf32, #tpu.memory_space<vmem>>, %arg1: memref<2560x128xf32, #tpu.memory_space<vmem>>, %arg2: memref<1x1xf32, #tpu.memory_space<smem>>, %arg3: memref<1x1xi32, #tpu.memory_space<smem>>) attributes {dimension_semantics = [], scalar_prefetch = 0 : i64, scratch_operands = 0 : i64, tpu.core_type = #tpu.core_type<tc>} {
    %get3A = arith.constant 0 : index
    %get3A_0 = arith.constant 0 : index
    %get3A_1 = vector.load %arg0[%get3A, %get3A_0] : memref<128x128xf32, #tpu.memory_space<vmem>>, vector<128x128xf32>
    %get3A_2 = arith.constant 0 : index
    %get3A_3 = arith.constant 0 : index
    %get3A_4 = vector.load %arg1[%get3A_2, %get3A_3] : memref<2560x128xf32, #tpu.memory_space<vmem>>, vector<2560x128xf32>
    %min3A = arith.constant 0.000000e+00 : f32
    %min3A_5 = vector.broadcast %min3A : f32 to vector<128x128xf32>
    %min3A_6 = arith.minimumf %get3A_1, %min3A_5 : vector<128x128xf32>
    %abs3A = math.absf %get3A_1 : vector<128x128xf32>
    %neg3A = arith.constant 0.000000e+00 : f32
    %neg3A_7 = vector.broadcast %neg3A : f32 to vector<128x128xf32>
    %neg3A_8 = arith.subf %neg3A_7, %abs3A : vector<128x128xf32>
    %exp3A = math.exp %neg3A_8 : vector<128x128xf32>
    %log1p3A = math.log1p %exp3A : vector<128x128xf32>
    %sub3A = arith.subf %min3A_6, %log1p3A : vector<128x128xf32>
    %reduce_sum3A = vector.shape_cast %sub3A : vector<128x128xf32> to vector<1x128x128xf32>
    %reduce_sum3A_9 = arith.constant dense<0.000000e+00> : vector<1xf32>
    %reduce_sum3A_10 = vector.multi_reduction <add>, %reduce_sum3A, %reduce_sum3A_9 [1, 2] : vector<1x128x128xf32> to vector<1xf32>
    %reduce_sum3A_11 = vector.shape_cast %reduce_sum3A_10 : vector<1xf32> to vector<1x1x1xf32>
    %reduce_sum3A_12 = vector.extract %reduce_sum3A_11[0, 0, 0] : f32 from vector<1x1x1xf32>
    %neg3A_13 = arith.constant 0.000000e+00 : f32
    %neg3A_14 = vector.broadcast %neg3A_13 : f32 to vector<2560x128xf32>
    %neg3A_15 = arith.subf %neg3A_14, %get3A_4 : vector<2560x128xf32>
    %min3A_16 = arith.constant 0.000000e+00 : f32
    %min3A_17 = vector.broadcast %min3A_16 : f32 to vector<2560x128xf32>
    %min3A_18 = arith.minimumf %neg3A_15, %min3A_17 : vector<2560x128xf32>
    %abs3A_19 = math.absf %neg3A_15 : vector<2560x128xf32>
    %neg3A_20 = arith.constant 0.000000e+00 : f32
    %neg3A_21 = vector.broadcast %neg3A_20 : f32 to vector<2560x128xf32>
    %neg3A_22 = arith.subf %neg3A_21, %abs3A_19 : vector<2560x128xf32>
    %exp3A_23 = math.exp %neg3A_22 : vector<2560x128xf32>
    %log1p3A_24 = math.log1p %exp3A_23 : vector<2560x128xf32>
    %sub3A_25 = arith.subf %min3A_18, %log1p3A_24 : vector<2560x128xf32>
    %reduce_sum3A_26 = vector.shape_cast %sub3A_25 : vector<2560x128xf32> to vector<1x2560x128xf32>
    %reduce_sum3A_27 = arith.constant dense<0.000000e+00> : vector<1xf32>
    %reduce_sum3A_28 = vector.multi_reduction <add>, %reduce_sum3A_26, %reduce_sum3A_27 [1, 2] : vector<1x2560x128xf32> to vector<1xf32>
    %reduce_sum3A_29 = vector.shape_cast %reduce_sum3A_28 : vector<1xf32> to vector<1x1x1xf32>
    %reduce_sum3A_30 = vector.extract %reduce_sum3A_29[0, 0, 0] : f32 from vector<1x1x1xf32>
    %add3A = arith.addf %reduce_sum3A_12, %reduce_sum3A_30 : f32
    %neg3A_31 = arith.constant 0.000000e+00 : f32
    %neg3A_32 = arith.subf %neg3A_31, %add3A : f32
    %swap3A = arith.constant 0 : index
    %swap3A_33 = arith.constant 0 : index
    %swap3A_34 = memref.load %arg2[%swap3A, %swap3A_33] : memref<1x1xf32, #tpu.memory_space<smem>>
    memref.store %neg3A_32, %arg2[%swap3A, %swap3A_33] : memref<1x1xf32, #tpu.memory_space<smem>>
    %gt3A = arith.constant 0.000000e+00 : f32
    %gt3A_35 = vector.broadcast %gt3A : f32 to vector<128x128xf32>
    %gt3A_36 = arith.cmpf ogt, %get3A_1, %gt3A_35 : vector<128x128xf32>
    %convert_element_type3A = arith.extui %gt3A_36 : vector<128x128xi1> to vector<128x128xi32>
    %reduce_sum3A_37 = vector.shape_cast %convert_element_type3A : vector<128x128xi32> to vector<1x128x128xi32>
    %reduce_sum3A_38 = arith.constant dense<0> : vector<1xi32>
    %reduce_sum3A_39 = vector.multi_reduction <add>, %reduce_sum3A_37, %reduce_sum3A_38 [1, 2] : vector<1x128x128xi32> to vector<1xi32>
    %reduce_sum3A_40 = vector.shape_cast %reduce_sum3A_39 : vector<1xi32> to vector<1x1x1xi32>
    %reduce_sum3A_41 = vector.extract %reduce_sum3A_40[0, 0, 0] : i32 from vector<1x1x1xi32>
    %swap3A_42 = arith.constant 0 : index
    %swap3A_43 = arith.constant 0 : index
    %swap3A_44 = memref.load %arg3[%swap3A_42, %swap3A_43] : memref<1x1xi32, #tpu.memory_space<smem>>
    memref.store %reduce_sum3A_41, %arg3[%swap3A_42, %swap3A_43] : memref<1x1xi32, #tpu.memory_space<smem>>
    return
  }
}

module attributes {stable_mosaic.version = 14 : i64} {
  func.func @body(%arg0: i32, %arg1: memref<64x2048xf32, #tpu.memory_space<vmem>>, %arg2: memref<2048x128xf32, #tpu.memory_space<vmem>>) attributes {dimension_semantics = [#tpu.dimension_semantics<arbitrary>], iteration_bounds = array<i64: 489>, scalar_prefetch = 0 : i64, scratch_operands = 0 : i64, tpu.core_type = #tpu.core_type<tc>, window_params = [{transform_indices = @transform_0, window_bounds = array<i64: 64, 2048>}, {transform_indices = @transform_1, window_bounds = array<i64: 2048, 128>}]} {
    %get3A = arith.constant 0 : index
    %get3A_0 = arith.constant 0 : index
    %get3A_1 = vector.load %arg1[%get3A, %get3A_0] : memref<64x2048xf32, #tpu.memory_space<vmem>>, vector<64x2048xf32>
    %iota3A = tpu.iota {dimensions = array<i32: 0>} : vector<64x128xi32>
    %iota3A_2 = tpu.iota {dimensions = array<i32: 1>} : vector<64x128xi32>
    %jit3A = arith.constant 64 : i32
    %eq3A = arith.constant 0 : i32
    %eq3A_3 = arith.cmpi eq, %jit3A, %eq3A : i32
    %jit3A_4 = arith.constant 1 : i32
    %select_n3A = arith.select %eq3A_3, %jit3A_4, %jit3A : i32
    %rem3A = vector.broadcast %select_n3A : i32 to vector<64x128xi32>
    %rem3A_5 = arith.remsi %iota3A_2, %rem3A : vector<64x128xi32>
    %ne3A = arith.constant 0 : i32
    %ne3A_6 = vector.broadcast %ne3A : i32 to vector<64x128xi32>
    %ne3A_7 = arith.cmpi ne, %rem3A_5, %ne3A_6 : vector<64x128xi32>
    %lt3A = arith.constant 0 : i32
    %lt3A_8 = vector.broadcast %lt3A : i32 to vector<64x128xi32>
    %lt3A_9 = arith.cmpi slt, %rem3A_5, %lt3A_8 : vector<64x128xi32>
    %lt3A_10 = arith.constant 0 : i32
    %lt3A_11 = arith.cmpi slt, %select_n3A, %lt3A_10 : i32
    %ne3A_12 = vector.broadcast %lt3A_11 : i1 to vector<64x128xi1>
    %ne3A_13 = vector.broadcast %ne3A_12 : vector<64x128xi1> to vector<64x128xi1>
    %ne3A_14 = arith.xori %lt3A_9, %ne3A_13 : vector<64x128xi1>
    %and3A = arith.andi %ne3A_14, %ne3A_7 : vector<64x128xi1>
    %add3A = vector.broadcast %select_n3A : i32 to vector<64x128xi32>
    %add3A_15 = arith.addi %rem3A_5, %add3A : vector<64x128xi32>
    %select_n3A_16 = arith.select %and3A, %add3A_15, %rem3A_5 : vector<64x128xi1>, vector<64x128xi32>
    %eq3A_17 = arith.cmpi eq, %iota3A, %select_n3A_16 : vector<64x128xi32>
    %convert_element_type3A = arith.extui %eq3A_17 : vector<64x128xi1> to vector<64x128xi32>
    %convert_element_type3A_18 = arith.sitofp %convert_element_type3A : vector<64x128xi32> to vector<64x128xf32>
    %dot_general3A = arith.constant dense<0.000000e+00> : vector<2048x128xf32>
    %dot_general3A_19 = tpu.matmul %get3A_1, %convert_element_type3A_18, %dot_general3A {dimension_numbers = #tpu.dot_dimension_numbers<[0], [0], [1], [1], [0, 1, 1, 1], [], []>, transpose_lhs_hint = false} : vector<64x2048xf32>, vector<64x128xf32>, vector<2048x128xf32> -> vector<2048x128xf32>
    %swap3A = arith.constant 0 : index
    %swap3A_20 = arith.constant 0 : index
    %swap3A_21 = vector.load %arg2[%swap3A, %swap3A_20] : memref<2048x128xf32, #tpu.memory_space<vmem>>, vector<2048x128xf32>
    tpu.vector_store %arg2[%swap3A, %swap3A_20], %dot_general3A_19 {strides = array<i32>} : memref<2048x128xf32, #tpu.memory_space<vmem>>, vector<2048x128xf32>,
    return
  }
  func.func @transform_0(%arg0: i32) -> (i32, i32) {
    %c0_i32 = arith.constant 0 : i32
    %c0_i32_0 = arith.constant 0 : i32
    return %c0_i32, %arg0 : i32, i32
  }
  func.func @transform_1(%arg0: i32) -> (i32, i32) {
    %c0_i32 = arith.constant 0 : i32
    %c0_i32_0 = arith.constant 0 : i32
    return %arg0, %c0_i32 : i32, i32
  }
}

</mosaic_0001>

<sc_bundles>
// kernel: kernel.6.cloned.1.call-start
scs
__scs_entry_jumppad:
0x0: {  	(pc) =	sbr.rel $0x88, $3  }
0x1: {  	(tag) =	ssettag $0x0;
	lr =	simm.s32 $0x1  }
0x2: {  	[smem:$0x3F9C] =	sst lr;
	_ =	strace $0xD0000000  }
0x3: {  	_ = 	snop  }
0x4: {  	_ = 	snop  }
0x5: {  	_ = 	snop  }
0x6: {  	_ = 	snop  }
0x7: {  	_ = 	snop  }
__scs_overlays_trampoline_lowered:
0x8: {  	[smem:$0x3FAB] =	sst s0  }
0x9: {  	[smem:$0x3FAC] =	sst s1  }
0xa: {  	[smem:$0x3FAD] =	sst s2  }
0xb: {  	[smem:$0x3FAE] =	sst s3  }
0xc: {  	[smem:$0x3FAF] =	sst s4  }
0xd: {  	[smem:$0x3FB0] =	sst s5  }
0xe: {  	[smem:$0x3FB1] =	sst s6  }
0xf: {  	[smem:$0x3FB2] =	sst s7  }
0x10: {  	[smem:$0x3FB3] =	sst s8  }
0x11: {  	[smem:$0x3FB4] =	sst s9;
	s0 =	simm.s32 @!p0 $0x0  }
0x12: {  	s1 =	sld [smem:$0x3F9A];
	s0 =	simm.s32 @p0 $0x1  }
0x13: {  	[smem:$0x3FB5] =	sst s0;
	s0 =	simm.s32 @!p1 $0x0  }
0x14: {  	s2 =	sld [smem:$0x3F99];
	s0 =	simm.s32 @p1 $0x1  }
0x15: {  	[smem:$0x3FB6] =	sst s0;
	s0 =	simm.s32 @!p2 $0x0  }
0x16: {  	s3 =	sld [smem:$0x3FDB];
	s0 =	simm.s32 @p2 $0x1  }
0x17: {  	s4 =	simm.s32 $0x1BF5;
	[smem:$0x3FB8] =	sst s0  }
0x18: {  	s0 =	sld [smem:$0x3F9B];
	_ =	swait.ge [sflag:s4], $0x0  }
0x19: {  	s7 =	sld [smem:$0x3F9C]  }
0x1a: {  	s8 =	sadd.s32 $0xFFFFE003, lr  }
0x1b: {  	s9 =	sadd.s32 $0xFFFFFEF7, lr;
	s5 =	simm.s32 $0xFFFFFFFF;
	p2 =	slt.u32 s8, $0xFFFFF086  }
0x1c: {  	p1 =	slt.u32 s9, $0xF7A;
	s5 =	simm.s32 @!p2 $0x0  }
0x1d: {  	s5 =	simm.s32 @p1 $0x1;
	p0 =	seq.s32 s7, s2  }
0x1e: {  	s7 =	smul.u32 @!p0 $0xF7A, s2;
	p2 =	seq.s32 @!p0 s5, $0x0  }
0x1f: {  	s9 =	smul.u32 $0xF7A, s1;
	s8 =	simm.s32 @!p0 $0x1BF5;
	p2 =	por !p2, p0  }
0x20: {  	[sflag:s8] =	ssyncset.s32 @!p0 $0xFFFFF086;
	s6 =	sadd.s32 @!p0 s3, s7;
	s7 =	simm.s32 @!p0 $0x108  }
0x21: {  	s3 =	sadd.s32 s3, s9;
	s6 =	sadd.s32 @!p0 $0x88, s6;
	s7 =	simm.s32 @p2 $0x1082  }
0x22: {  	[simem:s7], [sflag:s8] =	dma.local @!p0 [hbm:s6], $0xF7A  }
0x23: {  	s9 =	sor.u32 $0xD0000000, s2;
	s6 =	simm.s32 $0x108;
	_ =	swait.ge @!p0 [sflag:s8], $0x0  }
0x24: {  	s3 =	sadd.s32 $0x88, s3;
	s6 =	simm.s32 @!p1 $0x1082;
	[sflag:s4] =	ssyncset.s32 $0xFFFFF086  }
0x25: {  	[simem:s6], [sflag:s4] =	dma.local [hbm:s3], $0xF7A  }
0x26: {  	[smem:$0x3F9C] =	sst s1;
	(tag) =	ssettag s2;
	_ =	strace s9  }
0x27: {  	s1 =	sld [smem:$0x3FAC]  }
0x28: {  	s2 =	sld [smem:$0x3FAD]  }
0x29: {  	s4 =	sld [smem:$0x3FAF]  }
0x2a: {  	p0 =	seq.s32 s5, $0x0;
	s5 =	sld [smem:$0x3FB0]  }
0x2b: {  	s6 =	sld [smem:$0x3FB1]  }
0x2c: {  	s7 =	sld [smem:$0x3FB2]  }
0x2d: {  	s3 =	simm.s32 $0x108;
	s8 =	sld [smem:$0x3FB3]  }
0x2e: {  	s3 =	simm.s32 @!p0 $0x1082;
	s9 =	sld [smem:$0x3FB4]  }
0x2f: {  	lr =	sadd.s32 s0, s3;
	s0 =	sld [smem:$0x3FAB]  }
0x30: {  	s3 =	sld [smem:$0x3FAE]  }
0x31: {  	[smem:$0x3FB7] =	sst s10  }
0x32: {  	s10 =	sld [smem:$0x3FB5];
	_ =	sdelay $0x3  }
0x33: {  	p0 =	seq.s32 s10, $0x1;
	s10 =	sld [smem:$0x3FB7];
	_ =	sdelay $0x3  }
0x34: {  	[smem:$0x3FB7] =	sst s10  }
0x35: {  	s10 =	sld [smem:$0x3FB6];
	_ =	sdelay $0x3  }
0x36: {  	p1 =	seq.s32 s10, $0x1;
	s10 =	sld [smem:$0x3FB7];
	_ =	sdelay $0x3  }
0x37: {  	[smem:$0x3FB7] =	sst s10  }
0x38: {  	s10 =	sld [smem:$0x3FB8]  }
0x39: {  	_ = 	snop;
	(pc) =	sbr.ind lr, $3  }
0x3a: {  	_ = 	snop  }
0x3b: {  	_ = 	snop  }
0x3c: {  	p2 =	seq.s32 s10, $0x1;
	s10 =	sld [smem:$0x3FB7]  }
0x3d: {  	_ =	shalt  }
0x3e: {  	_ =	shalt  }
0x3f: {  	_ =	shalt  }
0x40: {  	_ =	shalt  }
0x41: {  	_ =	shalt  }
0x42: {  	_ =	shalt  }
0x43: {  	_ =	shalt  }
0x44: {  	_ =	shalt  }
0x45: {  	_ =	shalt  }
0x46: {  	_ =	shalt  }
0x47: {  	_ =	shalt  }
0x48: {  	_ =	shalt  }
0x49: {  	_ =	shalt  }
0x4a: {  	_ =	shalt  }
0x4b: {  	_ =	shalt  }
0x4c: {  	_ =	shalt  }
0x4d: {  	_ =	shalt  }
0x4e: {  	_ =	shalt  }
0x4f: {  	_ =	shalt  }
0x50: {  	_ =	shalt  }
0x51: {  	_ =	shalt  }
0x52: {  	_ =	shalt  }
0x53: {  	_ =	shalt  }
0x54: {  	_ =	shalt  }
0x55: {  	_ =	shalt  }
0x56: {  	_ =	shalt  }
0x57: {  	_ =	shalt  }
0x58: {  	_ =	shalt  }
0x59: {  	_ =	shalt  }
0x5a: {  	_ =	shalt  }
0x5b: {  	_ =	shalt  }
0x5c: {  	_ =	shalt  }
0x5d: {  	_ =	shalt  }
0x5e: {  	_ =	shalt  }
0x5f: {  	_ =	shalt  }
0x60: {  	_ =	shalt  }
0x61: {  	_ =	shalt  }
0x62: {  	_ =	shalt  }
0x63: {  	_ =	shalt  }
0x64: {  	_ =	shalt  }
0x65: {  	_ =	shalt  }
0x66: {  	_ =	shalt  }
0x67: {  	_ =	shalt  }
0x68: {  	_ =	shalt  }
0x69: {  	_ =	shalt  }
0x6a: {  	_ =	shalt  }
0x6b: {  	_ =	shalt  }
0x6c: {  	_ =	shalt  }
0x6d: {  	_ =	shalt  }
0x6e: {  	_ =	shalt  }
0x6f: {  	_ =	shalt  }
0x70: {  	_ =	shalt  }
0x71: {  	_ =	shalt  }
0x72: {  	_ =	shalt  }
0x73: {  	_ =	shalt  }
0x74: {  	_ =	shalt  }
0x75: {  	_ =	shalt  }
0x76: {  	_ =	shalt  }
0x77: {  	_ =	shalt  }
0x78: {  	_ =	shalt  }
0x79: {  	_ =	shalt  }
0x7a: {  	_ =	shalt  }
0x7b: {  	_ =	shalt  }
0x7c: {  	_ =	shalt  }
0x7d: {  	_ =	shalt  }
0x7e: {  	_ =	shalt  }
0x7f: {  	_ =	shalt  }
0x80: {  	_ =	shalt  }
0x81: {  	_ =	shalt  }
0x82: {  	_ =	shalt  }
0x83: {  	_ =	shalt  }
0x84: {  	_ =	shalt  }
0x85: {  	_ =	shalt  }
0x86: {  	_ =	shalt  }
0x87: {  	_ =	shalt  }
.Lfunc_end0:
.L_simem_size_0:
called_computation_lowered:
.L_overlay_start_0:
0x88: {  	s2 =	sld [smem:$0x3FD9]  }
0x89: {  	s3 =	sld [smem:$0x3FFE];
	_ =	sdelay $0x1  }
0x8a: {  	s1 =	srdreg.scid  }
0x8b: {  	s0 =	sand.u32 $0x1, s1  }
0x8c: {  	s17 =	sshll.u32 s0, $0xA;
	s2 =	sadd.s32 s3, s2  }
0x8d: {  	s2 =	sadd.s32 s2, s17  }
0x8e: {  	[smem:$0x3FC3] =	sst s2  }
0x8f: {  	_ = 	snop  }
0x90: {  	s2 =	sld [smem:$0x3FC9]  }
0x91: {  	s18 =	sld [smem:$0x3FC8];
	(tm) =	ssettm $0x1  }
0x92: {  	s4 =	sld [smem:$0x3FFB];
	_ =	sdelay $0x3  }
0x93: {  	_ =	strace s4  }
0x94: {  	s4 =	sld [smem:$0x3FFC];
	_ =	sdelay $0x3  }
0x95: {  	_ =	strace s4  }
0x96: {  	s4 =	sld [smem:$0x3FFD];
	_ =	sdelay $0x3  }
0x97: {  	_ =	strace s4  }
0x98: {  	_ =	strace $0x8FFFFFFF  }
0x99: {  	s19 =	sld [smem:$0x3FDB];
	_ =	sdelay $0x1  }
0x9a: {  	s5 =	simm.s32 $_scs_section_size  }
0x9b: {  	s6 =	simm.s32 $_size__tile_overlayer_lowered;
	s7 =	simm.s32 $_tile_overlayer_lowered  }
0x9c: {  	s22 =	simm.s32 $0x1BFF;
	s21 =	sshll.u32 s7, $0x1;
	s4 =	sadd.s32 s5, s19  }
0x9d: {  	s8 =	simm.s32 $0x0;
	s20 =	sshll.u32 s6, $0x1;
	s6 =	sadd.s32 s21, s4  }
0x9e: {  	[timem:s8], [sflag:s22] =	dma.local [hbm:s6], s20  }
0x9f: {  	_ =	swait.ge [sflag:s22], s20  }
0xa0: {  	s5 =	ssub.s32 $0x0, s20;
	[sflag:s22] =	ssyncset.done $0x0  }
0xa1: {  	[sflag:s22] =	ssyncadd.s32 s5;
	_ =	sdelay $0x1  }
0xa2: {  	s23 =	simm.s32 $0x1B8B  }
0xa3: {  	_ =	swait.ge [sflag:s23], $0x1  }
0xa4: {  	[sflag:s23] =	ssyncset.done $0x0  }
0xa5: {  	s25 =	simm.s32 $0x1B8E;
	s24 =	sld [smem:$0x3FFE];
	[sflag:s23] =	ssyncadd.s32 $0xFFFFFFFF  }
0xa6: {  	s26 =	simm.s32 $execute0_lowered;
	[smem:$0x3FD2] =	sst s25  }
0xa7: {  	s6 =	sshll.u32 s26, $0x1;
	_ =	strace $0x80000046;
	[dreg:$0x1] =	wrdreg $0xFFFFFFFF  }
0xa8: {  	s28 =	simm.s32 $_size_execute0_lowered;
	s4 =	sadd.s32 s4, s6;
	[dreg:$0x0] =	wrdreg $0x0  }
0xa9: {  	s6 =	sshll.u32 s28, $0x1;
	[dreg:$0x2] =	wrdreg s4  }
0xaa: {  	[dreg:$0x3] =	wrdreg s6  }
0xab: {  	[dreg:$0x4] =	wrdreg $0xC0  }
0xac: {  	_ =	task [dreg:s8], $0x5FFFF  }
0xad: {  	[dreg:$0x1] =	wrdreg $0xFFFFFFFF  }
0xae: {  	[dreg:$0x0] =	wrdreg $0x60  }
0xaf: {  	[dreg:$0x2] =	wrdreg s2  }
0xb0: {  	[dreg:$0x3] =	wrdreg s18  }
0xb1: {  	[dreg:$0x4] =	wrdreg s24  }
0xb2: {  	[dreg:$0x5] =	wrdreg $0x9  }
0xb3: {  	_ =	task.clear_ibuf [dreg:s8], $0x6FFFF;
	_ =	strace $0x90000046  }
0xb4: {  	s29 =	simm.s32 $0x9;
	_ =	strace $0x80000048  }
0xb5: {  	_ =	swait.ge [sflag:s29], $0x1  }
0xb6: {  	[sflag:s29] =	ssyncadd.s32 $0xFFFFFFFF  }
0xb7: {  	_ =	strace $0x90000048  }
0xb8: {  	_ =	sfence  }
0xb9: {  	s30 =	sld [smem:$0x0];
	_ =	sdelay $0x2  }
0xba: {  	s31 =	sshll.u32 s1, $0xD;
	s1 =	sshrl.u32 s1, $0x2  }
0xbb: {  	s3 =	sand.u32 $0x4000, s31;
	s1 =	sadd.s32 s1, s30  }
0xbc: {  	s0 =	sor.u32 s3, s0;
	s1 =	sshll.u32 s1, $0x11  }
0xbd: {  	s0 =	sor.u32 s1, s0  }
0xbe: {  	s0 =	sadd.s32 $0x8F2B, s0  }
0xbf: {  	[sflag:s0] =	ssyncadd.remote.s32 $0x1  }
0xc0: {  	_ =	sfence.sel $0xFFFF  }
0xc1: {  	[dreg:$0x0] =	wrdreg $0xFFFFFFFF;
	(pc) =	sbr.abs _section_cstart, $3  }
0xc2: {  	[dreg:$0x1] =	wrdreg $0xFFFFFFFF  }
0xc3: {  	_ =	task.clear_ibuf [dreg:s8], $0x2FFFF;
	_ =	strace $0x9FFFFFFF  }
0xc4: {  	(tm) =	ssettm $0x7FFFFFFF  }
0xc5: {  	_ =	shalt  }
tec
execute0_lowered:
.L_overlay_start_1:
0x0: {  	(tag) =	ssettag $0x1  }
0x1: {  	s1 =	rddreg [dreg:$0x0]  }
0x2: {  	s0 =	srdreg.scid;
	s9 =	rddreg [dreg:$0x1]  }
0x3: {  	s2 =	stileid.u32;
	s7 =	rddreg [dreg:$0x2];
	s3 =	simm.s32 $0x0  }
0x4: {  	s13 =	simm.s32 $0x3;
	s16 =	simm.s32 $0x10;
	s19 =	simm.s32 $0x50  }
0x5: {  	s28 =	simm.s32 $0x3400;
	s30 =	simm.s32 $0x4400;
	s17 =	simm.s32 $0x11400  }
0x6: {  	s20 =	simm.s32 $0x13C00;
	s22 =	simm.s32 $0x16400;
	s23 =	simm.s32 $0x1  }
0x7: {  	s24 =	simm.s32 $0x18C00;
	s25 =	simm.s32 $0x18C10;
	s29 =	simm.s32 $0x0  }
0x8: {  	s0 =	sand.u32 $0x1, s0;
	s2 =	sshll.u32 s2, $0x1;
	[smem:$0x7FF] =	sst s3  }
0x9: {  	s5 =	sadd.s32 $0xF4D200, s7;
	s6 =	sadd.s32 $0x1E99600, s7;
	s8 =	sor.u32 s0, s2  }
0xa: {  	_ =	strace $0x80000047;
	s0 =	ssub.s32 $0x2, s0;
	s2 =	smul.u32 $0x2800, s8  }
0xb: {  	s11 =	sshrl.u32 s0, $0x1;
	s12 =	sshll.u32 s8, $0x6;
	s8 =	sshll.u32 s8, $0x9  }
.Ltmp0:
0xc: {  	s0 =	ssub.s32 s0, s11;
	s1 =	sadd.s32 s1, s12;
	(pc) =	sbr.rel .LBB2_1-.Ltmp0, $4  }
0xd: {  	s26 =	sadd.s32 s9, s12;
	s4 =	sshrl.u32 s2, $0x3;
	[dreg:$0x4] =	wrdreg s1  }
0xe: {  	[dreg:$0x5] =	wrdreg s26;
	s12 =	smax.u32 s0, $0x1;
	s10 =	sadd.s32 s4, s7  }
0xf: {  	s1 =	simm.s32 $0xEC00;
	s26 =	simm.s32 $0x2;
	s31 =	sadd.s32 $0xE00, s10  }
0x10: {  	vm0 =	vcmask $0x3F3C;
	s4 =	sadd.s32 $0xAE00, s7;
	s7 =	sadd.s32 $0x1E8F600, s7;
	[dreg:$0x6] =	wrdreg s31  }
.LBB2_8:
0x11: {  	s29 =	sadd.s32 $0x1, s29  }
0x12: {  	p0 =	sne.s32 s29, s12  }
.Ltmp1:
0x13: {  	_ = 	snop;
	(pc) =	sbr.rel @!p0 .LBB2_9-.Ltmp1, $1  }
0x14: {  	_ =	sdelay $0x3  }
.LBB2_1:
0x15: {  	s0 =	rddreg [dreg:$0x4]  }
0x16: {  	[tilespmem:s3], [sflag:$0x3] =	stream.linear.gather [hbm4b:s0+s3], $0x200, $0x38;
	[tilespmem:$0x18D50] =	vst v63  }
0x17: {  	_ =	swait.ge [sflag:s13], $0x200  }
0x18: {  	[sflag:s13] =	ssyncset.done $0x0  }
0x19: {  	s9 =	simm.s32 $0x200;
	s14 =	rddreg [dreg:$0x5];
	[sflag:s13] =	ssyncadd.s32 $0xFFFFFE00  }
0x1a: {  	[tilespmem:s9], [sflag:$0x3] =	stream.linear.gather [hbm4b:s14+s3], $0x200, $0x38;
	[tilespmem:$0x18D50] =	vst v63  }
0x1b: {  	_ =	swait.ge [sflag:s13], $0x200  }
0x1c: {  	[sflag:s13] =	ssyncset.done $0x0  }
0x1d: {  	s10 =	simm.s32 $0x400;
	s15 =	rddreg [dreg:$0x6];
	[sflag:s13] =	ssyncadd.s32 $0xFFFFFE00  }
0x1e: {  	[tilespmem:s10], [sflag:$0x3] =	stream.linear.gather [hbm4b:s15+s3], $0x2800, $0x38;
	[tilespmem:$0x18D50] =	vst v63  }
0x1f: {  	_ =	swait.ge [sflag:s13], $0x2800  }
0x20: {  	[sflag:s13] =	ssyncset.done $0x0  }
0x21: {  	s18 =	simm.s32 $0x2C00;
	[sflag:s13] =	ssyncadd.s32 $0xFFFFD800  }
0x22: {  	[tilespmem:s18], [sflag:$0x1] =	stream.indirect.gather [hbm4b:s4+s16], $0x80, s3, s16, $0xb8;
	[tilespmem:$0x18D50] =	vst v63  }
0x23: {  	s21 =	simm.s32 $0x3C00  }
0x24: {  	[tilespmem:s21], [sflag:$0x1] =	stream.indirect.gather [hbm4b:s5+s16], $0x80, s9, s16, $0xb8;
	[tilespmem:$0x18D50] =	vst v63  }
0x25: {  	s11 =	simm.s32 $0x4C00  }
0x26: {  	[tilespmem:s11], [sflag:$0x1] =	stream.indirect.gather [hbm4b:s5+s19], $0x80, s10, s19, $0xb8;
	[tilespmem:$0x18D50] =	vst v63  }
0x27: {  	s14 =	simm.s32 $0x450;
	s15 =	simm.s32 $0x7400  }
0x28: {  	[tilespmem:s15], [sflag:$0x1] =	stream.indirect.gather [hbm4b:s5+s19], $0x80, s14, s19, $0xb8;
	[tilespmem:$0x18D50] =	vst v63  }
0x29: {  	s18 =	simm.s32 $0x4A0;
	s21 =	simm.s32 $0x9C00  }
0x2a: {  	[tilespmem:s21], [sflag:$0x1] =	stream.indirect.gather [hbm4b:s5+s19], $0x80, s18, s19, $0xb8;
	[tilespmem:$0x18D50] =	vst v63  }
0x2b: {  	s9 =	simm.s32 $0x4F0;
	s10 =	simm.s32 $0xC400  }
0x2c: {  	[tilespmem:s10], [sflag:$0x1] =	stream.indirect.gather [hbm4b:s5+s19], $0x80, s9, s19, $0xb8;
	[tilespmem:$0x18D50] =	vst v63  }
0x2d: {  	_ = 	snop  }
0x2e: {  	[tilespmem:s28], [sflag:$0x2] =	stream.indirect.gather [hbm4b:s4+s16], $0x80, s16, s16, $0xb8;
	[tilespmem:$0x18D50] =	vst v63  }
0x2f: {  	s11 =	simm.s32 $0x210  }
0x30: {  	[tilespmem:s30], [sflag:$0x2] =	stream.indirect.gather [hbm4b:s5+s16], $0x80, s11, s16, $0xb8;
	[tilespmem:$0x18D50] =	vst v63  }
0x31: {  	s14 =	simm.s32 $0x540  }
0x32: {  	[tilespmem:s1], [sflag:$0x2] =	stream.indirect.gather [hbm4b:s5+s19], $0x80, s14, s19, $0xb8;
	[tilespmem:$0x18D50] =	vst v63  }
0x33: {  	s15 =	simm.s32 $0x590  }
0x34: {  	[tilespmem:s17], [sflag:$0x2] =	stream.indirect.gather [hbm4b:s5+s19], $0x80, s15, s19, $0xb8;
	[tilespmem:$0x18D50] =	vst v63  }
0x35: {  	s18 =	simm.s32 $0x5E0  }
0x36: {  	[tilespmem:s20], [sflag:$0x2] =	stream.indirect.gather [hbm4b:s5+s19], $0x80, s18, s19, $0xb8;
	[tilespmem:$0x18D50] =	vst v63  }
0x37: {  	s31 =	simm.s32 $0x0;
	s21 =	simm.s32 $0x630  }
0x38: {  	[tilespmem:s22], [sflag:$0x2] =	stream.indirect.gather [hbm4b:s5+s19], $0x80, s21, s19, $0xb8;
	[tilespmem:$0x18D50] =	vst v63  }
.LBB2_2:
0x39: {  	_ =	swait.ge [sflag:s23], $0x800  }
0x3a: {  	[sflag:s23] =	ssyncset.done $0x0  }
0x3b: {  	[sflag:s23] =	ssyncadd.s32 $0xFFFFF800  }
0x3c: {  	_ =	swait.ge [sflag:s23], $0x800  }
0x3d: {  	[sflag:s23] =	ssyncset.done $0x0  }
0x3e: {  	[sflag:s23] =	ssyncadd.s32 $0xFFFFF800  }
0x3f: {  	_ =	swait.ge [sflag:s23], $0x2800  }
0x40: {  	[sflag:s23] =	ssyncset.done $0x0  }
0x41: {  	[sflag:s23] =	ssyncadd.s32 $0xFFFFD800  }
0x42: {  	_ =	swait.ge [sflag:s23], $0x2800  }
0x43: {  	[sflag:s23] =	ssyncset.done $0x0  }
0x44: {  	[sflag:s23] =	ssyncadd.s32 $0xFFFFD800  }
0x45: {  	_ =	swait.ge [sflag:s23], $0x2800  }
0x46: {  	[sflag:s23] =	ssyncset.done $0x0  }
0x47: {  	[sflag:s23] =	ssyncadd.s32 $0xFFFFD800  }
0x48: {  	s0 =	simm.s32 $0x0;
	_ =	swait.ge [sflag:s23], $0x2800  }
0x49: {  	s18 =	simm.s32 $0x13;
	s14 =	simm.s32 $0x3C20;
	[sflag:s23] =	ssyncset.done $0x0  }
0x4a: {  	s15 =	simm.s32 $0x2C20;
	s9 =	simm.s32 $0x5100;
	[sflag:s23] =	ssyncadd.s32 $0xFFFFD800  }
.LBB2_3:
0x4b: {  	v0 =	vld [tilespmem:s15+$0xFFFFFFE0]  }
0x4c: {  	v1 =	vld [tilespmem:s15+$0xFFFFFFF0]  }
0x4d: {  	v4 =	vld [tilespmem:s14+$0xFFFFFFE0]  }
0x4e: {  	v5 =	vld [tilespmem:s14+$0xFFFFFFF0]  }
0x4f: {  	v2 =	vld [tilespmem:s15+$0x0]  }
0x50: {  	v6 =	vld [tilespmem:s14+$0x0]  }
0x51: {  	v3 =	vld [tilespmem:s15+$0x10]  }
0x52: {  	v7 =	vld [tilespmem:s14+$0x10]  }
0x53: {  	v4 =	vmul.f32 v4, v0;
	v5 =	vmul.f32 v5, v1;
	_ =	sdelay $0x1  }
0x54: {  	v52 =	vmul.f32 v6, v2;
	v4 =	vadd.f32 v5, v4;
	_ =	sdelay $0x1  }
0x55: {  	v53 =	vmul.f32 v7, v3;
	v4 =	vadd.f32 v52, v4;
	_ =	sdelay $0x1  }
0x56: {  	v4 =	vadd.f32 v53, v4;
	_ =	sdelay $0x1  }
0x57: {  	(xrf2) =	vadd.scan.msk.f32 $0xffff, v4;
	_ =	sdelay $0x5  }
0x58: {  	v54 =	vmov s0;
	_ =	sdelay $0x3  }
0x59: {  	v55, _, _ =	vpop (xrf2)  }
0x5a: {  	[tilespmem:v54+s24+$0x0] =	vst.idx.msk vm0, v55  }
0x5b: {  	v4 =	vld [tilespmem:s9+$0xFFFFFB00]  }
0x5c: {  	v5 =	vld [tilespmem:s9+$0xFFFFFB10];
	_ =	sdelay $0x1  }
0x5d: {  	v56 =	vld [tilespmem:s9+$0xFFFFFB20];
	_ =	sdelay $0x1  }
0x5e: {  	v57 =	vld [tilespmem:s9+$0xFFFFFB30]  }
0x5f: {  	v4 =	vmul.f32 v4, v0;
	v5 =	vmul.f32 v5, v1;
	_ =	sdelay $0x1  }
0x60: {  	v58 =	vmul.f32 v56, v2;
	v4 =	vadd.f32 v5, v4;
	_ =	sdelay $0x1  }
0x61: {  	v59 =	vmul.f32 v57, v3;
	v4 =	vadd.f32 v58, v4;
	_ =	sdelay $0x1  }
0x62: {  	v4 =	vadd.f32 v59, v4;
	_ =	sdelay $0x1  }
0x63: {  	(xrf2) =	vadd.scan.msk.f32 $0xffff, v4;
	_ =	sdelay $0x1  }
0x64: {  	s10 =	sadd.s32 $0xFFFFFFED, s18  }
0x65: {  	v60 =	vmov s10  }
0x66: {  	v4 =	vand.u32 $0xFFFFFFFC, v60  }
0x67: {  	v4 =	vbroadcast v4, $0x0;
	_ =	sdelay $0x4  }
0x68: {  	v61, _, _ =	vpop (xrf2)  }
0x69: {  	[tilespmem:v4+s25+$0x0] =	vst.idx.msk vm0, v61  }
0x6a: {  	v4 =	vld [tilespmem:s9+$0xFFFFFB80]  }
0x6b: {  	v5 =	vld [tilespmem:s9+$0xFFFFFB90];
	_ =	sdelay $0x1  }
0x6c: {  	v62 =	vld [tilespmem:s9+$0xFFFFFBA0];
	_ =	sdelay $0x1  }
0x6d: {  	v63 =	vld [tilespmem:s9+$0xFFFFFBB0]  }
0x6e: {  	v4 =	vmul.f32 v4, v0;
	v5 =	vmul.f32 v5, v1;
	_ =	sdelay $0x1  }
0x6f: {  	v8 =	vmul.f32 v62, v2;
	v4 =	vadd.f32 v5, v4;
	_ =	sdelay $0x1  }
0x70: {  	v9 =	vmul.f32 v63, v3;
	v4 =	vadd.f32 v8, v4;
	_ =	sdelay $0x1  }
0x71: {  	v4 =	vadd.f32 v9, v4;
	_ =	sdelay $0x1  }
0x72: {  	(xrf2) =	vadd.scan.msk.f32 $0xffff, v4;
	_ =	sdelay $0x1  }
0x73: {  	s11 =	sadd.s32 $0xFFFFFFEE, s18  }
0x74: {  	v10 =	vmov s11  }
0x75: {  	v4 =	vand.u32 $0xFFFFFFFD, v10  }
0x76: {  	v4 =	vbroadcast v4, $0x0;
	_ =	sdelay $0x4  }
0x77: {  	v11, _, _ =	vpop (xrf2)  }
0x78: {  	[tilespmem:v4+s25+$0x0] =	vst.idx.msk vm0, v11  }
0x79: {  	v4 =	vld [tilespmem:s9+$0xFFFFFC00]  }
0x7a: {  	v5 =	vld [tilespmem:s9+$0xFFFFFC10];
	_ =	sdelay $0x1  }
0x7b: {  	v12 =	vld [tilespmem:s9+$0xFFFFFC20];
	_ =	sdelay $0x1  }
0x7c: {  	v13 =	vld [tilespmem:s9+$0xFFFFFC30]  }
0x7d: {  	v4 =	vmul.f32 v4, v0;
	v5 =	vmul.f32 v5, v1;
	_ =	sdelay $0x1  }
0x7e: {  	v14 =	vmul.f32 v12, v2;
	v4 =	vadd.f32 v5, v4;
	_ =	sdelay $0x1  }
0x7f: {  	v15 =	vmul.f32 v13, v3;
	v4 =	vadd.f32 v14, v4;
	_ =	sdelay $0x1  }
0x80: {  	v4 =	vadd.f32 v15, v4;
	_ =	sdelay $0x1  }
0x81: {  	(xrf2) =	vadd.scan.msk.f32 $0xffff, v4;
	_ =	sdelay $0x1  }
0x82: {  	s21 =	sadd.s32 $0xFFFFFFEF, s18  }
0x83: {  	v16 =	vmov s21  }
0x84: {  	v4 =	vand.u32 $0xFFFFFFFE, v16  }
0x85: {  	v4 =	vbroadcast v4, $0x0;
	_ =	sdelay $0x4  }
0x86: {  	v17, _, _ =	vpop (xrf2)  }
0x87: {  	[tilespmem:v4+s25+$0x0] =	vst.idx.msk vm0, v17  }
0x88: {  	v4 =	vld [tilespmem:s9+$0xFFFFFC80]  }
0x89: {  	v5 =	vld [tilespmem:s9+$0xFFFFFC90];
	_ =	sdelay $0x1  }
0x8a: {  	v18 =	vld [tilespmem:s9+$0xFFFFFCA0];
	_ =	sdelay $0x1  }
0x8b: {  	v19 =	vld [tilespmem:s9+$0xFFFFFCB0]  }
0x8c: {  	v4 =	vmul.f32 v4, v0;
	v5 =	vmul.f32 v5, v1;
	_ =	sdelay $0x1  }
0x8d: {  	v20 =	vmul.f32 v18, v2;
	v4 =	vadd.f32 v5, v4;
	_ =	sdelay $0x1  }
0x8e: {  	v21 =	vmul.f32 v19, v3;
	v4 =	vadd.f32 v20, v4;
	_ =	sdelay $0x1  }
0x8f: {  	v4 =	vadd.f32 v21, v4;
	_ =	sdelay $0x1  }
0x90: {  	(xrf2) =	vadd.scan.msk.f32 $0xffff, v4;
	_ =	sdelay $0x4  }
0x91: {  	s11 =	sadd.s32 $0xFFFFFFF0, s18  }
0x92: {  	v22 =	vmov s11;
	_ =	sdelay $0x3  }
0x93: {  	v23, _, _ =	vpop (xrf2)  }
0x94: {  	[tilespmem:v22+s25+$0x0] =	vst.idx.msk vm0, v23  }
0x95: {  	v4 =	vld [tilespmem:s9+$0xFFFFFD00]  }
0x96: {  	v5 =	vld [tilespmem:s9+$0xFFFFFD10];
	_ =	sdelay $0x1  }
0x97: {  	v24 =	vld [tilespmem:s9+$0xFFFFFD20];
	_ =	sdelay $0x1  }
0x98: {  	v25 =	vld [tilespmem:s9+$0xFFFFFD30]  }
0x99: {  	v4 =	vmul.f32 v4, v0;
	v5 =	vmul.f32 v5, v1;
	_ =	sdelay $0x1  }
0x9a: {  	v26 =	vmul.f32 v24, v2;
	v4 =	vadd.f32 v5, v4;
	_ =	sdelay $0x1  }
0x9b: {  	v27 =	vmul.f32 v25, v3;
	v4 =	vadd.f32 v26, v4;
	_ =	sdelay $0x1  }
0x9c: {  	v4 =	vadd.f32 v27, v4;
	_ =	sdelay $0x1  }
0x9d: {  	(xrf2) =	vadd.scan.msk.f32 $0xffff, v4;
	_ =	sdelay $0x1  }
0x9e: {  	s21 =	sadd.s32 $0xFFFFFFF1, s18  }
0x9f: {  	v28 =	vmov s21  }
0xa0: {  	v4 =	vand.u32 $0xFFFFFFFC, v28  }
0xa1: {  	v4 =	vbroadcast v4, $0x0;
	_ =	sdelay $0x4  }
0xa2: {  	v29, _, _ =	vpop (xrf2)  }
0xa3: {  	[tilespmem:v4+s25+$0x0] =	vst.idx.msk vm0, v29  }
0xa4: {  	v4 =	vld [tilespmem:s9+$0xFFFFFD80]  }
0xa5: {  	v5 =	vld [tilespmem:s9+$0xFFFFFD90];
	_ =	sdelay $0x1  }
0xa6: {  	v30 =	vld [tilespmem:s9+$0xFFFFFDA0];
	_ =	sdelay $0x1  }
0xa7: {  	v31 =	vld [tilespmem:s9+$0xFFFFFDB0]  }
0xa8: {  	v4 =	vmul.f32 v4, v0;
	v5 =	vmul.f32 v5, v1;
	_ =	sdelay $0x1  }
0xa9: {  	v32 =	vmul.f32 v30, v2;
	v4 =	vadd.f32 v5, v4;
	_ =	sdelay $0x1  }
0xaa: {  	v33 =	vmul.f32 v31, v3;
	v4 =	vadd.f32 v32, v4;
	_ =	sdelay $0x1  }
0xab: {  	v4 =	vadd.f32 v33, v4;
	_ =	sdelay $0x1  }
0xac: {  	(xrf2) =	vadd.scan.msk.f32 $0xffff, v4;
	_ =	sdelay $0x1  }
0xad: {  	s11 =	sadd.s32 $0xFFFFFFF2, s18  }
0xae: {  	v34 =	vmov s11  }
0xaf: {  	v4 =	vand.u32 $0xFFFFFFFD, v34  }
0xb0: {  	v4 =	vbroadcast v4, $0x0;
	_ =	sdelay $0x4  }
0xb1: {  	v35, _, _ =	vpop (xrf2)  }
0xb2: {  	[tilespmem:v4+s25+$0x0] =	vst.idx.msk vm0, v35  }
0xb3: {  	v4 =	vld [tilespmem:s9+$0xFFFFFE00]  }
0xb4: {  	v5 =	vld [tilespmem:s9+$0xFFFFFE10];
	_ =	sdelay $0x1  }
0xb5: {  	v36 =	vld [tilespmem:s9+$0xFFFFFE20];
	_ =	sdelay $0x1  }
0xb6: {  	v37 =	vld [tilespmem:s9+$0xFFFFFE30]  }
0xb7: {  	v4 =	vmul.f32 v4, v0;
	v5 =	vmul.f32 v5, v1;
	_ =	sdelay $0x1  }
0xb8: {  	v38 =	vmul.f32 v36, v2;
	v4 =	vadd.f32 v5, v4;
	_ =	sdelay $0x1  }
0xb9: {  	v39 =	vmul.f32 v37, v3;
	v4 =	vadd.f32 v38, v4;
	_ =	sdelay $0x1  }
0xba: {  	v4 =	vadd.f32 v39, v4;
	_ =	sdelay $0x1  }
0xbb: {  	(xrf2) =	vadd.scan.msk.f32 $0xffff, v4;
	_ =	sdelay $0x1  }
0xbc: {  	s21 =	sadd.s32 $0xFFFFFFF3, s18  }
0xbd: {  	v40 =	vmov s21  }
0xbe: {  	v4 =	vand.u32 $0xFFFFFFFE, v40  }
0xbf: {  	v4 =	vbroadcast v4, $0x0;
	_ =	sdelay $0x4  }
0xc0: {  	v41, _, _ =	vpop (xrf2)  }
0xc1: {  	[tilespmem:v4+s25+$0x0] =	vst.idx.msk vm0, v41  }
0xc2: {  	v4 =	vld [tilespmem:s9+$0xFFFFFE80]  }
0xc3: {  	v5 =	vld [tilespmem:s9+$0xFFFFFE90];
	_ =	sdelay $0x1  }
0xc4: {  	v42 =	vld [tilespmem:s9+$0xFFFFFEA0];
	_ =	sdelay $0x1  }
0xc5: {  	v43 =	vld [tilespmem:s9+$0xFFFFFEB0]  }
0xc6: {  	v4 =	vmul.f32 v4, v0;
	v5 =	vmul.f32 v5, v1;
	_ =	sdelay $0x1  }
0xc7: {  	v44 =	vmul.f32 v42, v2;
	v4 =	vadd.f32 v5, v4;
	_ =	sdelay $0x1  }
0xc8: {  	v45 =	vmul.f32 v43, v3;
	v4 =	vadd.f32 v44, v4;
	_ =	sdelay $0x1  }
0xc9: {  	v4 =	vadd.f32 v45, v4;
	_ =	sdelay $0x1  }
0xca: {  	(xrf2) =	vadd.scan.msk.f32 $0xffff, v4;
	_ =	sdelay $0x4  }
0xcb: {  	s11 =	sadd.s32 $0xFFFFFFF4, s18  }
0xcc: {  	v46 =	vmov s11;
	_ =	sdelay $0x3  }
0xcd: {  	v47, _, _ =	vpop (xrf2)  }
0xce: {  	[tilespmem:v46+s25+$0x0] =	vst.idx.msk vm0, v47  }
0xcf: {  	v4 =	vld [tilespmem:s9+$0xFFFFFF00]  }
0xd0: {  	v5 =	vld [tilespmem:s9+$0xFFFFFF10];
	_ =	sdelay $0x1  }
0xd1: {  	v48 =	vld [tilespmem:s9+$0xFFFFFF20];
	_ =	sdelay $0x1  }
0xd2: {  	v49 =	vld [tilespmem:s9+$0xFFFFFF30]  }
0xd3: {  	v4 =	vmul.f32 v4, v0;
	v5 =	vmul.f32 v5, v1;
	_ =	sdelay $0x1  }
0xd4: {  	v50 =	vmul.f32 v48, v2;
	v4 =	vadd.f32 v5, v4;
	_ =	sdelay $0x1  }
0xd5: {  	v51 =	vmul.f32 v49, v3;
	v4 =	vadd.f32 v50, v4;
	_ =	sdelay $0x1  }
0xd6: {  	v4 =	vadd.f32 v51, v4;
	_ =	sdelay $0x1  }
0xd7: {  	(xrf2) =	vadd.scan.msk.f32 $0xffff, v4;
	_ =	sdelay $0x1  }
0xd8: {  	s21 =	sadd.s32 $0xFFFFFFF5, s18  }
0xd9: {  	v52 =	vmov s21  }
0xda: {  	v4 =	vand.u32 $0xFFFFFFFC, v52  }
0xdb: {  	v4 =	vbroadcast v4, $0x0;
	_ =	sdelay $0x4  }
0xdc: {  	v53, _, _ =	vpop (xrf2)  }
0xdd: {  	[tilespmem:v4+s25+$0x0] =	vst.idx.msk vm0, v53  }
0xde: {  	v4 =	vld [tilespmem:s9+$0xFFFFFF80]  }
0xdf: {  	v5 =	vld [tilespmem:s9+$0xFFFFFF90];
	_ =	sdelay $0x1  }
0xe0: {  	v54 =	vld [tilespmem:s9+$0xFFFFFFA0];
	_ =	sdelay $0x1  }
0xe1: {  	v55 =	vld [tilespmem:s9+$0xFFFFFFB0]  }
0xe2: {  	v4 =	vmul.f32 v4, v0;
	v5 =	vmul.f32 v5, v1;
	_ =	sdelay $0x1  }
0xe3: {  	v56 =	vmul.f32 v54, v2;
	v4 =	vadd.f32 v5, v4;
	_ =	sdelay $0x1  }
0xe4: {  	v57 =	vmul.f32 v55, v3;
	v4 =	vadd.f32 v56, v4;
	_ =	sdelay $0x1  }
0xe5: {  	v4 =	vadd.f32 v57, v4;
	_ =	sdelay $0x1  }
0xe6: {  	(xrf2) =	vadd.scan.msk.f32 $0xffff, v4;
	_ =	sdelay $0x1  }
0xe7: {  	s11 =	sadd.s32 $0xFFFFFFF6, s18  }
0xe8: {  	v58 =	vmov s11  }
0xe9: {  	v4 =	vand.u32 $0xFFFFFFFD, v58  }
0xea: {  	v4 =	vbroadcast v4, $0x0;
	_ =	sdelay $0x4  }
0xeb: {  	v59, _, _ =	vpop (xrf2)  }
0xec: {  	[tilespmem:v4+s25+$0x0] =	vst.idx.msk vm0, v59  }
0xed: {  	v4 =	vld [tilespmem:s9+$0x0]  }
0xee: {  	v5 =	vld [tilespmem:s9+$0x10];
	_ =	sdelay $0x1  }
0xef: {  	v60 =	vld [tilespmem:s9+$0x20];
	_ =	sdelay $0x1  }
0xf0: {  	v61 =	vld [tilespmem:s9+$0x30]  }
0xf1: {  	v4 =	vmul.f32 v4, v0;
	v5 =	vmul.f32 v5, v1;
	_ =	sdelay $0x1  }
0xf2: {  	v62 =	vmul.f32 v60, v2;
	v4 =	vadd.f32 v5, v4;
	_ =	sdelay $0x1  }
0xf3: {  	v63 =	vmul.f32 v61, v3;
	v4 =	vadd.f32 v62, v4;
	_ =	sdelay $0x1  }
0xf4: {  	v4 =	vadd.f32 v63, v4;
	_ =	sdelay $0x1  }
0xf5: {  	(xrf2) =	vadd.scan.msk.f32 $0xffff, v4;
	_ =	sdelay $0x1  }
0xf6: {  	s21 =	sadd.s32 $0xFFFFFFF7, s18  }
0xf7: {  	v8 =	vmov s21  }
0xf8: {  	v4 =	vand.u32 $0xFFFFFFFE, v8  }
0xf9: {  	v4 =	vbroadcast v4, $0x0;
	_ =	sdelay $0x4  }
0xfa: {  	v9, _, _ =	vpop (xrf2)  }
0xfb: {  	[tilespmem:v4+s25+$0x0] =	vst.idx.msk vm0, v9  }
0xfc: {  	v4 =	vld [tilespmem:s9+$0x80]  }
0xfd: {  	v5 =	vld [tilespmem:s9+$0x90];
	_ =	sdelay $0x1  }
0xfe: {  	v10 =	vld [tilespmem:s9+$0xA0];
	_ =	sdelay $0x1  }
0xff: {  	v11 =	vld [tilespmem:s9+$0xB0]  }
0x100: {  	v4 =	vmul.f32 v4, v0;
	v5 =	vmul.f32 v5, v1;
	_ =	sdelay $0x1  }
0x101: {  	v12 =	vmul.f32 v10, v2;
	v4 =	vadd.f32 v5, v4;
	_ =	sdelay $0x1  }
0x102: {  	v13 =	vmul.f32 v11, v3;
	v4 =	vadd.f32 v12, v4;
	_ =	sdelay $0x1  }
0x103: {  	v4 =	vadd.f32 v13, v4;
	_ =	sdelay $0x1  }
0x104: {  	(xrf2) =	vadd.scan.msk.f32 $0xffff, v4;
	_ =	sdelay $0x4  }
0x105: {  	s11 =	sadd.s32 $0xFFFFFFF8, s18  }
0x106: {  	v14 =	vmov s11;
	_ =	sdelay $0x3  }
0x107: {  	v15, _, _ =	vpop (xrf2)  }
0x108: {  	[tilespmem:v14+s25+$0x0] =	vst.idx.msk vm0, v15  }
0x109: {  	v4 =	vld [tilespmem:s9+$0x100]  }
0x10a: {  	v5 =	vld [tilespmem:s9+$0x110];
	_ =	sdelay $0x1  }
0x10b: {  	v16 =	vld [tilespmem:s9+$0x120];
	_ =	sdelay $0x1  }
0x10c: {  	v17 =	vld [tilespmem:s9+$0x130]  }
0x10d: {  	v4 =	vmul.f32 v4, v0;
	v5 =	vmul.f32 v5, v1;
	_ =	sdelay $0x1  }
0x10e: {  	v18 =	vmul.f32 v16, v2;
	v4 =	vadd.f32 v5, v4;
	_ =	sdelay $0x1  }
0x10f: {  	v19 =	vmul.f32 v17, v3;
	v4 =	vadd.f32 v18, v4;
	_ =	sdelay $0x1  }
0x110: {  	v4 =	vadd.f32 v19, v4;
	_ =	sdelay $0x1  }
0x111: {  	(xrf2) =	vadd.scan.msk.f32 $0xffff, v4;
	_ =	sdelay $0x1  }
0x112: {  	s21 =	sadd.s32 $0xFFFFFFF9, s18  }
0x113: {  	v20 =	vmov s21  }
0x114: {  	v4 =	vand.u32 $0xFFFFFFFC, v20  }
0x115: {  	v4 =	vbroadcast v4, $0x0;
	_ =	sdelay $0x4  }
0x116: {  	v21, _, _ =	vpop (xrf2)  }
0x117: {  	[tilespmem:v4+s25+$0x0] =	vst.idx.msk vm0, v21  }
0x118: {  	v4 =	vld [tilespmem:s9+$0x180]  }
0x119: {  	v5 =	vld [tilespmem:s9+$0x190];
	_ =	sdelay $0x1  }
0x11a: {  	v22 =	vld [tilespmem:s9+$0x1A0];
	_ =	sdelay $0x1  }
0x11b: {  	v23 =	vld [tilespmem:s9+$0x1B0]  }
0x11c: {  	v4 =	vmul.f32 v4, v0;
	v5 =	vmul.f32 v5, v1;
	_ =	sdelay $0x1  }
0x11d: {  	v24 =	vmul.f32 v22, v2;
	v4 =	vadd.f32 v5, v4;
	_ =	sdelay $0x1  }
0x11e: {  	v25 =	vmul.f32 v23, v3;
	v4 =	vadd.f32 v24, v4;
	_ =	sdelay $0x1  }
0x11f: {  	v4 =	vadd.f32 v25, v4;
	_ =	sdelay $0x1  }
0x120: {  	(xrf2) =	vadd.scan.msk.f32 $0xffff, v4;
	_ =	sdelay $0x1  }
0x121: {  	s11 =	sadd.s32 $0xFFFFFFFA, s18  }
0x122: {  	v26 =	vmov s11  }
0x123: {  	v4 =	vand.u32 $0xFFFFFFFD, v26  }
0x124: {  	v4 =	vbroadcast v4, $0x0;
	_ =	sdelay $0x4  }
0x125: {  	v27, _, _ =	vpop (xrf2)  }
0x126: {  	[tilespmem:v4+s25+$0x0] =	vst.idx.msk vm0, v27  }
0x127: {  	v4 =	vld [tilespmem:s9+$0x200]  }
0x128: {  	v5 =	vld [tilespmem:s9+$0x210];
	_ =	sdelay $0x1  }
0x129: {  	v28 =	vld [tilespmem:s9+$0x220];
	_ =	sdelay $0x1  }
0x12a: {  	v29 =	vld [tilespmem:s9+$0x230]  }
0x12b: {  	v4 =	vmul.f32 v4, v0;
	v5 =	vmul.f32 v5, v1;
	_ =	sdelay $0x1  }
0x12c: {  	v30 =	vmul.f32 v28, v2;
	v4 =	vadd.f32 v5, v4;
	_ =	sdelay $0x1  }
0x12d: {  	v31 =	vmul.f32 v29, v3;
	v4 =	vadd.f32 v30, v4;
	_ =	sdelay $0x1  }
0x12e: {  	v4 =	vadd.f32 v31, v4;
	_ =	sdelay $0x1  }
0x12f: {  	(xrf2) =	vadd.scan.msk.f32 $0xffff, v4;
	_ =	sdelay $0x1  }
0x130: {  	s21 =	sadd.s32 $0xFFFFFFFB, s18  }
0x131: {  	v32 =	vmov s21  }
0x132: {  	v4 =	vand.u32 $0xFFFFFFFE, v32  }
0x133: {  	v4 =	vbroadcast v4, $0x0;
	_ =	sdelay $0x4  }
0x134: {  	v33, _, _ =	vpop (xrf2)  }
0x135: {  	[tilespmem:v4+s25+$0x0] =	vst.idx.msk vm0, v33  }
0x136: {  	v4 =	vld [tilespmem:s9+$0x280]  }
0x137: {  	v5 =	vld [tilespmem:s9+$0x290];
	_ =	sdelay $0x1  }
0x138: {  	v34 =	vld [tilespmem:s9+$0x2A0];
	_ =	sdelay $0x1  }
0x139: {  	v35 =	vld [tilespmem:s9+$0x2B0]  }
0x13a: {  	v4 =	vmul.f32 v4, v0;
	v5 =	vmul.f32 v5, v1;
	_ =	sdelay $0x1  }
0x13b: {  	v36 =	vmul.f32 v34, v2;
	v4 =	vadd.f32 v5, v4;
	_ =	sdelay $0x1  }
0x13c: {  	v37 =	vmul.f32 v35, v3;
	v4 =	vadd.f32 v36, v4;
	_ =	sdelay $0x1  }
0x13d: {  	v4 =	vadd.f32 v37, v4;
	_ =	sdelay $0x1  }
0x13e: {  	(xrf2) =	vadd.scan.msk.f32 $0xffff, v4;
	_ =	sdelay $0x4  }
0x13f: {  	s11 =	sadd.s32 $0xFFFFFFFC, s18  }
0x140: {  	v38 =	vmov s11;
	_ =	sdelay $0x3  }
0x141: {  	v39, _, _ =	vpop (xrf2)  }
0x142: {  	[tilespmem:v38+s25+$0x0] =	vst.idx.msk vm0, v39  }
0x143: {  	v4 =	vld [tilespmem:s9+$0x300]  }
0x144: {  	v5 =	vld [tilespmem:s9+$0x310];
	_ =	sdelay $0x1  }
0x145: {  	v40 =	vld [tilespmem:s9+$0x320];
	_ =	sdelay $0x1  }
0x146: {  	v41 =	vld [tilespmem:s9+$0x330]  }
0x147: {  	v4 =	vmul.f32 v4, v0;
	v5 =	vmul.f32 v5, v1;
	_ =	sdelay $0x1  }
0x148: {  	v42 =	vmul.f32 v40, v2;
	v4 =	vadd.f32 v5, v4;
	_ =	sdelay $0x1  }
0x149: {  	v43 =	vmul.f32 v41, v3;
	v4 =	vadd.f32 v42, v4;
	_ =	sdelay $0x1  }
0x14a: {  	v4 =	vadd.f32 v43, v4;
	_ =	sdelay $0x1  }
0x14b: {  	(xrf2) =	vadd.scan.msk.f32 $0xffff, v4;
	_ =	sdelay $0x1  }
0x14c: {  	s21 =	sadd.s32 $0xFFFFFFFD, s18  }
0x14d: {  	v44 =	vmov s21  }
0x14e: {  	v4 =	vand.u32 $0xFFFFFFFC, v44  }
0x14f: {  	v4 =	vbroadcast v4, $0x0;
	_ =	sdelay $0x4  }
0x150: {  	v45, _, _ =	vpop (xrf2)  }
0x151: {  	[tilespmem:v4+s25+$0x0] =	vst.idx.msk vm0, v45  }
0x152: {  	v4 =	vld [tilespmem:s9+$0x380]  }
0x153: {  	v5 =	vld [tilespmem:s9+$0x390];
	_ =	sdelay $0x1  }
0x154: {  	v46 =	vld [tilespmem:s9+$0x3A0];
	_ =	sdelay $0x1  }
0x155: {  	v47 =	vld [tilespmem:s9+$0x3B0]  }
0x156: {  	v4 =	vmul.f32 v4, v0;
	v5 =	vmul.f32 v5, v1;
	_ =	sdelay $0x1  }
0x157: {  	v48 =	vmul.f32 v46, v2;
	v4 =	vadd.f32 v5, v4;
	_ =	sdelay $0x1  }
0x158: {  	v49 =	vmul.f32 v47, v3;
	v4 =	vadd.f32 v48, v4;
	_ =	sdelay $0x1  }
0x159: {  	v4 =	vadd.f32 v49, v4;
	_ =	sdelay $0x1  }
0x15a: {  	(xrf2) =	vadd.scan.msk.f32 $0xffff, v4;
	_ =	sdelay $0x1  }
0x15b: {  	s11 =	sadd.s32 $0xFFFFFFFE, s18  }
0x15c: {  	v50 =	vmov s11  }
0x15d: {  	v4 =	vand.u32 $0xFFFFFFFD, v50  }
0x15e: {  	v4 =	vbroadcast v4, $0x0;
	_ =	sdelay $0x4  }
0x15f: {  	v51, _, _ =	vpop (xrf2)  }
0x160: {  	[tilespmem:v4+s25+$0x0] =	vst.idx.msk vm0, v51  }
0x161: {  	v4 =	vld [tilespmem:s9+$0x400]  }
0x162: {  	v5 =	vld [tilespmem:s9+$0x410];
	_ =	sdelay $0x1  }
0x163: {  	v52 =	vld [tilespmem:s9+$0x420];
	_ =	sdelay $0x1  }
0x164: {  	v53 =	vld [tilespmem:s9+$0x430]  }
0x165: {  	v4 =	vmul.f32 v4, v0;
	v5 =	vmul.f32 v5, v1;
	_ =	sdelay $0x1  }
0x166: {  	v54 =	vmul.f32 v52, v2;
	v4 =	vadd.f32 v5, v4;
	_ =	sdelay $0x1  }
0x167: {  	v55 =	vmul.f32 v53, v3;
	v4 =	vadd.f32 v54, v4;
	_ =	sdelay $0x1  }
0x168: {  	v4 =	vadd.f32 v55, v4;
	_ =	sdelay $0x1  }
0x169: {  	(xrf2) =	vadd.scan.msk.f32 $0xffff, v4;
	_ =	sdelay $0x1  }
0x16a: {  	s21 =	sadd.s32 $0xFFFFFFFF, s18  }
0x16b: {  	v56 =	vmov s21  }
0x16c: {  	v4 =	vand.u32 $0xFFFFFFFE, v56  }
0x16d: {  	v4 =	vbroadcast v4, $0x0;
	_ =	sdelay $0x4  }
0x16e: {  	v57, _, _ =	vpop (xrf2)  }
0x16f: {  	[tilespmem:v4+s25+$0x0] =	vst.idx.msk vm0, v57  }
0x170: {  	v4 =	vld [tilespmem:s9+$0x480]  }
0x171: {  	v5 =	vld [tilespmem:s9+$0x490];
	_ =	sdelay $0x1  }
0x172: {  	v58 =	vld [tilespmem:s9+$0x4A0];
	_ =	sdelay $0x1  }
0x173: {  	v59 =	vld [tilespmem:s9+$0x4B0]  }
0x174: {  	v0 =	vmul.f32 v4, v0;
	v1 =	vmul.f32 v5, v1;
	_ =	sdelay $0x1  }
0x175: {  	v60 =	vmul.f32 v58, v2;
	v0 =	vadd.f32 v1, v0;
	_ =	sdelay $0x1  }
0x176: {  	v61 =	vmul.f32 v59, v3;
	v0 =	vadd.f32 v60, v0;
	_ =	sdelay $0x1  }
0x177: {  	v0 =	vadd.f32 v61, v0;
	_ =	sdelay $0x1  }
0x178: {  	(xrf2) =	vadd.scan.msk.f32 $0xffff, v0;
	_ =	sdelay $0x5  }
0x179: {  	p0 =	sne.s32 s18, $0x13F;
	v62 =	vmov s18  }
.Ltmp2:
0x17a: {  	_ = 	snop;
	(pc) =	sbr.rel @p0 .LBB2_3-.Ltmp2, $3  }
0x17b: {  	_ =	sdelay $0x1  }
0x17c: {  	s0 =	sadd.s32 $0x1, s0;
	s14 =	sadd.s32 $0x80, s14;
	v63, _, _ =	vpop (xrf2)  }
0x17d: {  	s15 =	sadd.s32 $0x80, s15;
	s18 =	sadd.s32 $0x14, s18;
	s9 =	sadd.s32 $0xA00, s9;
	[tilespmem:v62+s25+$0x0] =	vst.idx.msk vm0, v63  }
0x17e: {  	s0 =	sshll.u32 s31, $0x5  }
0x17f: {  	s0 =	sadd.s32 s8, s0  }
0x180: {  	s0 =	sshrl.u32 s0, $0x3  }
0x181: {  	s9 =	smul.u32 $0x280, s31;
	s0 =	sadd.s32 s6, s0  }
0x182: {  	[hbm4b:s0+s3] =	stream.linear.scatter [tilespmem:s24], [sflag:$0x3], $0x10, $0x38;
	[tilespmem:$0x18D50] =	vst v63  }
0x183: {  	s21 =	sadd.s32 s2, s9;
	_ =	swait.ge [sflag:s13], $0x10  }
0x184: {  	s0 =	sshrl.u32 s21, $0x3;
	[sflag:s13] =	ssyncset.done $0x0  }
0x185: {  	p0 =	seq.s32 s31, $0xF;
	s0 =	sadd.s32 s7, s0;
	[sflag:s13] =	ssyncadd.s32 $0xFFFFFFF0  }
0x186: {  	[hbm4b:s0+s3] =	stream.linear.scatter [tilespmem:s25], [sflag:$0x3], $0x140, $0x38;
	[tilespmem:$0x18D50] =	vst v63  }
0x187: {  	s14 =	simm.s32 @!p0 $0x10;
	s0 =	sshll.u32 s31, $0x1;
	_ =	swait.ge [sflag:s13], $0x140  }
0x188: {  	s15 =	simm.s32 @!p0 $0x2C00;
	s9 =	sadd.s32 @!p0 $0x2, s0;
	[sflag:s13] =	ssyncset.done $0x0  }
0x189: {  	s10 =	sshll.u32 @!p0 s9, $0x4;
	s9 =	smul.u32 @!p0 $0x500, s9;
	[sflag:s13] =	ssyncadd.s32 $0xFFFFFEC0  }
0x18a: {  	[tilespmem:s15], [sflag:$0x1] =	stream.indirect.gather @!p0 [hbm4b:s4+s14], $0x80, s10, s14, $0xb8;
	[tilespmem:$0x18D50] =	vst v63  }
0x18b: {  	s10 =	sadd.s32 @!p0 $0x200, s10;
	s15 =	simm.s32 @!p0 $0x3C00;
	s9 =	sshra.s32 @!p0 s9, $0x2  }
0x18c: {  	[tilespmem:s15], [sflag:$0x1] =	stream.indirect.gather @!p0 [hbm4b:s5+s14], $0x80, s10, s14, $0xb8;
	[tilespmem:$0x18D50] =	vst v63  }
0x18d: {  	s10 =	sadd.s32 @!p0 $0x400, s9;
	s14 =	simm.s32 @!p0 $0x50;
	s15 =	simm.s32 @!p0 $0x4C00  }
0x18e: {  	[tilespmem:s15], [sflag:$0x1] =	stream.indirect.gather @!p0 [hbm4b:s5+s14], $0x80, s10, s14, $0xb8;
	[tilespmem:$0x18D50] =	vst v63  }
0x18f: {  	s10 =	sadd.s32 @!p0 $0x450, s9;
	s15 =	simm.s32 @!p0 $0x7400  }
0x190: {  	[tilespmem:s15], [sflag:$0x1] =	stream.indirect.gather @!p0 [hbm4b:s5+s14], $0x80, s10, s14, $0xb8;
	[tilespmem:$0x18D50] =	vst v63  }
0x191: {  	s10 =	sadd.s32 @!p0 $0x4A0, s9;
	s15 =	simm.s32 @!p0 $0x9C00  }
0x192: {  	[tilespmem:s15], [sflag:$0x1] =	stream.indirect.gather @!p0 [hbm4b:s5+s14], $0x80, s10, s14, $0xb8;
	[tilespmem:$0x18D50] =	vst v63  }
0x193: {  	s9 =	sadd.s32 @!p0 $0x4F0, s9;
	s10 =	simm.s32 @!p0 $0xC400  }
0x194: {  	[tilespmem:s10], [sflag:$0x1] =	stream.indirect.gather @!p0 [hbm4b:s5+s14], $0x80, s9, s14, $0xb8;
	[tilespmem:$0x18D50] =	vst v63  }
0x195: {  	_ =	swait.ge [sflag:s26], $0x800  }
0x196: {  	[sflag:s26] =	ssyncset.done $0x0  }
0x197: {  	[sflag:s26] =	ssyncadd.s32 $0xFFFFF800  }
0x198: {  	_ =	swait.ge [sflag:s26], $0x800  }
0x199: {  	[sflag:s26] =	ssyncset.done $0x0  }
0x19a: {  	[sflag:s26] =	ssyncadd.s32 $0xFFFFF800  }
0x19b: {  	_ =	swait.ge [sflag:s26], $0x2800  }
0x19c: {  	[sflag:s26] =	ssyncset.done $0x0  }
0x19d: {  	[sflag:s26] =	ssyncadd.s32 $0xFFFFD800  }
0x19e: {  	_ =	swait.ge [sflag:s26], $0x2800  }
0x19f: {  	[sflag:s26] =	ssyncset.done $0x0  }
0x1a0: {  	[sflag:s26] =	ssyncadd.s32 $0xFFFFD800  }
0x1a1: {  	_ =	swait.ge [sflag:s26], $0x2800  }
0x1a2: {  	[sflag:s26] =	ssyncset.done $0x0  }
0x1a3: {  	[sflag:s26] =	ssyncadd.s32 $0xFFFFD800  }
0x1a4: {  	s18 =	simm.s32 $0x0;
	_ =	swait.ge [sflag:s26], $0x2800  }
0x1a5: {  	s21 =	simm.s32 $0x13;
	s15 =	simm.s32 $0x3430;
	[sflag:s26] =	ssyncset.done $0x0  }
0x1a6: {  	s14 =	simm.s32 $0x4430;
	s9 =	simm.s32 $0x0;
	[sflag:s26] =	ssyncadd.s32 $0xFFFFD800  }
.LBB2_5:
0x1a7: {  	v0 =	vld [tilespmem:s15+$0xFFFFFFD0]  }
0x1a8: {  	v1 =	vld [tilespmem:s15+$0xFFFFFFE0]  }
0x1a9: {  	v4 =	vld [tilespmem:s14+$0xFFFFFFD0]  }
0x1aa: {  	v5 =	vld [tilespmem:s14+$0xFFFFFFE0]  }
0x1ab: {  	v2 =	vld [tilespmem:s15+$0xFFFFFFF0]  }
0x1ac: {  	v6 =	vld [tilespmem:s14+$0xFFFFFFF0]  }
0x1ad: {  	v3 =	vld [tilespmem:s15+$0x0]  }
0x1ae: {  	v7 =	vld [tilespmem:s14+$0x0]  }
0x1af: {  	v4 =	vmul.f32 v4, v0;
	v5 =	vmul.f32 v5, v1;
	_ =	sdelay $0x1  }
0x1b0: {  	v52 =	vmul.f32 v6, v2;
	v4 =	vadd.f32 v5, v4;
	_ =	sdelay $0x1  }
0x1b1: {  	v53 =	vmul.f32 v7, v3;
	v4 =	vadd.f32 v52, v4;
	_ =	sdelay $0x1  }
0x1b2: {  	v4 =	vadd.f32 v53, v4;
	_ =	sdelay $0x1  }
0x1b3: {  	(xrf2) =	vadd.scan.msk.f32 $0xffff, v4;
	_ =	sdelay $0x5  }
0x1b4: {  	v54 =	vmov s9;
	_ =	sdelay $0x3  }
0x1b5: {  	v55, _, _ =	vpop (xrf2)  }
0x1b6: {  	s10 =	sshra.s32 s18, $0x2;
	[tilespmem:v54+s24+$0x0] =	vst.idx.msk vm0, v55  }
0x1b7: {  	v4 =	vld [tilespmem:s10+$0xEC00]  }
0x1b8: {  	v5 =	vld [tilespmem:s10+$0xEC10];
	_ =	sdelay $0x1  }
0x1b9: {  	v56 =	vld [tilespmem:s10+$0xEC20];
	_ =	sdelay $0x1  }
0x1ba: {  	v57 =	vld [tilespmem:s10+$0xEC30]  }
0x1bb: {  	v4 =	vmul.f32 v4, v0;
	v5 =	vmul.f32 v5, v1;
	_ =	sdelay $0x1  }
0x1bc: {  	v58 =	vmul.f32 v56, v2;
	v4 =	vadd.f32 v5, v4;
	_ =	sdelay $0x1  }
0x1bd: {  	v59 =	vmul.f32 v57, v3;
	v4 =	vadd.f32 v58, v4;
	_ =	sdelay $0x1  }
0x1be: {  	v4 =	vadd.f32 v59, v4;
	_ =	sdelay $0x1  }
0x1bf: {  	(xrf2) =	vadd.scan.msk.f32 $0xffff, v4;
	_ =	sdelay $0x1  }
0x1c0: {  	s11 =	sadd.s32 $0xFFFFFFED, s21  }
0x1c1: {  	v60 =	vmov s11  }
0x1c2: {  	v4 =	vand.u32 $0xFFFFFFFC, v60  }
0x1c3: {  	v4 =	vbroadcast v4, $0x0;
	_ =	sdelay $0x4  }
0x1c4: {  	v61, _, _ =	vpop (xrf2)  }
0x1c5: {  	[tilespmem:v4+s25+$0x0] =	vst.idx.msk vm0, v61  }
0x1c6: {  	v4 =	vld [tilespmem:s10+$0xEC80]  }
0x1c7: {  	v5 =	vld [tilespmem:s10+$0xEC90];
	_ =	sdelay $0x1  }
0x1c8: {  	v62 =	vld [tilespmem:s10+$0xECA0];
	_ =	sdelay $0x1  }
0x1c9: {  	v63 =	vld [tilespmem:s10+$0xECB0]  }
0x1ca: {  	v4 =	vmul.f32 v4, v0;
	v5 =	vmul.f32 v5, v1;
	_ =	sdelay $0x1  }
0x1cb: {  	v8 =	vmul.f32 v62, v2;
	v4 =	vadd.f32 v5, v4;
	_ =	sdelay $0x1  }
0x1cc: {  	v9 =	vmul.f32 v63, v3;
	v4 =	vadd.f32 v8, v4;
	_ =	sdelay $0x1  }
0x1cd: {  	v4 =	vadd.f32 v9, v4;
	_ =	sdelay $0x1  }
0x1ce: {  	(xrf2) =	vadd.scan.msk.f32 $0xffff, v4;
	_ =	sdelay $0x1  }
0x1cf: {  	s11 =	sadd.s32 $0xFFFFFFEE, s21  }
0x1d0: {  	v10 =	vmov s11  }
0x1d1: {  	v4 =	vand.u32 $0xFFFFFFFD, v10  }
0x1d2: {  	v4 =	vbroadcast v4, $0x0;
	_ =	sdelay $0x4  }
0x1d3: {  	v11, _, _ =	vpop (xrf2)  }
0x1d4: {  	[tilespmem:v4+s25+$0x0] =	vst.idx.msk vm0, v11  }
0x1d5: {  	v4 =	vld [tilespmem:s10+$0xED00]  }
0x1d6: {  	v5 =	vld [tilespmem:s10+$0xED10];
	_ =	sdelay $0x1  }
0x1d7: {  	v12 =	vld [tilespmem:s10+$0xED20];
	_ =	sdelay $0x1  }
0x1d8: {  	v13 =	vld [tilespmem:s10+$0xED30]  }
0x1d9: {  	v4 =	vmul.f32 v4, v0;
	v5 =	vmul.f32 v5, v1;
	_ =	sdelay $0x1  }
0x1da: {  	v14 =	vmul.f32 v12, v2;
	v4 =	vadd.f32 v5, v4;
	_ =	sdelay $0x1  }
0x1db: {  	v15 =	vmul.f32 v13, v3;
	v4 =	vadd.f32 v14, v4;
	_ =	sdelay $0x1  }
0x1dc: {  	v4 =	vadd.f32 v15, v4;
	_ =	sdelay $0x1  }
0x1dd: {  	(xrf2) =	vadd.scan.msk.f32 $0xffff, v4;
	_ =	sdelay $0x1  }
0x1de: {  	s11 =	sadd.s32 $0xFFFFFFEF, s21  }
0x1df: {  	v16 =	vmov s11  }
0x1e0: {  	v4 =	vand.u32 $0xFFFFFFFE, v16  }
0x1e1: {  	v4 =	vbroadcast v4, $0x0;
	_ =	sdelay $0x4  }
0x1e2: {  	v17, _, _ =	vpop (xrf2)  }
0x1e3: {  	[tilespmem:v4+s25+$0x0] =	vst.idx.msk vm0, v17  }
0x1e4: {  	v4 =	vld [tilespmem:s10+$0xED80]  }
0x1e5: {  	v5 =	vld [tilespmem:s10+$0xED90];
	_ =	sdelay $0x1  }
0x1e6: {  	v18 =	vld [tilespmem:s10+$0xEDA0];
	_ =	sdelay $0x1  }
0x1e7: {  	v19 =	vld [tilespmem:s10+$0xEDB0]  }
0x1e8: {  	v4 =	vmul.f32 v4, v0;
	v5 =	vmul.f32 v5, v1;
	_ =	sdelay $0x1  }
0x1e9: {  	v20 =	vmul.f32 v18, v2;
	v4 =	vadd.f32 v5, v4;
	_ =	sdelay $0x1  }
0x1ea: {  	v21 =	vmul.f32 v19, v3;
	v4 =	vadd.f32 v20, v4;
	_ =	sdelay $0x1  }
0x1eb: {  	v4 =	vadd.f32 v21, v4;
	_ =	sdelay $0x1  }
0x1ec: {  	(xrf2) =	vadd.scan.msk.f32 $0xffff, v4;
	_ =	sdelay $0x4  }
0x1ed: {  	s11 =	sadd.s32 $0xFFFFFFF0, s21  }
0x1ee: {  	v22 =	vmov s11;
	_ =	sdelay $0x3  }
0x1ef: {  	v23, _, _ =	vpop (xrf2)  }
0x1f0: {  	[tilespmem:v22+s25+$0x0] =	vst.idx.msk vm0, v23  }
0x1f1: {  	v4 =	vld [tilespmem:s10+$0xEE00]  }
0x1f2: {  	v5 =	vld [tilespmem:s10+$0xEE10];
	_ =	sdelay $0x1  }
0x1f3: {  	v24 =	vld [tilespmem:s10+$0xEE20];
	_ =	sdelay $0x1  }
0x1f4: {  	v25 =	vld [tilespmem:s10+$0xEE30]  }
0x1f5: {  	v4 =	vmul.f32 v4, v0;
	v5 =	vmul.f32 v5, v1;
	_ =	sdelay $0x1  }
0x1f6: {  	v26 =	vmul.f32 v24, v2;
	v4 =	vadd.f32 v5, v4;
	_ =	sdelay $0x1  }
0x1f7: {  	v27 =	vmul.f32 v25, v3;
	v4 =	vadd.f32 v26, v4;
	_ =	sdelay $0x1  }
0x1f8: {  	v4 =	vadd.f32 v27, v4;
	_ =	sdelay $0x1  }
0x1f9: {  	(xrf2) =	vadd.scan.msk.f32 $0xffff, v4;
	_ =	sdelay $0x1  }
0x1fa: {  	s11 =	sadd.s32 $0xFFFFFFF1, s21  }
0x1fb: {  	v28 =	vmov s11  }
0x1fc: {  	v4 =	vand.u32 $0xFFFFFFFC, v28  }
0x1fd: {  	v4 =	vbroadcast v4, $0x0;
	_ =	sdelay $0x4  }
0x1fe: {  	v29, _, _ =	vpop (xrf2)  }
0x1ff: {  	[tilespmem:v4+s25+$0x0] =	vst.idx.msk vm0, v29  }
0x200: {  	v4 =	vld [tilespmem:s10+$0xEE80]  }
0x201: {  	v5 =	vld [tilespmem:s10+$0xEE90];
	_ =	sdelay $0x1  }
0x202: {  	v30 =	vld [tilespmem:s10+$0xEEA0];
	_ =	sdelay $0x1  }
0x203: {  	v31 =	vld [tilespmem:s10+$0xEEB0]  }
0x204: {  	v4 =	vmul.f32 v4, v0;
	v5 =	vmul.f32 v5, v1;
	_ =	sdelay $0x1  }
0x205: {  	v32 =	vmul.f32 v30, v2;
	v4 =	vadd.f32 v5, v4;
	_ =	sdelay $0x1  }
0x206: {  	v33 =	vmul.f32 v31, v3;
	v4 =	vadd.f32 v32, v4;
	_ =	sdelay $0x1  }
0x207: {  	v4 =	vadd.f32 v33, v4;
	_ =	sdelay $0x1  }
0x208: {  	(xrf2) =	vadd.scan.msk.f32 $0xffff, v4;
	_ =	sdelay $0x1  }
0x209: {  	s11 =	sadd.s32 $0xFFFFFFF2, s21  }
0x20a: {  	v34 =	vmov s11  }
0x20b: {  	v4 =	vand.u32 $0xFFFFFFFD, v34  }
0x20c: {  	v4 =	vbroadcast v4, $0x0;
	_ =	sdelay $0x4  }
0x20d: {  	v35, _, _ =	vpop (xrf2)  }
0x20e: {  	[tilespmem:v4+s25+$0x0] =	vst.idx.msk vm0, v35  }
0x20f: {  	v4 =	vld [tilespmem:s10+$0xEF00]  }
0x210: {  	v5 =	vld [tilespmem:s10+$0xEF10];
	_ =	sdelay $0x1  }
0x211: {  	v36 =	vld [tilespmem:s10+$0xEF20];
	_ =	sdelay $0x1  }
0x212: {  	v37 =	vld [tilespmem:s10+$0xEF30]  }
0x213: {  	v4 =	vmul.f32 v4, v0;
	v5 =	vmul.f32 v5, v1;
	_ =	sdelay $0x1  }
0x214: {  	v38 =	vmul.f32 v36, v2;
	v4 =	vadd.f32 v5, v4;
	_ =	sdelay $0x1  }
0x215: {  	v39 =	vmul.f32 v37, v3;
	v4 =	vadd.f32 v38, v4;
	_ =	sdelay $0x1  }
0x216: {  	v4 =	vadd.f32 v39, v4;
	_ =	sdelay $0x1  }
0x217: {  	(xrf2) =	vadd.scan.msk.f32 $0xffff, v4;
	_ =	sdelay $0x1  }
0x218: {  	s11 =	sadd.s32 $0xFFFFFFF3, s21  }
0x219: {  	v40 =	vmov s11  }
0x21a: {  	v4 =	vand.u32 $0xFFFFFFFE, v40  }
0x21b: {  	v4 =	vbroadcast v4, $0x0;
	_ =	sdelay $0x4  }
0x21c: {  	v41, _, _ =	vpop (xrf2)  }
0x21d: {  	[tilespmem:v4+s25+$0x0] =	vst.idx.msk vm0, v41  }
0x21e: {  	v4 =	vld [tilespmem:s10+$0xEF80]  }
0x21f: {  	v5 =	vld [tilespmem:s10+$0xEF90];
	_ =	sdelay $0x1  }
0x220: {  	v42 =	vld [tilespmem:s10+$0xEFA0];
	_ =	sdelay $0x1  }
0x221: {  	v43 =	vld [tilespmem:s10+$0xEFB0]  }
0x222: {  	v4 =	vmul.f32 v4, v0;
	v5 =	vmul.f32 v5, v1;
	_ =	sdelay $0x1  }
0x223: {  	v44 =	vmul.f32 v42, v2;
	v4 =	vadd.f32 v5, v4;
	_ =	sdelay $0x1  }
0x224: {  	v45 =	vmul.f32 v43, v3;
	v4 =	vadd.f32 v44, v4;
	_ =	sdelay $0x1  }
0x225: {  	v4 =	vadd.f32 v45, v4;
	_ =	sdelay $0x1  }
0x226: {  	(xrf2) =	vadd.scan.msk.f32 $0xffff, v4;
	_ =	sdelay $0x4  }
0x227: {  	s11 =	sadd.s32 $0xFFFFFFF4, s21  }
0x228: {  	v46 =	vmov s11;
	_ =	sdelay $0x3  }
0x229: {  	v47, _, _ =	vpop (xrf2)  }
0x22a: {  	[tilespmem:v46+s25+$0x0] =	vst.idx.msk vm0, v47  }
0x22b: {  	v4 =	vld [tilespmem:s10+$0xF000]  }
0x22c: {  	v5 =	vld [tilespmem:s10+$0xF010];
	_ =	sdelay $0x1  }
0x22d: {  	v48 =	vld [tilespmem:s10+$0xF020];
	_ =	sdelay $0x1  }
0x22e: {  	v49 =	vld [tilespmem:s10+$0xF030]  }
0x22f: {  	v4 =	vmul.f32 v4, v0;
	v5 =	vmul.f32 v5, v1;
	_ =	sdelay $0x1  }
0x230: {  	v50 =	vmul.f32 v48, v2;
	v4 =	vadd.f32 v5, v4;
	_ =	sdelay $0x1  }
0x231: {  	v51 =	vmul.f32 v49, v3;
	v4 =	vadd.f32 v50, v4;
	_ =	sdelay $0x1  }
0x232: {  	v4 =	vadd.f32 v51, v4;
	_ =	sdelay $0x1  }
0x233: {  	(xrf2) =	vadd.scan.msk.f32 $0xffff, v4;
	_ =	sdelay $0x1  }
0x234: {  	s11 =	sadd.s32 $0xFFFFFFF5, s21  }
0x235: {  	v52 =	vmov s11  }
0x236: {  	v4 =	vand.u32 $0xFFFFFFFC, v52  }
0x237: {  	v4 =	vbroadcast v4, $0x0;
	_ =	sdelay $0x4  }
0x238: {  	v53, _, _ =	vpop (xrf2)  }
0x239: {  	[tilespmem:v4+s25+$0x0] =	vst.idx.msk vm0, v53  }
0x23a: {  	v4 =	vld [tilespmem:s10+$0xF080]  }
0x23b: {  	v5 =	vld [tilespmem:s10+$0xF090];
	_ =	sdelay $0x1  }
0x23c: {  	v54 =	vld [tilespmem:s10+$0xF0A0];
	_ =	sdelay $0x1  }
0x23d: {  	v55 =	vld [tilespmem:s10+$0xF0B0]  }
0x23e: {  	v4 =	vmul.f32 v4, v0;
	v5 =	vmul.f32 v5, v1;
	_ =	sdelay $0x1  }
0x23f: {  	v56 =	vmul.f32 v54, v2;
	v4 =	vadd.f32 v5, v4;
	_ =	sdelay $0x1  }
0x240: {  	v57 =	vmul.f32 v55, v3;
	v4 =	vadd.f32 v56, v4;
	_ =	sdelay $0x1  }
0x241: {  	v4 =	vadd.f32 v57, v4;
	_ =	sdelay $0x1  }
0x242: {  	(xrf2) =	vadd.scan.msk.f32 $0xffff, v4;
	_ =	sdelay $0x1  }
0x243: {  	s11 =	sadd.s32 $0xFFFFFFF6, s21  }
0x244: {  	v58 =	vmov s11  }
0x245: {  	v4 =	vand.u32 $0xFFFFFFFD, v58  }
0x246: {  	v4 =	vbroadcast v4, $0x0;
	_ =	sdelay $0x4  }
0x247: {  	v59, _, _ =	vpop (xrf2)  }
0x248: {  	[tilespmem:v4+s25+$0x0] =	vst.idx.msk vm0, v59  }
0x249: {  	v4 =	vld [tilespmem:s10+$0xF100]  }
0x24a: {  	v5 =	vld [tilespmem:s10+$0xF110];
	_ =	sdelay $0x1  }
0x24b: {  	v60 =	vld [tilespmem:s10+$0xF120];
	_ =	sdelay $0x1  }
0x24c: {  	v61 =	vld [tilespmem:s10+$0xF130]  }
0x24d: {  	v4 =	vmul.f32 v4, v0;
	v5 =	vmul.f32 v5, v1;
	_ =	sdelay $0x1  }
0x24e: {  	v62 =	vmul.f32 v60, v2;
	v4 =	vadd.f32 v5, v4;
	_ =	sdelay $0x1  }
0x24f: {  	v63 =	vmul.f32 v61, v3;
	v4 =	vadd.f32 v62, v4;
	_ =	sdelay $0x1  }
0x250: {  	v4 =	vadd.f32 v63, v4;
	_ =	sdelay $0x1  }
0x251: {  	(xrf2) =	vadd.scan.msk.f32 $0xffff, v4;
	_ =	sdelay $0x1  }
0x252: {  	s11 =	sadd.s32 $0xFFFFFFF7, s21  }
0x253: {  	v8 =	vmov s11  }
0x254: {  	v4 =	vand.u32 $0xFFFFFFFE, v8  }
0x255: {  	v4 =	vbroadcast v4, $0x0;
	_ =	sdelay $0x4  }
0x256: {  	v9, _, _ =	vpop (xrf2)  }
0x257: {  	[tilespmem:v4+s25+$0x0] =	vst.idx.msk vm0, v9  }
0x258: {  	v4 =	vld [tilespmem:s10+$0xF180]  }
0x259: {  	v5 =	vld [tilespmem:s10+$0xF190];
	_ =	sdelay $0x1  }
0x25a: {  	v10 =	vld [tilespmem:s10+$0xF1A0];
	_ =	sdelay $0x1  }
0x25b: {  	v11 =	vld [tilespmem:s10+$0xF1B0]  }
0x25c: {  	v4 =	vmul.f32 v4, v0;
	v5 =	vmul.f32 v5, v1;
	_ =	sdelay $0x1  }
0x25d: {  	v12 =	vmul.f32 v10, v2;
	v4 =	vadd.f32 v5, v4;
	_ =	sdelay $0x1  }
0x25e: {  	v13 =	vmul.f32 v11, v3;
	v4 =	vadd.f32 v12, v4;
	_ =	sdelay $0x1  }
0x25f: {  	v4 =	vadd.f32 v13, v4;
	_ =	sdelay $0x1  }
0x260: {  	(xrf2) =	vadd.scan.msk.f32 $0xffff, v4;
	_ =	sdelay $0x4  }
0x261: {  	s11 =	sadd.s32 $0xFFFFFFF8, s21  }
0x262: {  	v14 =	vmov s11;
	_ =	sdelay $0x3  }
0x263: {  	v15, _, _ =	vpop (xrf2)  }
0x264: {  	[tilespmem:v14+s25+$0x0] =	vst.idx.msk vm0, v15  }
0x265: {  	v4 =	vld [tilespmem:s10+$0xF200]  }
0x266: {  	v5 =	vld [tilespmem:s10+$0xF210];
	_ =	sdelay $0x1  }
0x267: {  	v16 =	vld [tilespmem:s10+$0xF220];
	_ =	sdelay $0x1  }
0x268: {  	v17 =	vld [tilespmem:s10+$0xF230]  }
0x269: {  	v4 =	vmul.f32 v4, v0;
	v5 =	vmul.f32 v5, v1;
	_ =	sdelay $0x1  }
0x26a: {  	v18 =	vmul.f32 v16, v2;
	v4 =	vadd.f32 v5, v4;
	_ =	sdelay $0x1  }
0x26b: {  	v19 =	vmul.f32 v17, v3;
	v4 =	vadd.f32 v18, v4;
	_ =	sdelay $0x1  }
0x26c: {  	v4 =	vadd.f32 v19, v4;
	_ =	sdelay $0x1  }
0x26d: {  	(xrf2) =	vadd.scan.msk.f32 $0xffff, v4;
	_ =	sdelay $0x1  }
0x26e: {  	s11 =	sadd.s32 $0xFFFFFFF9, s21  }
0x26f: {  	v20 =	vmov s11  }
0x270: {  	v4 =	vand.u32 $0xFFFFFFFC, v20  }
0x271: {  	v4 =	vbroadcast v4, $0x0;
	_ =	sdelay $0x4  }
0x272: {  	v21, _, _ =	vpop (xrf2)  }
0x273: {  	[tilespmem:v4+s25+$0x0] =	vst.idx.msk vm0, v21  }
0x274: {  	v4 =	vld [tilespmem:s10+$0xF280]  }
0x275: {  	v5 =	vld [tilespmem:s10+$0xF290];
	_ =	sdelay $0x1  }
0x276: {  	v22 =	vld [tilespmem:s10+$0xF2A0];
	_ =	sdelay $0x1  }
0x277: {  	v23 =	vld [tilespmem:s10+$0xF2B0]  }
0x278: {  	v4 =	vmul.f32 v4, v0;
	v5 =	vmul.f32 v5, v1;
	_ =	sdelay $0x1  }
0x279: {  	v24 =	vmul.f32 v22, v2;
	v4 =	vadd.f32 v5, v4;
	_ =	sdelay $0x1  }
0x27a: {  	v25 =	vmul.f32 v23, v3;
	v4 =	vadd.f32 v24, v4;
	_ =	sdelay $0x1  }
0x27b: {  	v4 =	vadd.f32 v25, v4;
	_ =	sdelay $0x1  }
0x27c: {  	(xrf2) =	vadd.scan.msk.f32 $0xffff, v4;
	_ =	sdelay $0x1  }
0x27d: {  	s11 =	sadd.s32 $0xFFFFFFFA, s21  }
0x27e: {  	v26 =	vmov s11  }
0x27f: {  	v4 =	vand.u32 $0xFFFFFFFD, v26  }
0x280: {  	v4 =	vbroadcast v4, $0x0;
	_ =	sdelay $0x4  }
0x281: {  	v27, _, _ =	vpop (xrf2)  }
0x282: {  	[tilespmem:v4+s25+$0x0] =	vst.idx.msk vm0, v27  }
0x283: {  	v4 =	vld [tilespmem:s10+$0xF300]  }
0x284: {  	v5 =	vld [tilespmem:s10+$0xF310];
	_ =	sdelay $0x1  }
0x285: {  	v28 =	vld [tilespmem:s10+$0xF320];
	_ =	sdelay $0x1  }
0x286: {  	v29 =	vld [tilespmem:s10+$0xF330]  }
0x287: {  	v4 =	vmul.f32 v4, v0;
	v5 =	vmul.f32 v5, v1;
	_ =	sdelay $0x1  }
0x288: {  	v30 =	vmul.f32 v28, v2;
	v4 =	vadd.f32 v5, v4;
	_ =	sdelay $0x1  }
0x289: {  	v31 =	vmul.f32 v29, v3;
	v4 =	vadd.f32 v30, v4;
	_ =	sdelay $0x1  }
0x28a: {  	v4 =	vadd.f32 v31, v4;
	_ =	sdelay $0x1  }
0x28b: {  	(xrf2) =	vadd.scan.msk.f32 $0xffff, v4;
	_ =	sdelay $0x1  }
0x28c: {  	s11 =	sadd.s32 $0xFFFFFFFB, s21  }
0x28d: {  	v32 =	vmov s11  }
0x28e: {  	v4 =	vand.u32 $0xFFFFFFFE, v32  }
0x28f: {  	v4 =	vbroadcast v4, $0x0;
	_ =	sdelay $0x4  }
0x290: {  	v33, _, _ =	vpop (xrf2)  }
0x291: {  	[tilespmem:v4+s25+$0x0] =	vst.idx.msk vm0, v33  }
0x292: {  	v4 =	vld [tilespmem:s10+$0xF380]  }
0x293: {  	v5 =	vld [tilespmem:s10+$0xF390];
	_ =	sdelay $0x1  }
0x294: {  	v34 =	vld [tilespmem:s10+$0xF3A0];
	_ =	sdelay $0x1  }
0x295: {  	v35 =	vld [tilespmem:s10+$0xF3B0]  }
0x296: {  	v4 =	vmul.f32 v4, v0;
	v5 =	vmul.f32 v5, v1;
	_ =	sdelay $0x1  }
0x297: {  	v36 =	vmul.f32 v34, v2;
	v4 =	vadd.f32 v5, v4;
	_ =	sdelay $0x1  }
0x298: {  	v37 =	vmul.f32 v35, v3;
	v4 =	vadd.f32 v36, v4;
	_ =	sdelay $0x1  }
0x299: {  	v4 =	vadd.f32 v37, v4;
	_ =	sdelay $0x1  }
0x29a: {  	(xrf2) =	vadd.scan.msk.f32 $0xffff, v4;
	_ =	sdelay $0x4  }
0x29b: {  	s11 =	sadd.s32 $0xFFFFFFFC, s21  }
0x29c: {  	v38 =	vmov s11;
	_ =	sdelay $0x3  }
0x29d: {  	v39, _, _ =	vpop (xrf2)  }
0x29e: {  	[tilespmem:v38+s25+$0x0] =	vst.idx.msk vm0, v39  }
0x29f: {  	v4 =	vld [tilespmem:s10+$0xF400]  }
0x2a0: {  	v5 =	vld [tilespmem:s10+$0xF410];
	_ =	sdelay $0x1  }
0x2a1: {  	v40 =	vld [tilespmem:s10+$0xF420];
	_ =	sdelay $0x1  }
0x2a2: {  	v41 =	vld [tilespmem:s10+$0xF430]  }
0x2a3: {  	v4 =	vmul.f32 v4, v0;
	v5 =	vmul.f32 v5, v1;
	_ =	sdelay $0x1  }
0x2a4: {  	v42 =	vmul.f32 v40, v2;
	v4 =	vadd.f32 v5, v4;
	_ =	sdelay $0x1  }
0x2a5: {  	v43 =	vmul.f32 v41, v3;
	v4 =	vadd.f32 v42, v4;
	_ =	sdelay $0x1  }
0x2a6: {  	v4 =	vadd.f32 v43, v4;
	_ =	sdelay $0x1  }
0x2a7: {  	(xrf2) =	vadd.scan.msk.f32 $0xffff, v4;
	_ =	sdelay $0x1  }
0x2a8: {  	s11 =	sadd.s32 $0xFFFFFFFD, s21  }
0x2a9: {  	v44 =	vmov s11  }
0x2aa: {  	v4 =	vand.u32 $0xFFFFFFFC, v44  }
0x2ab: {  	v4 =	vbroadcast v4, $0x0;
	_ =	sdelay $0x4  }
0x2ac: {  	v45, _, _ =	vpop (xrf2)  }
0x2ad: {  	[tilespmem:v4+s25+$0x0] =	vst.idx.msk vm0, v45  }
0x2ae: {  	v4 =	vld [tilespmem:s10+$0xF480]  }
0x2af: {  	v5 =	vld [tilespmem:s10+$0xF490];
	_ =	sdelay $0x1  }
0x2b0: {  	v46 =	vld [tilespmem:s10+$0xF4A0];
	_ =	sdelay $0x1  }
0x2b1: {  	v47 =	vld [tilespmem:s10+$0xF4B0]  }
0x2b2: {  	v4 =	vmul.f32 v4, v0;
	v5 =	vmul.f32 v5, v1;
	_ =	sdelay $0x1  }
0x2b3: {  	v48 =	vmul.f32 v46, v2;
	v4 =	vadd.f32 v5, v4;
	_ =	sdelay $0x1  }
0x2b4: {  	v49 =	vmul.f32 v47, v3;
	v4 =	vadd.f32 v48, v4;
	_ =	sdelay $0x1  }
0x2b5: {  	v4 =	vadd.f32 v49, v4;
	_ =	sdelay $0x1  }
0x2b6: {  	(xrf2) =	vadd.scan.msk.f32 $0xffff, v4;
	_ =	sdelay $0x1  }
0x2b7: {  	s11 =	sadd.s32 $0xFFFFFFFE, s21  }
0x2b8: {  	v50 =	vmov s11  }
0x2b9: {  	v4 =	vand.u32 $0xFFFFFFFD, v50  }
0x2ba: {  	v4 =	vbroadcast v4, $0x0;
	_ =	sdelay $0x4  }
0x2bb: {  	v51, _, _ =	vpop (xrf2)  }
0x2bc: {  	[tilespmem:v4+s25+$0x0] =	vst.idx.msk vm0, v51  }
0x2bd: {  	v4 =	vld [tilespmem:s10+$0xF500]  }
0x2be: {  	v5 =	vld [tilespmem:s10+$0xF510];
	_ =	sdelay $0x1  }
0x2bf: {  	v52 =	vld [tilespmem:s10+$0xF520];
	_ =	sdelay $0x1  }
0x2c0: {  	v53 =	vld [tilespmem:s10+$0xF530]  }
0x2c1: {  	v4 =	vmul.f32 v4, v0;
	v5 =	vmul.f32 v5, v1;
	_ =	sdelay $0x1  }
0x2c2: {  	v54 =	vmul.f32 v52, v2;
	v4 =	vadd.f32 v5, v4;
	_ =	sdelay $0x1  }
0x2c3: {  	v55 =	vmul.f32 v53, v3;
	v4 =	vadd.f32 v54, v4;
	_ =	sdelay $0x1  }
0x2c4: {  	v4 =	vadd.f32 v55, v4;
	_ =	sdelay $0x1  }
0x2c5: {  	(xrf2) =	vadd.scan.msk.f32 $0xffff, v4;
	_ =	sdelay $0x1  }
0x2c6: {  	s11 =	sadd.s32 $0xFFFFFFFF, s21  }
0x2c7: {  	v56 =	vmov s11  }
0x2c8: {  	v4 =	vand.u32 $0xFFFFFFFE, v56  }
0x2c9: {  	v4 =	vbroadcast v4, $0x0;
	_ =	sdelay $0x4  }
0x2ca: {  	v57, _, _ =	vpop (xrf2)  }
0x2cb: {  	[tilespmem:v4+s25+$0x0] =	vst.idx.msk vm0, v57  }
0x2cc: {  	v4 =	vld [tilespmem:s10+$0xF580]  }
0x2cd: {  	v5 =	vld [tilespmem:s10+$0xF590];
	_ =	sdelay $0x1  }
0x2ce: {  	v58 =	vld [tilespmem:s10+$0xF5A0];
	_ =	sdelay $0x1  }
0x2cf: {  	v59 =	vld [tilespmem:s10+$0xF5B0]  }
0x2d0: {  	v0 =	vmul.f32 v4, v0;
	v1 =	vmul.f32 v5, v1;
	_ =	sdelay $0x1  }
0x2d1: {  	v60 =	vmul.f32 v58, v2;
	v0 =	vadd.f32 v1, v0;
	_ =	sdelay $0x1  }
0x2d2: {  	v61 =	vmul.f32 v59, v3;
	v0 =	vadd.f32 v60, v0;
	_ =	sdelay $0x1  }
0x2d3: {  	v0 =	vadd.f32 v61, v0;
	_ =	sdelay $0x1  }
0x2d4: {  	(xrf2) =	vadd.scan.msk.f32 $0xffff, v0;
	_ =	sdelay $0x5  }
0x2d5: {  	p1 =	sne.s32 s18, $0x25800;
	v62 =	vmov s21  }
.Ltmp3:
0x2d6: {  	_ = 	snop;
	(pc) =	sbr.rel @p1 .LBB2_5-.Ltmp3, $3  }
0x2d7: {  	_ =	sdelay $0x1  }
0x2d8: {  	s9 =	sadd.s32 $0x1, s9;
	s14 =	sadd.s32 $0x80, s14;
	v63, _, _ =	vpop (xrf2)  }
0x2d9: {  	s15 =	sadd.s32 $0x80, s15;
	s18 =	sadd.s32 $0x2800, s18;
	s21 =	sadd.s32 $0x14, s21;
	[tilespmem:v62+s25+$0x0] =	vst.idx.msk vm0, v63  }
0x2da: {  	s9 =	sor.u32 $0x1, s0  }
0x2db: {  	s10 =	sshll.u32 s9, $0x4  }
0x2dc: {  	s10 =	sadd.s32 s8, s10  }
0x2dd: {  	s10 =	sshrl.u32 s10, $0x3  }
0x2de: {  	s9 =	smul.u32 $0x140, s9;
	s10 =	sadd.s32 s6, s10  }
0x2df: {  	[hbm4b:s10+s3] =	stream.linear.scatter [tilespmem:s24], [sflag:$0x3], $0x10, $0x38;
	[tilespmem:$0x18D50] =	vst v63  }
0x2e0: {  	s9 =	sadd.s32 s2, s9;
	_ =	swait.ge [sflag:s13], $0x10  }
0x2e1: {  	s9 =	sshrl.u32 s9, $0x3;
	[sflag:s13] =	ssyncset.done $0x0  }
.Ltmp4:
0x2e2: {  	s9 =	sadd.s32 s7, s9;
	[sflag:s13] =	ssyncadd.s32 $0xFFFFFFF0;
	(pc) =	sbr.rel @p0 .LBB2_8-.Ltmp4, $4  }
0x2e3: {  	[hbm4b:s9+s3] =	stream.linear.scatter [tilespmem:s25], [sflag:$0x3], $0x140, $0x38;
	[tilespmem:$0x18D50] =	vst v63  }
0x2e4: {  	_ =	swait.ge [sflag:s13], $0x140  }
0x2e5: {  	[sflag:s13] =	ssyncset.done $0x0  }
0x2e6: {  	[sflag:s13] =	ssyncadd.s32 $0xFFFFFEC0  }
0x2e7: {  	s0 =	sadd.s32 $0x3, s0  }
0x2e8: {  	s9 =	sshll.u32 s0, $0x4;
	s0 =	smul.u32 $0x500, s0  }
0x2e9: {  	[tilespmem:s28], [sflag:$0x2] =	stream.indirect.gather [hbm4b:s4+s16], $0x80, s9, s16, $0xb8;
	[tilespmem:$0x18D50] =	vst v63  }
0x2ea: {  	s9 =	sadd.s32 $0x200, s9;
	s0 =	sshra.s32 s0, $0x2  }
0x2eb: {  	[tilespmem:s30], [sflag:$0x2] =	stream.indirect.gather [hbm4b:s5+s16], $0x80, s9, s16, $0xb8;
	[tilespmem:$0x18D50] =	vst v63  }
0x2ec: {  	s15 =	sadd.s32 $0x400, s0  }
0x2ed: {  	[tilespmem:s1], [sflag:$0x2] =	stream.indirect.gather [hbm4b:s5+s19], $0x80, s15, s19, $0xb8;
	[tilespmem:$0x18D50] =	vst v63  }
0x2ee: {  	s18 =	sadd.s32 $0x450, s0  }
0x2ef: {  	[tilespmem:s17], [sflag:$0x2] =	stream.indirect.gather [hbm4b:s5+s19], $0x80, s18, s19, $0xb8;
	[tilespmem:$0x18D50] =	vst v63  }
.Ltmp5:
0x2f0: {  	_ = 	snop;
	(pc) =	sbr.rel .LBB2_2-.Ltmp5, $4  }
0x2f1: {  	s21 =	sadd.s32 $0x4A0, s0  }
0x2f2: {  	[tilespmem:s20], [sflag:$0x2] =	stream.indirect.gather [hbm4b:s5+s19], $0x80, s21, s19, $0xb8;
	[tilespmem:$0x18D50] =	vst v63  }
0x2f3: {  	s31 =	sadd.s32 $0x1, s31;
	s0 =	sadd.s32 $0x4F0, s0  }
0x2f4: {  	[tilespmem:s22], [sflag:$0x2] =	stream.indirect.gather [hbm4b:s5+s19], $0x80, s0, s19, $0xb8;
	[tilespmem:$0x18D50] =	vst v63  }
.LBB2_9:
0x2f5: {  	_ =	sfence.sel $0x180000  }
0x2f6: {  	[bflag:$0x0] =	sbarrier.arrive $0xFFFF  }
0x2f7: {  	_ =	strace $0x90000047  }
0x2f8: {  	s0 =	stileid.u32;
	[bflag:$0x2] =	sbarrier.arrive $0xFFFF  }
0x2f9: {  	p0 =	sne.s32 s0, $0x0;
	s0 =	rddreg [dreg:$0x3]  }
0x2fa: {  	s0 =	sadd.s32 @!p0 $0x100000, s0  }
0x2fb: {  	[sflag:s0] =	ssyncadd.tile.s32 @!p0 $0x1;
	_ =	shalt  }
.Lfunc_end2:
_tile_overlayer_lowered:
.L_overlay_start_2:
0x2fc: {  	(tag) =	ssettag $0x2  }
0x2fd: {  	s0 =	rddreg [dreg:$0x0];
	s2 =	stileid.u32  }
0x2fe: {  	s1 =	rddreg [dreg:$0x1];
	p0 =	sne.s32 s2, $0x0  }
0x2ff: {  	s3 =	rddreg [dreg:$0x2];
	[bflag:$0x3] =	sbarrier.arrive $0xFFFF;
	s2 =	simm.s32 @!p0 $0x1C03  }
0x300: {  	[timem:s3], [sflag:s2] =	dma.local @!p0 [hbm:s0], s1  }
0x301: {  	s0 =	simm.s32 @!p0 $0x3  }
0x302: {  	_ =	swait.ge @!p0 [sflag:s0], s1  }
0x303: {  	s1 =	ssub.s32 @!p0 $0x0, s1;
	[sflag:s0] =	ssyncset.done @!p0 $0x0  }
0x304: {  	[sflag:s0] =	ssyncadd.s32 @!p0 s1  }
0x305: {  	[bflag:$0x3] =	sbarrier.arrive $0xFFFF  }
0x306: {  	_ =	shalt  }

</sc_bundles>
